<compile_context>
chip_gen: v7x
topology: tpu7x:2x2x1
jax: 0.10.2.dev20260603
libtpu: 0.0.44.dev20260713+nightly
codegen_flags: <defaults>
</compile_context>

<pallas_src>
import functools

import jax
import jax.numpy as jnp
from jax import lax
from jax.experimental import pallas as pl
from jax.experimental.pallas import tpu as pltpu
from jax.experimental.pallas import tpu_sc as plsc

N_EMB = 32
GRP = 16


def _gmf_kernel(b_per_w, users_hbm, items_hbm, utabT_hbm, itabT_hbm,
                w_hbm, b_hbm, out_hbm,
                idx_u_v, idx_i_v, ring, packed_u, w_v, b_v, out_v, sem):
    wid = lax.axis_index("s") * 2 + lax.axis_index("c")
    base = wid * b_per_w
    n_grp = b_per_w // GRP

    pltpu.sync_copy(users_hbm.at[pl.ds(base, b_per_w)],
                    idx_u_v.at[pl.ds(0, b_per_w)])
    pltpu.sync_copy(items_hbm.at[pl.ds(base, b_per_w)],
                    idx_i_v.at[pl.ds(0, b_per_w)])
    pltpu.sync_copy(w_hbm, w_v)
    pltpu.sync_copy(b_hbm, b_v)

    lane = lax.iota(jnp.int32, 16)
    e_ids = [jnp.full((16,), e, jnp.int32) for e in range(N_EMB)]
    w_cols = [w_v[e, :] for e in range(N_EMB)]
    b_vec = b_v[...]

    def fetch_blocks(g, idx_ref, tab_hbm):
        copies = []
        for jj in range(GRP):
            r = idx_ref[pl.ds(g * GRP + jj, 16)][0]
            c0 = pl.multiple_of((r >> 7) << 7, 128)
            copies.append(pltpu.async_copy(
                tab_hbm.at[:, pl.ds(c0, 128)], ring.at[jj], sem))
        for c in copies:
            c.wait()

    def user_body(g, _):
        fetch_blocks(g, idx_u_v, utabT_hbm)
        o_vec = idx_u_v[pl.ds(g * GRP, 16)] & 127
        for e in range(N_EMB):
            col = plsc.load_gather(ring, [lane, e_ids[e], o_vec])
            packed_u[e, pl.ds(g * GRP, 16)] = col
        return 0

    lax.fori_loop(0, n_grp, user_body, 0)

    def item_body(g, _):
        fetch_blocks(g, idx_i_v, itabT_hbm)
        o_vec = idx_i_v[pl.ds(g * GRP, 16)] & 127
        acc = jnp.zeros((16,), jnp.float32)
        for e in range(N_EMB):
            i_col = plsc.load_gather(ring, [lane, e_ids[e], o_vec])
            acc = acc + packed_u[e, pl.ds(g * GRP, 16)] * i_col * w_cols[e]
        logit = acc + b_vec
        out_v[pl.ds(g * GRP, 16)] = 1.0 / (1.0 + jnp.exp(-logit))
        return 0

    lax.fori_loop(0, n_grp, item_body, 0)

    pltpu.sync_copy(out_v, out_hbm.at[pl.ds(base, b_per_w)])


def kernel(users, items, user_table, item_table, W, b):
    batch = users.shape[0]
    info = plsc.get_sparse_core_info()
    nw = info.num_cores * info.num_subcores
    b_per_w = batch // nw

    utabT = user_table.T
    itabT = item_table.T
    w_bcast = jnp.broadcast_to(W.reshape(N_EMB, 1), (N_EMB, 16))
    b16 = jnp.broadcast_to(b, (16,))

    mesh = plsc.VectorSubcoreMesh(core_axis_name="c", subcore_axis_name="s")
    run = functools.partial(
        pl.kernel,
        mesh=mesh,
        out_type=jax.ShapeDtypeStruct((batch,), jnp.float32),
        compiler_params=pltpu.CompilerParams(
            needs_layout_passes=False, use_tc_tiling_on_sc=True),
        scratch_types=[
            pltpu.VMEM((b_per_w + 16,), jnp.int32),
            pltpu.VMEM((b_per_w + 16,), jnp.int32),
            pltpu.VMEM((GRP, N_EMB, 128), jnp.float32),
            pltpu.VMEM((N_EMB, b_per_w), jnp.float32),
            pltpu.VMEM((N_EMB, 16), jnp.float32),
            pltpu.VMEM((16,), jnp.float32),
            pltpu.VMEM((b_per_w,), jnp.float32),
            pltpu.SemaphoreType.DMA,
        ],
    )(functools.partial(_gmf_kernel, b_per_w))

    out = run(users, items, utabT, itabT, w_bcast, b16)
    return out.reshape(batch, 1)

# --- scband reference (transcript-rebuilt; emitter-appended) ---
"""Pipeline reference for scband-gmf-19310172962823 (READ-ONLY COPY).

The authoritative reference and input builder live on the scoring server;
editing this copy changes nothing except your own understanding.
"""

import jax, jax.numpy as jnp
import numpy as np

N_USER = 1000000
N_ITEM = 1000000
N_EMB = 32
BATCH = 16384

def setup_inputs(seed: int = 0) -> dict:
    key = jax.random.key(seed)
    k1, k2, k3, k4, k5, k6 = jax.random.split(key, 6)
    users = jax.random.randint(k1, (BATCH,), 0, N_USER, dtype=jnp.int64) if jax.config.jax_enable_x64 else jax.random.randint(k1, (BATCH,), 0, N_USER, dtype=jnp.int32)
    items = jax.random.randint(k2, (BATCH,), 0, N_ITEM, dtype=jnp.int32)
    users = users.astype(jnp.int32)
    # embeddings init: normal_ -> standard normal
    user_table = jax.random.normal(k3, (N_USER, N_EMB), dtype=jnp.float32)
    item_table = jax.random.normal(k4, (N_ITEM, N_EMB), dtype=jnp.float32)
    # linear init: uniform_ on weight (0,1); bias default uniform(-1/sqrt(fan_in), 1/sqrt(fan_in))
    W = jax.random.uniform(k5, (1, N_EMB), dtype=jnp.float32)
    bound = 1.0 / np.sqrt(N_EMB)
    b = jax.random.uniform(k6, (1,), dtype=jnp.float32, minval=-bound, maxval=bound)
    return {"users": users, "items": items, "user_table": user_table, "item_table": item_table, "W": W, "b": b}

def reference(users, items, user_table, item_table, W, b):
    user_emb = jnp.take(user_table, users, axis=0)   # [B, n_emb]
    item_emb = jnp.take(item_table, items, axis=0)   # [B, n_emb]
    prod = user_emb * item_emb                        # [B, n_emb]
    logits = prod @ W.T + b                           # [B, 1]
    preds = jax.nn.sigmoid(logits)
    return preds

if __name__ == "__main__":
    import jax
    _d = setup_inputs()
    print(jax.jit(kernel)(*tuple(_d.values())))

</pallas_src>

<mosaic_0001>
#map = affine_map<(d0, d1) -> (0)>
#map1 = affine_map<(d0, d1) -> (0, 0)>
module attributes {stable_mosaic.version = 14 : i64} {
  func.func @_gmf_kernel(%arg0: i32, %arg1: i32, %arg2: memref<16384xi32, #tpu.memory_space<hbm>>, %arg3: memref<16384xi32, #tpu.memory_space<hbm>>, %arg4: memref<32x1000000xf32, #tpu.memory_space<hbm>>, %arg5: memref<32x1000000xf32, #tpu.memory_space<hbm>>, %arg6: memref<32x16xf32, #tpu.memory_space<hbm>>, %arg7: memref<16xf32, #tpu.memory_space<hbm>>, %arg8: memref<16384xf32, #tpu.memory_space<hbm>>, %arg9: memref<528xi32, #tpu.memory_space<vmem>>, %arg10: memref<528xi32, #tpu.memory_space<vmem>>, %arg11: memref<16x32x128xf32, #tpu.memory_space<vmem>>, %arg12: memref<32x512xf32, #tpu.memory_space<vmem>>, %arg13: memref<32x16xf32, #tpu.memory_space<vmem>>, %arg14: memref<16xf32, #tpu.memory_space<vmem>>, %arg15: memref<512xf32, #tpu.memory_space<vmem>>, %arg16: memref<!tpu.dma_semaphore, #tpu.memory_space<semaphore_mem>>) attributes {dimension_semantics = [#tpu.dimension_semantics<core_parallel>, #tpu.dimension_semantics<subcore_parallel>], iteration_bounds = array<i64: 2, 16>, scalar_prefetch = 0 : i64, scratch_operands = 8 : i64, tpu.core_type = #tpu.core_type<sc_vector_subcore>, window_params = [{transform_indices = #map}, {transform_indices = #map}, {transform_indices = #map1}, {transform_indices = #map1}, {transform_indices = #map1}, {transform_indices = #map}, {transform_indices = #map}]} {
    %mul3A = arith.constant 2 : i32
    %mul3A_0 = arith.muli %arg1, %mul3A : i32
    %add3A = arith.addi %mul3A_0, %arg0 : i32
    %mul3A_1 = arith.constant 512 : i32
    %mul3A_2 = arith.muli %add3A, %mul3A_1 : i32
    "tpu.region"() ({
      %run_scoped3A = tpu.sem_alloc : memref<!tpu.dma_semaphore, #tpu.memory_space<semaphore_mem>>
      %dma_start3A = arith.constant 0 : i32
      %dma_start3A_208 = tpu.memref_slice %arg9[%dma_start3A] : memref<528xi32, #tpu.memory_space<vmem>> -> memref<512xi32, #tpu.memory_space<vmem>>
      %dma_start3A_209 = tpu.memref_slice %arg2[%mul3A_2] : memref<16384xi32, #tpu.memory_space<hbm>> -> memref<512xi32, #tpu.memory_space<hbm>>
      %dma_start3A_210 = arith.constant 0 : i32
      %dma_start3A_211 = tpu.memref_slice %arg9[%dma_start3A_210] : memref<528xi32, #tpu.memory_space<vmem>> -> memref<512xi32, #tpu.memory_space<vmem>>
      %dma_start3A_212 = tpu.memref_slice %arg2[%mul3A_2] : memref<16384xi32, #tpu.memory_space<hbm>> -> memref<512xi32, #tpu.memory_space<hbm>>
      tpu.enqueue_dma source(%dma_start3A_212 : memref<512xi32, #tpu.memory_space<hbm>>) target(%dma_start3A_211 : memref<512xi32, #tpu.memory_space<vmem>>) target_semaphore(%run_scoped3A : memref<!tpu.dma_semaphore, #tpu.memory_space<semaphore_mem>>)
      %dma_wait3A = arith.constant 0 : i32
      %dma_wait3A_213 = tpu.memref_slice %arg9[%dma_wait3A] : memref<528xi32, #tpu.memory_space<vmem>> -> memref<512xi32, #tpu.memory_space<vmem>>
      %dma_wait3A_214 = tpu.memref_slice %arg2[%mul3A_2] : memref<16384xi32, #tpu.memory_space<hbm>> -> memref<512xi32, #tpu.memory_space<hbm>>
      %dma_wait3A_215 = arith.constant 0 : i32
      %dma_wait3A_216 = tpu.memref_slice %arg9[%dma_wait3A_215] : memref<528xi32, #tpu.memory_space<vmem>> -> memref<512xi32, #tpu.memory_space<vmem>>
      %dma_wait3A_217 = tpu.memref_slice %arg2[%mul3A_2] : memref<16384xi32, #tpu.memory_space<hbm>> -> memref<512xi32, #tpu.memory_space<hbm>>
      tpu.wait_dma2 semaphore(%run_scoped3A : memref<!tpu.dma_semaphore, #tpu.memory_space<semaphore_mem>>) src(%dma_wait3A_217 : memref<512xi32, #tpu.memory_space<hbm>>) dst(%dma_wait3A_216 : memref<512xi32, #tpu.memory_space<vmem>>)
      tpu.yield
    }) : () -> ()
    "tpu.region"() ({
      %run_scoped3A = tpu.sem_alloc : memref<!tpu.dma_semaphore, #tpu.memory_space<semaphore_mem>>
      %dma_start3A = arith.constant 0 : i32
      %dma_start3A_208 = tpu.memref_slice %arg10[%dma_start3A] : memref<528xi32, #tpu.memory_space<vmem>> -> memref<512xi32, #tpu.memory_space<vmem>>
      %dma_start3A_209 = tpu.memref_slice %arg3[%mul3A_2] : memref<16384xi32, #tpu.memory_space<hbm>> -> memref<512xi32, #tpu.memory_space<hbm>>
      %dma_start3A_210 = arith.constant 0 : i32
      %dma_start3A_211 = tpu.memref_slice %arg10[%dma_start3A_210] : memref<528xi32, #tpu.memory_space<vmem>> -> memref<512xi32, #tpu.memory_space<vmem>>
      %dma_start3A_212 = tpu.memref_slice %arg3[%mul3A_2] : memref<16384xi32, #tpu.memory_space<hbm>> -> memref<512xi32, #tpu.memory_space<hbm>>
      tpu.enqueue_dma source(%dma_start3A_212 : memref<512xi32, #tpu.memory_space<hbm>>) target(%dma_start3A_211 : memref<512xi32, #tpu.memory_space<vmem>>) target_semaphore(%run_scoped3A : memref<!tpu.dma_semaphore, #tpu.memory_space<semaphore_mem>>)
      %dma_wait3A = arith.constant 0 : i32
      %dma_wait3A_213 = tpu.memref_slice %arg10[%dma_wait3A] : memref<528xi32, #tpu.memory_space<vmem>> -> memref<512xi32, #tpu.memory_space<vmem>>
      %dma_wait3A_214 = tpu.memref_slice %arg3[%mul3A_2] : memref<16384xi32, #tpu.memory_space<hbm>> -> memref<512xi32, #tpu.memory_space<hbm>>
      %dma_wait3A_215 = arith.constant 0 : i32
      %dma_wait3A_216 = tpu.memref_slice %arg10[%dma_wait3A_215] : memref<528xi32, #tpu.memory_space<vmem>> -> memref<512xi32, #tpu.memory_space<vmem>>
      %dma_wait3A_217 = tpu.memref_slice %arg3[%mul3A_2] : memref<16384xi32, #tpu.memory_space<hbm>> -> memref<512xi32, #tpu.memory_space<hbm>>
      tpu.wait_dma2 semaphore(%run_scoped3A : memref<!tpu.dma_semaphore, #tpu.memory_space<semaphore_mem>>) src(%dma_wait3A_217 : memref<512xi32, #tpu.memory_space<hbm>>) dst(%dma_wait3A_216 : memref<512xi32, #tpu.memory_space<vmem>>)
      tpu.yield
    }) : () -> ()
    "tpu.region"() ({
      %run_scoped3A = tpu.sem_alloc : memref<!tpu.dma_semaphore, #tpu.memory_space<semaphore_mem>>
      tpu.enqueue_dma source(%arg6 : memref<32x16xf32, #tpu.memory_space<hbm>>) target(%arg13 : memref<32x16xf32, #tpu.memory_space<vmem>>) target_semaphore(%run_scoped3A : memref<!tpu.dma_semaphore, #tpu.memory_space<semaphore_mem>>)
      tpu.wait_dma2 semaphore(%run_scoped3A : memref<!tpu.dma_semaphore, #tpu.memory_space<semaphore_mem>>) src(%arg6 : memref<32x16xf32, #tpu.memory_space<hbm>>) dst(%arg13 : memref<32x16xf32, #tpu.memory_space<vmem>>)
      tpu.yield
    }) : () -> ()
    "tpu.region"() ({
      %run_scoped3A = tpu.sem_alloc : memref<!tpu.dma_semaphore, #tpu.memory_space<semaphore_mem>>
      tpu.enqueue_dma source(%arg7 : memref<16xf32, #tpu.memory_space<hbm>>) target(%arg14 : memref<16xf32, #tpu.memory_space<vmem>>) target_semaphore(%run_scoped3A : memref<!tpu.dma_semaphore, #tpu.memory_space<semaphore_mem>>)
      tpu.wait_dma2 semaphore(%run_scoped3A : memref<!tpu.dma_semaphore, #tpu.memory_space<semaphore_mem>>) src(%arg7 : memref<16xf32, #tpu.memory_space<hbm>>) dst(%arg14 : memref<16xf32, #tpu.memory_space<vmem>>)
      tpu.yield
    }) : () -> ()
    %iota3A = tpu.iota {dimensions = array<i32: 0>} : vector<16xi32>
    %broadcast_in_dim3A = arith.constant 0 : i32
    %broadcast_in_dim3A_3 = vector.broadcast %broadcast_in_dim3A : i32 to vector<16xi32>
    %broadcast_in_dim3A_4 = arith.constant 1 : i32
    %broadcast_in_dim3A_5 = vector.broadcast %broadcast_in_dim3A_4 : i32 to vector<16xi32>
    %broadcast_in_dim3A_6 = arith.constant 2 : i32
    %broadcast_in_dim3A_7 = vector.broadcast %broadcast_in_dim3A_6 : i32 to vector<16xi32>
    %broadcast_in_dim3A_8 = arith.constant 3 : i32
    %broadcast_in_dim3A_9 = vector.broadcast %broadcast_in_dim3A_8 : i32 to vector<16xi32>
    %broadcast_in_dim3A_10 = arith.constant 4 : i32
    %broadcast_in_dim3A_11 = vector.broadcast %broadcast_in_dim3A_10 : i32 to vector<16xi32>
    %broadcast_in_dim3A_12 = arith.constant 5 : i32
    %broadcast_in_dim3A_13 = vector.broadcast %broadcast_in_dim3A_12 : i32 to vector<16xi32>
    %broadcast_in_dim3A_14 = arith.constant 6 : i32
    %broadcast_in_dim3A_15 = vector.broadcast %broadcast_in_dim3A_14 : i32 to vector<16xi32>
    %broadcast_in_dim3A_16 = arith.constant 7 : i32
    %broadcast_in_dim3A_17 = vector.broadcast %broadcast_in_dim3A_16 : i32 to vector<16xi32>
    %broadcast_in_dim3A_18 = arith.constant 8 : i32
    %broadcast_in_dim3A_19 = vector.broadcast %broadcast_in_dim3A_18 : i32 to vector<16xi32>
    %broadcast_in_dim3A_20 = arith.constant 9 : i32
    %broadcast_in_dim3A_21 = vector.broadcast %broadcast_in_dim3A_20 : i32 to vector<16xi32>
    %broadcast_in_dim3A_22 = arith.constant 10 : i32
    %broadcast_in_dim3A_23 = vector.broadcast %broadcast_in_dim3A_22 : i32 to vector<16xi32>
    %broadcast_in_dim3A_24 = arith.constant 11 : i32
    %broadcast_in_dim3A_25 = vector.broadcast %broadcast_in_dim3A_24 : i32 to vector<16xi32>
    %broadcast_in_dim3A_26 = arith.constant 12 : i32
    %broadcast_in_dim3A_27 = vector.broadcast %broadcast_in_dim3A_26 : i32 to vector<16xi32>
    %broadcast_in_dim3A_28 = arith.constant 13 : i32
    %broadcast_in_dim3A_29 = vector.broadcast %broadcast_in_dim3A_28 : i32 to vector<16xi32>
    %broadcast_in_dim3A_30 = arith.constant 14 : i32
    %broadcast_in_dim3A_31 = vector.broadcast %broadcast_in_dim3A_30 : i32 to vector<16xi32>
    %broadcast_in_dim3A_32 = arith.constant 15 : i32
    %broadcast_in_dim3A_33 = vector.broadcast %broadcast_in_dim3A_32 : i32 to vector<16xi32>
    %broadcast_in_dim3A_34 = arith.constant 16 : i32
    %broadcast_in_dim3A_35 = vector.broadcast %broadcast_in_dim3A_34 : i32 to vector<16xi32>
    %broadcast_in_dim3A_36 = arith.constant 17 : i32
    %broadcast_in_dim3A_37 = vector.broadcast %broadcast_in_dim3A_36 : i32 to vector<16xi32>
    %broadcast_in_dim3A_38 = arith.constant 18 : i32
    %broadcast_in_dim3A_39 = vector.broadcast %broadcast_in_dim3A_38 : i32 to vector<16xi32>
    %broadcast_in_dim3A_40 = arith.constant 19 : i32
    %broadcast_in_dim3A_41 = vector.broadcast %broadcast_in_dim3A_40 : i32 to vector<16xi32>
    %broadcast_in_dim3A_42 = arith.constant 20 : i32
    %broadcast_in_dim3A_43 = vector.broadcast %broadcast_in_dim3A_42 : i32 to vector<16xi32>
    %broadcast_in_dim3A_44 = arith.constant 21 : i32
    %broadcast_in_dim3A_45 = vector.broadcast %broadcast_in_dim3A_44 : i32 to vector<16xi32>
    %broadcast_in_dim3A_46 = arith.constant 22 : i32
    %broadcast_in_dim3A_47 = vector.broadcast %broadcast_in_dim3A_46 : i32 to vector<16xi32>
    %broadcast_in_dim3A_48 = arith.constant 23 : i32
    %broadcast_in_dim3A_49 = vector.broadcast %broadcast_in_dim3A_48 : i32 to vector<16xi32>
    %broadcast_in_dim3A_50 = arith.constant 24 : i32
    %broadcast_in_dim3A_51 = vector.broadcast %broadcast_in_dim3A_50 : i32 to vector<16xi32>
    %broadcast_in_dim3A_52 = arith.constant 25 : i32
    %broadcast_in_dim3A_53 = vector.broadcast %broadcast_in_dim3A_52 : i32 to vector<16xi32>
    %broadcast_in_dim3A_54 = arith.constant 26 : i32
    %broadcast_in_dim3A_55 = vector.broadcast %broadcast_in_dim3A_54 : i32 to vector<16xi32>
    %broadcast_in_dim3A_56 = arith.constant 27 : i32
    %broadcast_in_dim3A_57 = vector.broadcast %broadcast_in_dim3A_56 : i32 to vector<16xi32>
    %broadcast_in_dim3A_58 = arith.constant 28 : i32
    %broadcast_in_dim3A_59 = vector.broadcast %broadcast_in_dim3A_58 : i32 to vector<16xi32>
    %broadcast_in_dim3A_60 = arith.constant 29 : i32
    %broadcast_in_dim3A_61 = vector.broadcast %broadcast_in_dim3A_60 : i32 to vector<16xi32>
    %broadcast_in_dim3A_62 = arith.constant 30 : i32
    %broadcast_in_dim3A_63 = vector.broadcast %broadcast_in_dim3A_62 : i32 to vector<16xi32>
    %broadcast_in_dim3A_64 = arith.constant 31 : i32
    %broadcast_in_dim3A_65 = vector.broadcast %broadcast_in_dim3A_64 : i32 to vector<16xi32>
    %get3A = arith.constant 0 : i32
    %get3A_66 = arith.index_cast %get3A : i32 to index
    %get3A_67 = arith.constant 0 : index
    %get3A_68 = tpu.vector_load %arg13[%get3A_66, %get3A_67] {strides = array<i32>} : memref<32x16xf32, #tpu.memory_space<vmem>>, vector<16xf32>,
    %get3A_69 = arith.constant 1 : i32
    %get3A_70 = arith.index_cast %get3A_69 : i32 to index
    %get3A_71 = arith.constant 0 : index
    %get3A_72 = tpu.vector_load %arg13[%get3A_70, %get3A_71] {strides = array<i32>} : memref<32x16xf32, #tpu.memory_space<vmem>>, vector<16xf32>,
    %get3A_73 = arith.constant 2 : i32
    %get3A_74 = arith.index_cast %get3A_73 : i32 to index
    %get3A_75 = arith.constant 0 : index
    %get3A_76 = tpu.vector_load %arg13[%get3A_74, %get3A_75] {strides = array<i32>} : memref<32x16xf32, #tpu.memory_space<vmem>>, vector<16xf32>,
    %get3A_77 = arith.constant 3 : i32
    %get3A_78 = arith.index_cast %get3A_77 : i32 to index
    %get3A_79 = arith.constant 0 : index
    %get3A_80 = tpu.vector_load %arg13[%get3A_78, %get3A_79] {strides = array<i32>} : memref<32x16xf32, #tpu.memory_space<vmem>>, vector<16xf32>,
    %get3A_81 = arith.constant 4 : i32
    %get3A_82 = arith.index_cast %get3A_81 : i32 to index
    %get3A_83 = arith.constant 0 : index
    %get3A_84 = tpu.vector_load %arg13[%get3A_82, %get3A_83] {strides = array<i32>} : memref<32x16xf32, #tpu.memory_space<vmem>>, vector<16xf32>,
    %get3A_85 = arith.constant 5 : i32
    %get3A_86 = arith.index_cast %get3A_85 : i32 to index
    %get3A_87 = arith.constant 0 : index
    %get3A_88 = tpu.vector_load %arg13[%get3A_86, %get3A_87] {strides = array<i32>} : memref<32x16xf32, #tpu.memory_space<vmem>>, vector<16xf32>,
    %get3A_89 = arith.constant 6 : i32
    %get3A_90 = arith.index_cast %get3A_89 : i32 to index
    %get3A_91 = arith.constant 0 : index
    %get3A_92 = tpu.vector_load %arg13[%get3A_90, %get3A_91] {strides = array<i32>} : memref<32x16xf32, #tpu.memory_space<vmem>>, vector<16xf32>,
    %get3A_93 = arith.constant 7 : i32
    %get3A_94 = arith.index_cast %get3A_93 : i32 to index
    %get3A_95 = arith.constant 0 : index
    %get3A_96 = tpu.vector_load %arg13[%get3A_94, %get3A_95] {strides = array<i32>} : memref<32x16xf32, #tpu.memory_space<vmem>>, vector<16xf32>,
    %get3A_97 = arith.constant 8 : i32
    %get3A_98 = arith.index_cast %get3A_97 : i32 to index
    %get3A_99 = arith.constant 0 : index
    %get3A_100 = tpu.vector_load %arg13[%get3A_98, %get3A_99] {strides = array<i32>} : memref<32x16xf32, #tpu.memory_space<vmem>>, vector<16xf32>,
    %get3A_101 = arith.constant 9 : i32
    %get3A_102 = arith.index_cast %get3A_101 : i32 to index
    %get3A_103 = arith.constant 0 : index
    %get3A_104 = tpu.vector_load %arg13[%get3A_102, %get3A_103] {strides = array<i32>} : memref<32x16xf32, #tpu.memory_space<vmem>>, vector<16xf32>,
    %get3A_105 = arith.constant 10 : i32
    %get3A_106 = arith.index_cast %get3A_105 : i32 to index
    %get3A_107 = arith.constant 0 : index
    %get3A_108 = tpu.vector_load %arg13[%get3A_106, %get3A_107] {strides = array<i32>} : memref<32x16xf32, #tpu.memory_space<vmem>>, vector<16xf32>,
    %get3A_109 = arith.constant 11 : i32
    %get3A_110 = arith.index_cast %get3A_109 : i32 to index
    %get3A_111 = arith.constant 0 : index
    %get3A_112 = tpu.vector_load %arg13[%get3A_110, %get3A_111] {strides = array<i32>} : memref<32x16xf32, #tpu.memory_space<vmem>>, vector<16xf32>,
    %get3A_113 = arith.constant 12 : i32
    %get3A_114 = arith.index_cast %get3A_113 : i32 to index
    %get3A_115 = arith.constant 0 : index
    %get3A_116 = tpu.vector_load %arg13[%get3A_114, %get3A_115] {strides = array<i32>} : memref<32x16xf32, #tpu.memory_space<vmem>>, vector<16xf32>,
    %get3A_117 = arith.constant 13 : i32
    %get3A_118 = arith.index_cast %get3A_117 : i32 to index
    %get3A_119 = arith.constant 0 : index
    %get3A_120 = tpu.vector_load %arg13[%get3A_118, %get3A_119] {strides = array<i32>} : memref<32x16xf32, #tpu.memory_space<vmem>>, vector<16xf32>,
    %get3A_121 = arith.constant 14 : i32
    %get3A_122 = arith.index_cast %get3A_121 : i32 to index
    %get3A_123 = arith.constant 0 : index
    %get3A_124 = tpu.vector_load %arg13[%get3A_122, %get3A_123] {strides = array<i32>} : memref<32x16xf32, #tpu.memory_space<vmem>>, vector<16xf32>,
    %get3A_125 = arith.constant 15 : i32
    %get3A_126 = arith.index_cast %get3A_125 : i32 to index
    %get3A_127 = arith.constant 0 : index
    %get3A_128 = tpu.vector_load %arg13[%get3A_126, %get3A_127] {strides = array<i32>} : memref<32x16xf32, #tpu.memory_space<vmem>>, vector<16xf32>,
    %get3A_129 = arith.constant 16 : i32
    %get3A_130 = arith.index_cast %get3A_129 : i32 to index
    %get3A_131 = arith.constant 0 : index
    %get3A_132 = tpu.vector_load %arg13[%get3A_130, %get3A_131] {strides = array<i32>} : memref<32x16xf32, #tpu.memory_space<vmem>>, vector<16xf32>,
    %get3A_133 = arith.constant 17 : i32
    %get3A_134 = arith.index_cast %get3A_133 : i32 to index
    %get3A_135 = arith.constant 0 : index
    %get3A_136 = tpu.vector_load %arg13[%get3A_134, %get3A_135] {strides = array<i32>} : memref<32x16xf32, #tpu.memory_space<vmem>>, vector<16xf32>,
    %get3A_137 = arith.constant 18 : i32
    %get3A_138 = arith.index_cast %get3A_137 : i32 to index
    %get3A_139 = arith.constant 0 : index
    %get3A_140 = tpu.vector_load %arg13[%get3A_138, %get3A_139] {strides = array<i32>} : memref<32x16xf32, #tpu.memory_space<vmem>>, vector<16xf32>,
    %get3A_141 = arith.constant 19 : i32
    %get3A_142 = arith.index_cast %get3A_141 : i32 to index
    %get3A_143 = arith.constant 0 : index
    %get3A_144 = tpu.vector_load %arg13[%get3A_142, %get3A_143] {strides = array<i32>} : memref<32x16xf32, #tpu.memory_space<vmem>>, vector<16xf32>,
    %get3A_145 = arith.constant 20 : i32
    %get3A_146 = arith.index_cast %get3A_145 : i32 to index
    %get3A_147 = arith.constant 0 : index
    %get3A_148 = tpu.vector_load %arg13[%get3A_146, %get3A_147] {strides = array<i32>} : memref<32x16xf32, #tpu.memory_space<vmem>>, vector<16xf32>,
    %get3A_149 = arith.constant 21 : i32
    %get3A_150 = arith.index_cast %get3A_149 : i32 to index
    %get3A_151 = arith.constant 0 : index
    %get3A_152 = tpu.vector_load %arg13[%get3A_150, %get3A_151] {strides = array<i32>} : memref<32x16xf32, #tpu.memory_space<vmem>>, vector<16xf32>,
    %get3A_153 = arith.constant 22 : i32
    %get3A_154 = arith.index_cast %get3A_153 : i32 to index
    %get3A_155 = arith.constant 0 : index
    %get3A_156 = tpu.vector_load %arg13[%get3A_154, %get3A_155] {strides = array<i32>} : memref<32x16xf32, #tpu.memory_space<vmem>>, vector<16xf32>,
    %get3A_157 = arith.constant 23 : i32
    %get3A_158 = arith.index_cast %get3A_157 : i32 to index
    %get3A_159 = arith.constant 0 : index
    %get3A_160 = tpu.vector_load %arg13[%get3A_158, %get3A_159] {strides = array<i32>} : memref<32x16xf32, #tpu.memory_space<vmem>>, vector<16xf32>,
    %get3A_161 = arith.constant 24 : i32
    %get3A_162 = arith.index_cast %get3A_161 : i32 to index
    %get3A_163 = arith.constant 0 : index
    %get3A_164 = tpu.vector_load %arg13[%get3A_162, %get3A_163] {strides = array<i32>} : memref<32x16xf32, #tpu.memory_space<vmem>>, vector<16xf32>,
    %get3A_165 = arith.constant 25 : i32
    %get3A_166 = arith.index_cast %get3A_165 : i32 to index
    %get3A_167 = arith.constant 0 : index
    %get3A_168 = tpu.vector_load %arg13[%get3A_166, %get3A_167] {strides = array<i32>} : memref<32x16xf32, #tpu.memory_space<vmem>>, vector<16xf32>,
    %get3A_169 = arith.constant 26 : i32
    %get3A_170 = arith.index_cast %get3A_169 : i32 to index
    %get3A_171 = arith.constant 0 : index
    %get3A_172 = tpu.vector_load %arg13[%get3A_170, %get3A_171] {strides = array<i32>} : memref<32x16xf32, #tpu.memory_space<vmem>>, vector<16xf32>,
    %get3A_173 = arith.constant 27 : i32
    %get3A_174 = arith.index_cast %get3A_173 : i32 to index
    %get3A_175 = arith.constant 0 : index
    %get3A_176 = tpu.vector_load %arg13[%get3A_174, %get3A_175] {strides = array<i32>} : memref<32x16xf32, #tpu.memory_space<vmem>>, vector<16xf32>,
    %get3A_177 = arith.constant 28 : i32
    %get3A_178 = arith.index_cast %get3A_177 : i32 to index
    %get3A_179 = arith.constant 0 : index
    %get3A_180 = tpu.vector_load %arg13[%get3A_178, %get3A_179] {strides = array<i32>} : memref<32x16xf32, #tpu.memory_space<vmem>>, vector<16xf32>,
    %get3A_181 = arith.constant 29 : i32
    %get3A_182 = arith.index_cast %get3A_181 : i32 to index
    %get3A_183 = arith.constant 0 : index
    %get3A_184 = tpu.vector_load %arg13[%get3A_182, %get3A_183] {strides = array<i32>} : memref<32x16xf32, #tpu.memory_space<vmem>>, vector<16xf32>,
    %get3A_185 = arith.constant 30 : i32
    %get3A_186 = arith.index_cast %get3A_185 : i32 to index
    %get3A_187 = arith.constant 0 : index
    %get3A_188 = tpu.vector_load %arg13[%get3A_186, %get3A_187] {strides = array<i32>} : memref<32x16xf32, #tpu.memory_space<vmem>>, vector<16xf32>,
    %get3A_189 = arith.constant 31 : i32
    %get3A_190 = arith.index_cast %get3A_189 : i32 to index
    %get3A_191 = arith.constant 0 : index
    %get3A_192 = tpu.vector_load %arg13[%get3A_190, %get3A_191] {strides = array<i32>} : memref<32x16xf32, #tpu.memory_space<vmem>>, vector<16xf32>,
    %get3A_193 = arith.constant 0 : index
    %get3A_194 = tpu.vector_load %arg14[%get3A_193] {strides = array<i32>} : memref<16xf32, #tpu.memory_space<vmem>>, vector<16xf32>,
    %scan3A = arith.constant 0 : i32
    %scan3A_195 = arith.constant 0 : i32
    %scan3A_196 = arith.constant 32 : i32
    %scan3A_197 = arith.addi %scan3A_195, %scan3A_196 : i32
    %scan3A_198 = arith.constant 1 : i32
    %scan3A_199 = scf.for %scan3A_208 = %scan3A_195 to %scan3A_197 step %scan3A_198 iter_args(%scan3A_209 = %scan3A) -> (i32)  : i32 {
      %mul3A_210 = arith.constant 16 : i32
      %mul3A_211 = arith.muli %scan3A_208, %mul3A_210 : i32
      %add3A_212 = arith.constant 0 : i32
      %add3A_213 = arith.addi %mul3A_211, %add3A_212 : i32
      %get3A_214 = arith.index_cast %add3A_213 : i32 to index
      %get3A_215 = tpu.vector_load %arg9[%get3A_214] {strides = array<i32>} : memref<528xi32, #tpu.memory_space<vmem>>, vector<16xi32>,
      %slice3A = vector.extract_strided_slice %get3A_215 {offsets = [0], sizes = [1], strides = [1]} : vector<16xi32> to vector<1xi32>
      %squeeze3A = vector.extract %slice3A[0] : i32 from vector<1xi32>
      %shift_right_arithmetic3A = arith.constant 7 : i32
      %shift_right_arithmetic3A_216 = arith.shrsi %squeeze3A, %shift_right_arithmetic3A : i32
      %shift_left3A = arith.constant 7 : i32
      %shift_left3A_217 = arith.shli %shift_right_arithmetic3A_216, %shift_left3A : i32
      %multiple_of3A = tpu.assume_multiple %shift_left3A_217, 128 : i32
      %dma_start3A = arith.constant 0 : i32
      %dma_start3A_218 = arith.constant 0 : i32
      %dma_start3A_219 = arith.constant 0 : i32
      %dma_start3A_220 = tpu.memref_slice %arg11[%dma_start3A, %dma_start3A_218, %dma_start3A_219] : memref<16x32x128xf32, #tpu.memory_space<vmem>> -> memref<1x32x128xf32, #tpu.memory_space<vmem>>
      %dma_start3A_221 = tpu.memref_squeeze %dma_start3A_220 : memref<1x32x128xf32, #tpu.memory_space<vmem>> -> memref<32x128xf32, #tpu.memory_space<vmem>>
      %dma_start3A_222 = arith.constant 0 : i32
      %dma_start3A_223 = tpu.memref_slice %arg4[%dma_start3A_222, %multiple_of3A] : memref<32x1000000xf32, #tpu.memory_space<hbm>> -> memref<32x128xf32, #tpu.memory_space<hbm>>
      %dma_start3A_224 = arith.constant 0 : i32
      %dma_start3A_225 = arith.constant 0 : i32
      %dma_start3A_226 = tpu.memref_slice %arg11[%dma_start3A, %dma_start3A_224, %dma_start3A_225] : memref<16x32x128xf32, #tpu.memory_space<vmem>> -> memref<1x32x128xf32, #tpu.memory_space<vmem>>
      %dma_start3A_227 = tpu.memref_squeeze %dma_start3A_226 : memref<1x32x128xf32, #tpu.memory_space<vmem>> -> memref<32x128xf32, #tpu.memory_space<vmem>>
      %dma_start3A_228 = arith.constant 0 : i32
      %dma_start3A_229 = tpu.memref_slice %arg4[%dma_start3A_228, %multiple_of3A] : memref<32x1000000xf32, #tpu.memory_space<hbm>> -> memref<32x128xf32, #tpu.memory_space<hbm>>
      tpu.enqueue_dma source(%dma_start3A_229 : memref<32x128xf32, #tpu.memory_space<hbm>>) target(%dma_start3A_227 : memref<32x128xf32, #tpu.memory_space<vmem>>) target_semaphore(%arg16 : memref<!tpu.dma_semaphore, #tpu.memory_space<semaphore_mem>>)
      %mul3A_230 = arith.constant 16 : i32
      %mul3A_231 = arith.muli %scan3A_208, %mul3A_230 : i32
      %add3A_232 = arith.constant 1 : i32
      %add3A_233 = arith.addi %mul3A_231, %add3A_232 : i32
      %get3A_234 = arith.index_cast %add3A_233 : i32 to index
      %get3A_235 = tpu.vector_load %arg9[%get3A_234] {strides = array<i32>} : memref<528xi32, #tpu.memory_space<vmem>>, vector<16xi32>,
      %slice3A_236 = vector.extract_strided_slice %get3A_235 {offsets = [0], sizes = [1], strides = [1]} : vector<16xi32> to vector<1xi32>
      %squeeze3A_237 = vector.extract %slice3A_236[0] : i32 from vector<1xi32>
      %shift_right_arithmetic3A_238 = arith.constant 7 : i32
      %shift_right_arithmetic3A_239 = arith.shrsi %squeeze3A_237, %shift_right_arithmetic3A_238 : i32
      %shift_left3A_240 = arith.constant 7 : i32
      %shift_left3A_241 = arith.shli %shift_right_arithmetic3A_239, %shift_left3A_240 : i32
      %multiple_of3A_242 = tpu.assume_multiple %shift_left3A_241, 128 : i32
      %dma_start3A_243 = arith.constant 1 : i32
      %dma_start3A_244 = arith.constant 0 : i32
      %dma_start3A_245 = arith.constant 0 : i32
      %dma_start3A_246 = tpu.memref_slice %arg11[%dma_start3A_243, %dma_start3A_244, %dma_start3A_245] : memref<16x32x128xf32, #tpu.memory_space<vmem>> -> memref<1x32x128xf32, #tpu.memory_space<vmem>>
      %dma_start3A_247 = tpu.memref_squeeze %dma_start3A_246 : memref<1x32x128xf32, #tpu.memory_space<vmem>> -> memref<32x128xf32, #tpu.memory_space<vmem>>
      %dma_start3A_248 = arith.constant 0 : i32
      %dma_start3A_249 = tpu.memref_slice %arg4[%dma_start3A_248, %multiple_of3A_242] : memref<32x1000000xf32, #tpu.memory_space<hbm>> -> memref<32x128xf32, #tpu.memory_space<hbm>>
      %dma_start3A_250 = arith.constant 0 : i32
      %dma_start3A_251 = arith.constant 0 : i32
      %dma_start3A_252 = tpu.memref_slice %arg11[%dma_start3A_243, %dma_start3A_250, %dma_start3A_251] : memref<16x32x128xf32, #tpu.memory_space<vmem>> -> memref<1x32x128xf32, #tpu.memory_space<vmem>>
      %dma_start3A_253 = tpu.memref_squeeze %dma_start3A_252 : memref<1x32x128xf32, #tpu.memory_space<vmem>> -> memref<32x128xf32, #tpu.memory_space<vmem>>
      %dma_start3A_254 = arith.constant 0 : i32
      %dma_start3A_255 = tpu.memref_slice %arg4[%dma_start3A_254, %multiple_of3A_242] : memref<32x1000000xf32, #tpu.memory_space<hbm>> -> memref<32x128xf32, #tpu.memory_space<hbm>>
      tpu.enqueue_dma source(%dma_start3A_255 : memref<32x128xf32, #tpu.memory_space<hbm>>) target(%dma_start3A_253 : memref<32x128xf32, #tpu.memory_space<vmem>>) target_semaphore(%arg16 : memref<!tpu.dma_semaphore, #tpu.memory_space<semaphore_mem>>)
      %mul3A_256 = arith.constant 16 : i32
      %mul3A_257 = arith.muli %scan3A_208, %mul3A_256 : i32
      %add3A_258 = arith.constant 2 : i32
      %add3A_259 = arith.addi %mul3A_257, %add3A_258 : i32
      %get3A_260 = arith.index_cast %add3A_259 : i32 to index
      %get3A_261 = tpu.vector_load %arg9[%get3A_260] {strides = array<i32>} : memref<528xi32, #tpu.memory_space<vmem>>, vector<16xi32>,
      %slice3A_262 = vector.extract_strided_slice %get3A_261 {offsets = [0], sizes = [1], strides = [1]} : vector<16xi32> to vector<1xi32>
      %squeeze3A_263 = vector.extract %slice3A_262[0] : i32 from vector<1xi32>
      %shift_right_arithmetic3A_264 = arith.constant 7 : i32
      %shift_right_arithmetic3A_265 = arith.shrsi %squeeze3A_263, %shift_right_arithmetic3A_264 : i32
      %shift_left3A_266 = arith.constant 7 : i32
      %shift_left3A_267 = arith.shli %shift_right_arithmetic3A_265, %shift_left3A_266 : i32
      %multiple_of3A_268 = tpu.assume_multiple %shift_left3A_267, 128 : i32
      %dma_start3A_269 = arith.constant 2 : i32
      %dma_start3A_270 = arith.constant 0 : i32
      %dma_start3A_271 = arith.constant 0 : i32
      %dma_start3A_272 = tpu.memref_slice %arg11[%dma_start3A_269, %dma_start3A_270, %dma_start3A_271] : memref<16x32x128xf32, #tpu.memory_space<vmem>> -> memref<1x32x128xf32, #tpu.memory_space<vmem>>
      %dma_start3A_273 = tpu.memref_squeeze %dma_start3A_272 : memref<1x32x128xf32, #tpu.memory_space<vmem>> -> memref<32x128xf32, #tpu.memory_space<vmem>>
      %dma_start3A_274 = arith.constant 0 : i32
      %dma_start3A_275 = tpu.memref_slice %arg4[%dma_start3A_274, %multiple_of3A_268] : memref<32x1000000xf32, #tpu.memory_space<hbm>> -> memref<32x128xf32, #tpu.memory_space<hbm>>
      %dma_start3A_276 = arith.constant 0 : i32
      %dma_start3A_277 = arith.constant 0 : i32
      %dma_start3A_278 = tpu.memref_slice %arg11[%dma_start3A_269, %dma_start3A_276, %dma_start3A_277] : memref<16x32x128xf32, #tpu.memory_space<vmem>> -> memref<1x32x128xf32, #tpu.memory_space<vmem>>
      %dma_start3A_279 = tpu.memref_squeeze %dma_start3A_278 : memref<1x32x128xf32, #tpu.memory_space<vmem>> -> memref<32x128xf32, #tpu.memory_space<vmem>>
      %dma_start3A_280 = arith.constant 0 : i32
      %dma_start3A_281 = tpu.memref_slice %arg4[%dma_start3A_280, %multiple_of3A_268] : memref<32x1000000xf32, #tpu.memory_space<hbm>> -> memref<32x128xf32, #tpu.memory_space<hbm>>
      tpu.enqueue_dma source(%dma_start3A_281 : memref<32x128xf32, #tpu.memory_space<hbm>>) target(%dma_start3A_279 : memref<32x128xf32, #tpu.memory_space<vmem>>) target_semaphore(%arg16 : memref<!tpu.dma_semaphore, #tpu.memory_space<semaphore_mem>>)
      %mul3A_282 = arith.constant 16 : i32
      %mul3A_283 = arith.muli %scan3A_208, %mul3A_282 : i32
      %add3A_284 = arith.constant 3 : i32
      %add3A_285 = arith.addi %mul3A_283, %add3A_284 : i32
      %get3A_286 = arith.index_cast %add3A_285 : i32 to index
      %get3A_287 = tpu.vector_load %arg9[%get3A_286] {strides = array<i32>} : memref<528xi32, #tpu.memory_space<vmem>>, vector<16xi32>,
      %slice3A_288 = vector.extract_strided_slice %get3A_287 {offsets = [0], sizes = [1], strides = [1]} : vector<16xi32> to vector<1xi32>
      %squeeze3A_289 = vector.extract %slice3A_288[0] : i32 from vector<1xi32>
      %shift_right_arithmetic3A_290 = arith.constant 7 : i32
      %shift_right_arithmetic3A_291 = arith.shrsi %squeeze3A_289, %shift_right_arithmetic3A_290 : i32
      %shift_left3A_292 = arith.constant 7 : i32
      %shift_left3A_293 = arith.shli %shift_right_arithmetic3A_291, %shift_left3A_292 : i32
      %multiple_of3A_294 = tpu.assume_multiple %shift_left3A_293, 128 : i32
      %dma_start3A_295 = arith.constant 3 : i32
      %dma_start3A_296 = arith.constant 0 : i32
      %dma_start3A_297 = arith.constant 0 : i32
      %dma_start3A_298 = tpu.memref_slice %arg11[%dma_start3A_295, %dma_start3A_296, %dma_start3A_297] : memref<16x32x128xf32, #tpu.memory_space<vmem>> -> memref<1x32x128xf32, #tpu.memory_space<vmem>>
      %dma_start3A_299 = tpu.memref_squeeze %dma_start3A_298 : memref<1x32x128xf32, #tpu.memory_space<vmem>> -> memref<32x128xf32, #tpu.memory_space<vmem>>
      %dma_start3A_300 = arith.constant 0 : i32
      %dma_start3A_301 = tpu.memref_slice %arg4[%dma_start3A_300, %multiple_of3A_294] : memref<32x1000000xf32, #tpu.memory_space<hbm>> -> memref<32x128xf32, #tpu.memory_space<hbm>>
      %dma_start3A_302 = arith.constant 0 : i32
      %dma_start3A_303 = arith.constant 0 : i32
      %dma_start3A_304 = tpu.memref_slice %arg11[%dma_start3A_295, %dma_start3A_302, %dma_start3A_303] : memref<16x32x128xf32, #tpu.memory_space<vmem>> -> memref<1x32x128xf32, #tpu.memory_space<vmem>>
      %dma_start3A_305 = tpu.memref_squeeze %dma_start3A_304 : memref<1x32x128xf32, #tpu.memory_space<vmem>> -> memref<32x128xf32, #tpu.memory_space<vmem>>
      %dma_start3A_306 = arith.constant 0 : i32
      %dma_start3A_307 = tpu.memref_slice %arg4[%dma_start3A_306, %multiple_of3A_294] : memref<32x1000000xf32, #tpu.memory_space<hbm>> -> memref<32x128xf32, #tpu.memory_space<hbm>>
      tpu.enqueue_dma source(%dma_start3A_307 : memref<32x128xf32, #tpu.memory_space<hbm>>) target(%dma_start3A_305 : memref<32x128xf32, #tpu.memory_space<vmem>>) target_semaphore(%arg16 : memref<!tpu.dma_semaphore, #tpu.memory_space<semaphore_mem>>)
      %mul3A_308 = arith.constant 16 : i32
      %mul3A_309 = arith.muli %scan3A_208, %mul3A_308 : i32
      %add3A_310 = arith.constant 4 : i32
      %add3A_311 = arith.addi %mul3A_309, %add3A_310 : i32
      %get3A_312 = arith.index_cast %add3A_311 : i32 to index
      %get3A_313 = tpu.vector_load %arg9[%get3A_312] {strides = array<i32>} : memref<528xi32, #tpu.memory_space<vmem>>, vector<16xi32>,
      %slice3A_314 = vector.extract_strided_slice %get3A_313 {offsets = [0], sizes = [1], strides = [1]} : vector<16xi32> to vector<1xi32>
      %squeeze3A_315 = vector.extract %slice3A_314[0] : i32 from vector<1xi32>
      %shift_right_arithmetic3A_316 = arith.constant 7 : i32
      %shift_right_arithmetic3A_317 = arith.shrsi %squeeze3A_315, %shift_right_arithmetic3A_316 : i32
      %shift_left3A_318 = arith.constant 7 : i32
      %shift_left3A_319 = arith.shli %shift_right_arithmetic3A_317, %shift_left3A_318 : i32
      %multiple_of3A_320 = tpu.assume_multiple %shift_left3A_319, 128 : i32
      %dma_start3A_321 = arith.constant 4 : i32
      %dma_start3A_322 = arith.constant 0 : i32
      %dma_start3A_323 = arith.constant 0 : i32
      %dma_start3A_324 = tpu.memref_slice %arg11[%dma_start3A_321, %dma_start3A_322, %dma_start3A_323] : memref<16x32x128xf32, #tpu.memory_space<vmem>> -> memref<1x32x128xf32, #tpu.memory_space<vmem>>
      %dma_start3A_325 = tpu.memref_squeeze %dma_start3A_324 : memref<1x32x128xf32, #tpu.memory_space<vmem>> -> memref<32x128xf32, #tpu.memory_space<vmem>>
      %dma_start3A_326 = arith.constant 0 : i32
      %dma_start3A_327 = tpu.memref_slice %arg4[%dma_start3A_326, %multiple_of3A_320] : memref<32x1000000xf32, #tpu.memory_space<hbm>> -> memref<32x128xf32, #tpu.memory_space<hbm>>
      %dma_start3A_328 = arith.constant 0 : i32
      %dma_start3A_329 = arith.constant 0 : i32
      %dma_start3A_330 = tpu.memref_slice %arg11[%dma_start3A_321, %dma_start3A_328, %dma_start3A_329] : memref<16x32x128xf32, #tpu.memory_space<vmem>> -> memref<1x32x128xf32, #tpu.memory_space<vmem>>
      %dma_start3A_331 = tpu.memref_squeeze %dma_start3A_330 : memref<1x32x128xf32, #tpu.memory_space<vmem>> -> memref<32x128xf32, #tpu.memory_space<vmem>>
      %dma_start3A_332 = arith.constant 0 : i32
      %dma_start3A_333 = tpu.memref_slice %arg4[%dma_start3A_332, %multiple_of3A_320] : memref<32x1000000xf32, #tpu.memory_space<hbm>> -> memref<32x128xf32, #tpu.memory_space<hbm>>
      tpu.enqueue_dma source(%dma_start3A_333 : memref<32x128xf32, #tpu.memory_space<hbm>>) target(%dma_start3A_331 : memref<32x128xf32, #tpu.memory_space<vmem>>) target_semaphore(%arg16 : memref<!tpu.dma_semaphore, #tpu.memory_space<semaphore_mem>>)
      %mul3A_334 = arith.constant 16 : i32
      %mul3A_335 = arith.muli %scan3A_208, %mul3A_334 : i32
      %add3A_336 = arith.constant 5 : i32
      %add3A_337 = arith.addi %mul3A_335, %add3A_336 : i32
      %get3A_338 = arith.index_cast %add3A_337 : i32 to index
      %get3A_339 = tpu.vector_load %arg9[%get3A_338] {strides = array<i32>} : memref<528xi32, #tpu.memory_space<vmem>>, vector<16xi32>,
      %slice3A_340 = vector.extract_strided_slice %get3A_339 {offsets = [0], sizes = [1], strides = [1]} : vector<16xi32> to vector<1xi32>
      %squeeze3A_341 = vector.extract %slice3A_340[0] : i32 from vector<1xi32>
      %shift_right_arithmetic3A_342 = arith.constant 7 : i32
      %shift_right_arithmetic3A_343 = arith.shrsi %squeeze3A_341, %shift_right_arithmetic3A_342 : i32
      %shift_left3A_344 = arith.constant 7 : i32
      %shift_left3A_345 = arith.shli %shift_right_arithmetic3A_343, %shift_left3A_344 : i32
      %multiple_of3A_346 = tpu.assume_multiple %shift_left3A_345, 128 : i32
      %dma_start3A_347 = arith.constant 5 : i32
      %dma_start3A_348 = arith.constant 0 : i32
      %dma_start3A_349 = arith.constant 0 : i32
      %dma_start3A_350 = tpu.memref_slice %arg11[%dma_start3A_347, %dma_start3A_348, %dma_start3A_349] : memref<16x32x128xf32, #tpu.memory_space<vmem>> -> memref<1x32x128xf32, #tpu.memory_space<vmem>>
      %dma_start3A_351 = tpu.memref_squeeze %dma_start3A_350 : memref<1x32x128xf32, #tpu.memory_space<vmem>> -> memref<32x128xf32, #tpu.memory_space<vmem>>
      %dma_start3A_352 = arith.constant 0 : i32
      %dma_start3A_353 = tpu.memref_slice %arg4[%dma_start3A_352, %multiple_of3A_346] : memref<32x1000000xf32, #tpu.memory_space<hbm>> -> memref<32x128xf32, #tpu.memory_space<hbm>>
      %dma_start3A_354 = arith.constant 0 : i32
      %dma_start3A_355 = arith.constant 0 : i32
      %dma_start3A_356 = tpu.memref_slice %arg11[%dma_start3A_347, %dma_start3A_354, %dma_start3A_355] : memref<16x32x128xf32, #tpu.memory_space<vmem>> -> memref<1x32x128xf32, #tpu.memory_space<vmem>>
      %dma_start3A_357 = tpu.memref_squeeze %dma_start3A_356 : memref<1x32x128xf32, #tpu.memory_space<vmem>> -> memref<32x128xf32, #tpu.memory_space<vmem>>
      %dma_start3A_358 = arith.constant 0 : i32
      %dma_start3A_359 = tpu.memref_slice %arg4[%dma_start3A_358, %multiple_of3A_346] : memref<32x1000000xf32, #tpu.memory_space<hbm>> -> memref<32x128xf32, #tpu.memory_space<hbm>>
      tpu.enqueue_dma source(%dma_start3A_359 : memref<32x128xf32, #tpu.memory_space<hbm>>) target(%dma_start3A_357 : memref<32x128xf32, #tpu.memory_space<vmem>>) target_semaphore(%arg16 : memref<!tpu.dma_semaphore, #tpu.memory_space<semaphore_mem>>)
      %mul3A_360 = arith.constant 16 : i32
      %mul3A_361 = arith.muli %scan3A_208, %mul3A_360 : i32
      %add3A_362 = arith.constant 6 : i32
      %add3A_363 = arith.addi %mul3A_361, %add3A_362 : i32
      %get3A_364 = arith.index_cast %add3A_363 : i32 to index
      %get3A_365 = tpu.vector_load %arg9[%get3A_364] {strides = array<i32>} : memref<528xi32, #tpu.memory_space<vmem>>, vector<16xi32>,
      %slice3A_366 = vector.extract_strided_slice %get3A_365 {offsets = [0], sizes = [1], strides = [1]} : vector<16xi32> to vector<1xi32>
      %squeeze3A_367 = vector.extract %slice3A_366[0] : i32 from vector<1xi32>
      %shift_right_arithmetic3A_368 = arith.constant 7 : i32
      %shift_right_arithmetic3A_369 = arith.shrsi %squeeze3A_367, %shift_right_arithmetic3A_368 : i32
      %shift_left3A_370 = arith.constant 7 : i32
      %shift_left3A_371 = arith.shli %shift_right_arithmetic3A_369, %shift_left3A_370 : i32
      %multiple_of3A_372 = tpu.assume_multiple %shift_left3A_371, 128 : i32
      %dma_start3A_373 = arith.constant 6 : i32
      %dma_start3A_374 = arith.constant 0 : i32
      %dma_start3A_375 = arith.constant 0 : i32
      %dma_start3A_376 = tpu.memref_slice %arg11[%dma_start3A_373, %dma_start3A_374, %dma_start3A_375] : memref<16x32x128xf32, #tpu.memory_space<vmem>> -> memref<1x32x128xf32, #tpu.memory_space<vmem>>
      %dma_start3A_377 = tpu.memref_squeeze %dma_start3A_376 : memref<1x32x128xf32, #tpu.memory_space<vmem>> -> memref<32x128xf32, #tpu.memory_space<vmem>>
      %dma_start3A_378 = arith.constant 0 : i32
      %dma_start3A_379 = tpu.memref_slice %arg4[%dma_start3A_378, %multiple_of3A_372] : memref<32x1000000xf32, #tpu.memory_space<hbm>> -> memref<32x128xf32, #tpu.memory_space<hbm>>
      %dma_start3A_380 = arith.constant 0 : i32
      %dma_start3A_381 = arith.constant 0 : i32
      %dma_start3A_382 = tpu.memref_slice %arg11[%dma_start3A_373, %dma_start3A_380, %dma_start3A_381] : memref<16x32x128xf32, #tpu.memory_space<vmem>> -> memref<1x32x128xf32, #tpu.memory_space<vmem>>
      %dma_start3A_383 = tpu.memref_squeeze %dma_start3A_382 : memref<1x32x128xf32, #tpu.memory_space<vmem>> -> memref<32x128xf32, #tpu.memory_space<vmem>>
      %dma_start3A_384 = arith.constant 0 : i32
      %dma_start3A_385 = tpu.memref_slice %arg4[%dma_start3A_384, %multiple_of3A_372] : memref<32x1000000xf32, #tpu.memory_space<hbm>> -> memref<32x128xf32, #tpu.memory_space<hbm>>
      tpu.enqueue_dma source(%dma_start3A_385 : memref<32x128xf32, #tpu.memory_space<hbm>>) target(%dma_start3A_383 : memref<32x128xf32, #tpu.memory_space<vmem>>) target_semaphore(%arg16 : memref<!tpu.dma_semaphore, #tpu.memory_space<semaphore_mem>>)
      %mul3A_386 = arith.constant 16 : i32
      %mul3A_387 = arith.muli %scan3A_208, %mul3A_386 : i32
      %add3A_388 = arith.constant 7 : i32
      %add3A_389 = arith.addi %mul3A_387, %add3A_388 : i32
      %get3A_390 = arith.index_cast %add3A_389 : i32 to index
      %get3A_391 = tpu.vector_load %arg9[%get3A_390] {strides = array<i32>} : memref<528xi32, #tpu.memory_space<vmem>>, vector<16xi32>,
      %slice3A_392 = vector.extract_strided_slice %get3A_391 {offsets = [0], sizes = [1], strides = [1]} : vector<16xi32> to vector<1xi32>
      %squeeze3A_393 = vector.extract %slice3A_392[0] : i32 from vector<1xi32>
      %shift_right_arithmetic3A_394 = arith.constant 7 : i32
      %shift_right_arithmetic3A_395 = arith.shrsi %squeeze3A_393, %shift_right_arithmetic3A_394 : i32
      %shift_left3A_396 = arith.constant 7 : i32
      %shift_left3A_397 = arith.shli %shift_right_arithmetic3A_395, %shift_left3A_396 : i32
      %multiple_of3A_398 = tpu.assume_multiple %shift_left3A_397, 128 : i32
      %dma_start3A_399 = arith.constant 7 : i32
      %dma_start3A_400 = arith.constant 0 : i32
      %dma_start3A_401 = arith.constant 0 : i32
      %dma_start3A_402 = tpu.memref_slice %arg11[%dma_start3A_399, %dma_start3A_400, %dma_start3A_401] : memref<16x32x128xf32, #tpu.memory_space<vmem>> -> memref<1x32x128xf32, #tpu.memory_space<vmem>>
      %dma_start3A_403 = tpu.memref_squeeze %dma_start3A_402 : memref<1x32x128xf32, #tpu.memory_space<vmem>> -> memref<32x128xf32, #tpu.memory_space<vmem>>
      %dma_start3A_404 = arith.constant 0 : i32
      %dma_start3A_405 = tpu.memref_slice %arg4[%dma_start3A_404, %multiple_of3A_398] : memref<32x1000000xf32, #tpu.memory_space<hbm>> -> memref<32x128xf32, #tpu.memory_space<hbm>>
      %dma_start3A_406 = arith.constant 0 : i32
      %dma_start3A_407 = arith.constant 0 : i32
      %dma_start3A_408 = tpu.memref_slice %arg11[%dma_start3A_399, %dma_start3A_406, %dma_start3A_407] : memref<16x32x128xf32, #tpu.memory_space<vmem>> -> memref<1x32x128xf32, #tpu.memory_space<vmem>>
      %dma_start3A_409 = tpu.memref_squeeze %dma_start3A_408 : memref<1x32x128xf32, #tpu.memory_space<vmem>> -> memref<32x128xf32, #tpu.memory_space<vmem>>
      %dma_start3A_410 = arith.constant 0 : i32
      %dma_start3A_411 = tpu.memref_slice %arg4[%dma_start3A_410, %multiple_of3A_398] : memref<32x1000000xf32, #tpu.memory_space<hbm>> -> memref<32x128xf32, #tpu.memory_space<hbm>>
      tpu.enqueue_dma source(%dma_start3A_411 : memref<32x128xf32, #tpu.memory_space<hbm>>) target(%dma_start3A_409 : memref<32x128xf32, #tpu.memory_space<vmem>>) target_semaphore(%arg16 : memref<!tpu.dma_semaphore, #tpu.memory_space<semaphore_mem>>)
      %mul3A_412 = arith.constant 16 : i32
      %mul3A_413 = arith.muli %scan3A_208, %mul3A_412 : i32
      %add3A_414 = arith.constant 8 : i32
      %add3A_415 = arith.addi %mul3A_413, %add3A_414 : i32
      %get3A_416 = arith.index_cast %add3A_415 : i32 to index
      %get3A_417 = tpu.vector_load %arg9[%get3A_416] {strides = array<i32>} : memref<528xi32, #tpu.memory_space<vmem>>, vector<16xi32>,
      %slice3A_418 = vector.extract_strided_slice %get3A_417 {offsets = [0], sizes = [1], strides = [1]} : vector<16xi32> to vector<1xi32>
      %squeeze3A_419 = vector.extract %slice3A_418[0] : i32 from vector<1xi32>
      %shift_right_arithmetic3A_420 = arith.constant 7 : i32
      %shift_right_arithmetic3A_421 = arith.shrsi %squeeze3A_419, %shift_right_arithmetic3A_420 : i32
      %shift_left3A_422 = arith.constant 7 : i32
      %shift_left3A_423 = arith.shli %shift_right_arithmetic3A_421, %shift_left3A_422 : i32
      %multiple_of3A_424 = tpu.assume_multiple %shift_left3A_423, 128 : i32
      %dma_start3A_425 = arith.constant 8 : i32
      %dma_start3A_426 = arith.constant 0 : i32
      %dma_start3A_427 = arith.constant 0 : i32
      %dma_start3A_428 = tpu.memref_slice %arg11[%dma_start3A_425, %dma_start3A_426, %dma_start3A_427] : memref<16x32x128xf32, #tpu.memory_space<vmem>> -> memref<1x32x128xf32, #tpu.memory_space<vmem>>
      %dma_start3A_429 = tpu.memref_squeeze %dma_start3A_428 : memref<1x32x128xf32, #tpu.memory_space<vmem>> -> memref<32x128xf32, #tpu.memory_space<vmem>>
      %dma_start3A_430 = arith.constant 0 : i32
      %dma_start3A_431 = tpu.memref_slice %arg4[%dma_start3A_430, %multiple_of3A_424] : memref<32x1000000xf32, #tpu.memory_space<hbm>> -> memref<32x128xf32, #tpu.memory_space<hbm>>
      %dma_start3A_432 = arith.constant 0 : i32
      %dma_start3A_433 = arith.constant 0 : i32
      %dma_start3A_434 = tpu.memref_slice %arg11[%dma_start3A_425, %dma_start3A_432, %dma_start3A_433] : memref<16x32x128xf32, #tpu.memory_space<vmem>> -> memref<1x32x128xf32, #tpu.memory_space<vmem>>
      %dma_start3A_435 = tpu.memref_squeeze %dma_start3A_434 : memref<1x32x128xf32, #tpu.memory_space<vmem>> -> memref<32x128xf32, #tpu.memory_space<vmem>>
      %dma_start3A_436 = arith.constant 0 : i32
      %dma_start3A_437 = tpu.memref_slice %arg4[%dma_start3A_436, %multiple_of3A_424] : memref<32x1000000xf32, #tpu.memory_space<hbm>> -> memref<32x128xf32, #tpu.memory_space<hbm>>
      tpu.enqueue_dma source(%dma_start3A_437 : memref<32x128xf32, #tpu.memory_space<hbm>>) target(%dma_start3A_435 : memref<32x128xf32, #tpu.memory_space<vmem>>) target_semaphore(%arg16 : memref<!tpu.dma_semaphore, #tpu.memory_space<semaphore_mem>>)
      %mul3A_438 = arith.constant 16 : i32
      %mul3A_439 = arith.muli %scan3A_208, %mul3A_438 : i32
      %add3A_440 = arith.constant 9 : i32
      %add3A_441 = arith.addi %mul3A_439, %add3A_440 : i32
      %get3A_442 = arith.index_cast %add3A_441 : i32 to index
      %get3A_443 = tpu.vector_load %arg9[%get3A_442] {strides = array<i32>} : memref<528xi32, #tpu.memory_space<vmem>>, vector<16xi32>,
      %slice3A_444 = vector.extract_strided_slice %get3A_443 {offsets = [0], sizes = [1], strides = [1]} : vector<16xi32> to vector<1xi32>
      %squeeze3A_445 = vector.extract %slice3A_444[0] : i32 from vector<1xi32>
      %shift_right_arithmetic3A_446 = arith.constant 7 : i32
      %shift_right_arithmetic3A_447 = arith.shrsi %squeeze3A_445, %shift_right_arithmetic3A_446 : i32
      %shift_left3A_448 = arith.constant 7 : i32
      %shift_left3A_449 = arith.shli %shift_right_arithmetic3A_447, %shift_left3A_448 : i32
      %multiple_of3A_450 = tpu.assume_multiple %shift_left3A_449, 128 : i32
      %dma_start3A_451 = arith.constant 9 : i32
      %dma_start3A_452 = arith.constant 0 : i32
      %dma_start3A_453 = arith.constant 0 : i32
      %dma_start3A_454 = tpu.memref_slice %arg11[%dma_start3A_451, %dma_start3A_452, %dma_start3A_453] : memref<16x32x128xf32, #tpu.memory_space<vmem>> -> memref<1x32x128xf32, #tpu.memory_space<vmem>>
      %dma_start3A_455 = tpu.memref_squeeze %dma_start3A_454 : memref<1x32x128xf32, #tpu.memory_space<vmem>> -> memref<32x128xf32, #tpu.memory_space<vmem>>
      %dma_start3A_456 = arith.constant 0 : i32
      %dma_start3A_457 = tpu.memref_slice %arg4[%dma_start3A_456, %multiple_of3A_450] : memref<32x1000000xf32, #tpu.memory_space<hbm>> -> memref<32x128xf32, #tpu.memory_space<hbm>>
      %dma_start3A_458 = arith.constant 0 : i32
      %dma_start3A_459 = arith.constant 0 : i32
      %dma_start3A_460 = tpu.memref_slice %arg11[%dma_start3A_451, %dma_start3A_458, %dma_start3A_459] : memref<16x32x128xf32, #tpu.memory_space<vmem>> -> memref<1x32x128xf32, #tpu.memory_space<vmem>>
      %dma_start3A_461 = tpu.memref_squeeze %dma_start3A_460 : memref<1x32x128xf32, #tpu.memory_space<vmem>> -> memref<32x128xf32, #tpu.memory_space<vmem>>
      %dma_start3A_462 = arith.constant 0 : i32
      %dma_start3A_463 = tpu.memref_slice %arg4[%dma_start3A_462, %multiple_of3A_450] : memref<32x1000000xf32, #tpu.memory_space<hbm>> -> memref<32x128xf32, #tpu.memory_space<hbm>>
      tpu.enqueue_dma source(%dma_start3A_463 : memref<32x128xf32, #tpu.memory_space<hbm>>) target(%dma_start3A_461 : memref<32x128xf32, #tpu.memory_space<vmem>>) target_semaphore(%arg16 : memref<!tpu.dma_semaphore, #tpu.memory_space<semaphore_mem>>)
      %mul3A_464 = arith.constant 16 : i32
      %mul3A_465 = arith.muli %scan3A_208, %mul3A_464 : i32
      %add3A_466 = arith.constant 10 : i32
      %add3A_467 = arith.addi %mul3A_465, %add3A_466 : i32
      %get3A_468 = arith.index_cast %add3A_467 : i32 to index
      %get3A_469 = tpu.vector_load %arg9[%get3A_468] {strides = array<i32>} : memref<528xi32, #tpu.memory_space<vmem>>, vector<16xi32>,
      %slice3A_470 = vector.extract_strided_slice %get3A_469 {offsets = [0], sizes = [1], strides = [1]} : vector<16xi32> to vector<1xi32>
      %squeeze3A_471 = vector.extract %slice3A_470[0] : i32 from vector<1xi32>
      %shift_right_arithmetic3A_472 = arith.constant 7 : i32
      %shift_right_arithmetic3A_473 = arith.shrsi %squeeze3A_471, %shift_right_arithmetic3A_472 : i32
      %shift_left3A_474 = arith.constant 7 : i32
      %shift_left3A_475 = arith.shli %shift_right_arithmetic3A_473, %shift_left3A_474 : i32
      %multiple_of3A_476 = tpu.assume_multiple %shift_left3A_475, 128 : i32
      %dma_start3A_477 = arith.constant 10 : i32
      %dma_start3A_478 = arith.constant 0 : i32
      %dma_start3A_479 = arith.constant 0 : i32
      %dma_start3A_480 = tpu.memref_slice %arg11[%dma_start3A_477, %dma_start3A_478, %dma_start3A_479] : memref<16x32x128xf32, #tpu.memory_space<vmem>> -> memref<1x32x128xf32, #tpu.memory_space<vmem>>
      %dma_start3A_481 = tpu.memref_squeeze %dma_start3A_480 : memref<1x32x128xf32, #tpu.memory_space<vmem>> -> memref<32x128xf32, #tpu.memory_space<vmem>>
      %dma_start3A_482 = arith.constant 0 : i32
      %dma_start3A_483 = tpu.memref_slice %arg4[%dma_start3A_482, %multiple_of3A_476] : memref<32x1000000xf32, #tpu.memory_space<hbm>> -> memref<32x128xf32, #tpu.memory_space<hbm>>
      %dma_start3A_484 = arith.constant 0 : i32
      %dma_start3A_485 = arith.constant 0 : i32
      %dma_start3A_486 = tpu.memref_slice %arg11[%dma_start3A_477, %dma_start3A_484, %dma_start3A_485] : memref<16x32x128xf32, #tpu.memory_space<vmem>> -> memref<1x32x128xf32, #tpu.memory_space<vmem>>
      %dma_start3A_487 = tpu.memref_squeeze %dma_start3A_486 : memref<1x32x128xf32, #tpu.memory_space<vmem>> -> memref<32x128xf32, #tpu.memory_space<vmem>>
      %dma_start3A_488 = arith.constant 0 : i32
      %dma_start3A_489 = tpu.memref_slice %arg4[%dma_start3A_488, %multiple_of3A_476] : memref<32x1000000xf32, #tpu.memory_space<hbm>> -> memref<32x128xf32, #tpu.memory_space<hbm>>
      tpu.enqueue_dma source(%dma_start3A_489 : memref<32x128xf32, #tpu.memory_space<hbm>>) target(%dma_start3A_487 : memref<32x128xf32, #tpu.memory_space<vmem>>) target_semaphore(%arg16 : memref<!tpu.dma_semaphore, #tpu.memory_space<semaphore_mem>>)
      %mul3A_490 = arith.constant 16 : i32
      %mul3A_491 = arith.muli %scan3A_208, %mul3A_490 : i32
      %add3A_492 = arith.constant 11 : i32
      %add3A_493 = arith.addi %mul3A_491, %add3A_492 : i32
      %get3A_494 = arith.index_cast %add3A_493 : i32 to index
      %get3A_495 = tpu.vector_load %arg9[%get3A_494] {strides = array<i32>} : memref<528xi32, #tpu.memory_space<vmem>>, vector<16xi32>,
      %slice3A_496 = vector.extract_strided_slice %get3A_495 {offsets = [0], sizes = [1], strides = [1]} : vector<16xi32> to vector<1xi32>
      %squeeze3A_497 = vector.extract %slice3A_496[0] : i32 from vector<1xi32>
      %shift_right_arithmetic3A_498 = arith.constant 7 : i32
      %shift_right_arithmetic3A_499 = arith.shrsi %squeeze3A_497, %shift_right_arithmetic3A_498 : i32
      %shift_left3A_500 = arith.constant 7 : i32
      %shift_left3A_501 = arith.shli %shift_right_arithmetic3A_499, %shift_left3A_500 : i32
      %multiple_of3A_502 = tpu.assume_multiple %shift_left3A_501, 128 : i32
      %dma_start3A_503 = arith.constant 11 : i32
      %dma_start3A_504 = arith.constant 0 : i32
      %dma_start3A_505 = arith.constant 0 : i32
      %dma_start3A_506 = tpu.memref_slice %arg11[%dma_start3A_503, %dma_start3A_504, %dma_start3A_505] : memref<16x32x128xf32, #tpu.memory_space<vmem>> -> memref<1x32x128xf32, #tpu.memory_space<vmem>>
      %dma_start3A_507 = tpu.memref_squeeze %dma_start3A_506 : memref<1x32x128xf32, #tpu.memory_space<vmem>> -> memref<32x128xf32, #tpu.memory_space<vmem>>
      %dma_start3A_508 = arith.constant 0 : i32
      %dma_start3A_509 = tpu.memref_slice %arg4[%dma_start3A_508, %multiple_of3A_502] : memref<32x1000000xf32, #tpu.memory_space<hbm>> -> memref<32x128xf32, #tpu.memory_space<hbm>>
      %dma_start3A_510 = arith.constant 0 : i32
      %dma_start3A_511 = arith.constant 0 : i32
      %dma_start3A_512 = tpu.memref_slice %arg11[%dma_start3A_503, %dma_start3A_510, %dma_start3A_511] : memref<16x32x128xf32, #tpu.memory_space<vmem>> -> memref<1x32x128xf32, #tpu.memory_space<vmem>>
      %dma_start3A_513 = tpu.memref_squeeze %dma_start3A_512 : memref<1x32x128xf32, #tpu.memory_space<vmem>> -> memref<32x128xf32, #tpu.memory_space<vmem>>
      %dma_start3A_514 = arith.constant 0 : i32
      %dma_start3A_515 = tpu.memref_slice %arg4[%dma_start3A_514, %multiple_of3A_502] : memref<32x1000000xf32, #tpu.memory_space<hbm>> -> memref<32x128xf32, #tpu.memory_space<hbm>>
      tpu.enqueue_dma source(%dma_start3A_515 : memref<32x128xf32, #tpu.memory_space<hbm>>) target(%dma_start3A_513 : memref<32x128xf32, #tpu.memory_space<vmem>>) target_semaphore(%arg16 : memref<!tpu.dma_semaphore, #tpu.memory_space<semaphore_mem>>)
      %mul3A_516 = arith.constant 16 : i32
      %mul3A_517 = arith.muli %scan3A_208, %mul3A_516 : i32
      %add3A_518 = arith.constant 12 : i32
      %add3A_519 = arith.addi %mul3A_517, %add3A_518 : i32
      %get3A_520 = arith.index_cast %add3A_519 : i32 to index
      %get3A_521 = tpu.vector_load %arg9[%get3A_520] {strides = array<i32>} : memref<528xi32, #tpu.memory_space<vmem>>, vector<16xi32>,
      %slice3A_522 = vector.extract_strided_slice %get3A_521 {offsets = [0], sizes = [1], strides = [1]} : vector<16xi32> to vector<1xi32>
      %squeeze3A_523 = vector.extract %slice3A_522[0] : i32 from vector<1xi32>
      %shift_right_arithmetic3A_524 = arith.constant 7 : i32
      %shift_right_arithmetic3A_525 = arith.shrsi %squeeze3A_523, %shift_right_arithmetic3A_524 : i32
      %shift_left3A_526 = arith.constant 7 : i32
      %shift_left3A_527 = arith.shli %shift_right_arithmetic3A_525, %shift_left3A_526 : i32
      %multiple_of3A_528 = tpu.assume_multiple %shift_left3A_527, 128 : i32
      %dma_start3A_529 = arith.constant 12 : i32
      %dma_start3A_530 = arith.constant 0 : i32
      %dma_start3A_531 = arith.constant 0 : i32
      %dma_start3A_532 = tpu.memref_slice %arg11[%dma_start3A_529, %dma_start3A_530, %dma_start3A_531] : memref<16x32x128xf32, #tpu.memory_space<vmem>> -> memref<1x32x128xf32, #tpu.memory_space<vmem>>
      %dma_start3A_533 = tpu.memref_squeeze %dma_start3A_532 : memref<1x32x128xf32, #tpu.memory_space<vmem>> -> memref<32x128xf32, #tpu.memory_space<vmem>>
      %dma_start3A_534 = arith.constant 0 : i32
      %dma_start3A_535 = tpu.memref_slice %arg4[%dma_start3A_534, %multiple_of3A_528] : memref<32x1000000xf32, #tpu.memory_space<hbm>> -> memref<32x128xf32, #tpu.memory_space<hbm>>
      %dma_start3A_536 = arith.constant 0 : i32
      %dma_start3A_537 = arith.constant 0 : i32
      %dma_start3A_538 = tpu.memref_slice %arg11[%dma_start3A_529, %dma_start3A_536, %dma_start3A_537] : memref<16x32x128xf32, #tpu.memory_space<vmem>> -> memref<1x32x128xf32, #tpu.memory_space<vmem>>
      %dma_start3A_539 = tpu.memref_squeeze %dma_start3A_538 : memref<1x32x128xf32, #tpu.memory_space<vmem>> -> memref<32x128xf32, #tpu.memory_space<vmem>>
      %dma_start3A_540 = arith.constant 0 : i32
      %dma_start3A_541 = tpu.memref_slice %arg4[%dma_start3A_540, %multiple_of3A_528] : memref<32x1000000xf32, #tpu.memory_space<hbm>> -> memref<32x128xf32, #tpu.memory_space<hbm>>
      tpu.enqueue_dma source(%dma_start3A_541 : memref<32x128xf32, #tpu.memory_space<hbm>>) target(%dma_start3A_539 : memref<32x128xf32, #tpu.memory_space<vmem>>) target_semaphore(%arg16 : memref<!tpu.dma_semaphore, #tpu.memory_space<semaphore_mem>>)
      %mul3A_542 = arith.constant 16 : i32
      %mul3A_543 = arith.muli %scan3A_208, %mul3A_542 : i32
      %add3A_544 = arith.constant 13 : i32
      %add3A_545 = arith.addi %mul3A_543, %add3A_544 : i32
      %get3A_546 = arith.index_cast %add3A_545 : i32 to index
      %get3A_547 = tpu.vector_load %arg9[%get3A_546] {strides = array<i32>} : memref<528xi32, #tpu.memory_space<vmem>>, vector<16xi32>,
      %slice3A_548 = vector.extract_strided_slice %get3A_547 {offsets = [0], sizes = [1], strides = [1]} : vector<16xi32> to vector<1xi32>
      %squeeze3A_549 = vector.extract %slice3A_548[0] : i32 from vector<1xi32>
      %shift_right_arithmetic3A_550 = arith.constant 7 : i32
      %shift_right_arithmetic3A_551 = arith.shrsi %squeeze3A_549, %shift_right_arithmetic3A_550 : i32
      %shift_left3A_552 = arith.constant 7 : i32
      %shift_left3A_553 = arith.shli %shift_right_arithmetic3A_551, %shift_left3A_552 : i32
      %multiple_of3A_554 = tpu.assume_multiple %shift_left3A_553, 128 : i32
      %dma_start3A_555 = arith.constant 13 : i32
      %dma_start3A_556 = arith.constant 0 : i32
      %dma_start3A_557 = arith.constant 0 : i32
      %dma_start3A_558 = tpu.memref_slice %arg11[%dma_start3A_555, %dma_start3A_556, %dma_start3A_557] : memref<16x32x128xf32, #tpu.memory_space<vmem>> -> memref<1x32x128xf32, #tpu.memory_space<vmem>>
      %dma_start3A_559 = tpu.memref_squeeze %dma_start3A_558 : memref<1x32x128xf32, #tpu.memory_space<vmem>> -> memref<32x128xf32, #tpu.memory_space<vmem>>
      %dma_start3A_560 = arith.constant 0 : i32
      %dma_start3A_561 = tpu.memref_slice %arg4[%dma_start3A_560, %multiple_of3A_554] : memref<32x1000000xf32, #tpu.memory_space<hbm>> -> memref<32x128xf32, #tpu.memory_space<hbm>>
      %dma_start3A_562 = arith.constant 0 : i32
      %dma_start3A_563 = arith.constant 0 : i32
      %dma_start3A_564 = tpu.memref_slice %arg11[%dma_start3A_555, %dma_start3A_562, %dma_start3A_563] : memref<16x32x128xf32, #tpu.memory_space<vmem>> -> memref<1x32x128xf32, #tpu.memory_space<vmem>>
      %dma_start3A_565 = tpu.memref_squeeze %dma_start3A_564 : memref<1x32x128xf32, #tpu.memory_space<vmem>> -> memref<32x128xf32, #tpu.memory_space<vmem>>
      %dma_start3A_566 = arith.constant 0 : i32
      %dma_start3A_567 = tpu.memref_slice %arg4[%dma_start3A_566, %multiple_of3A_554] : memref<32x1000000xf32, #tpu.memory_space<hbm>> -> memref<32x128xf32, #tpu.memory_space<hbm>>
      tpu.enqueue_dma source(%dma_start3A_567 : memref<32x128xf32, #tpu.memory_space<hbm>>) target(%dma_start3A_565 : memref<32x128xf32, #tpu.memory_space<vmem>>) target_semaphore(%arg16 : memref<!tpu.dma_semaphore, #tpu.memory_space<semaphore_mem>>)
      %mul3A_568 = arith.constant 16 : i32
      %mul3A_569 = arith.muli %scan3A_208, %mul3A_568 : i32
      %add3A_570 = arith.constant 14 : i32
      %add3A_571 = arith.addi %mul3A_569, %add3A_570 : i32
      %get3A_572 = arith.index_cast %add3A_571 : i32 to index
      %get3A_573 = tpu.vector_load %arg9[%get3A_572] {strides = array<i32>} : memref<528xi32, #tpu.memory_space<vmem>>, vector<16xi32>,
      %slice3A_574 = vector.extract_strided_slice %get3A_573 {offsets = [0], sizes = [1], strides = [1]} : vector<16xi32> to vector<1xi32>
      %squeeze3A_575 = vector.extract %slice3A_574[0] : i32 from vector<1xi32>
      %shift_right_arithmetic3A_576 = arith.constant 7 : i32
      %shift_right_arithmetic3A_577 = arith.shrsi %squeeze3A_575, %shift_right_arithmetic3A_576 : i32
      %shift_left3A_578 = arith.constant 7 : i32
      %shift_left3A_579 = arith.shli %shift_right_arithmetic3A_577, %shift_left3A_578 : i32
      %multiple_of3A_580 = tpu.assume_multiple %shift_left3A_579, 128 : i32
      %dma_start3A_581 = arith.constant 14 : i32
      %dma_start3A_582 = arith.constant 0 : i32
      %dma_start3A_583 = arith.constant 0 : i32
      %dma_start3A_584 = tpu.memref_slice %arg11[%dma_start3A_581, %dma_start3A_582, %dma_start3A_583] : memref<16x32x128xf32, #tpu.memory_space<vmem>> -> memref<1x32x128xf32, #tpu.memory_space<vmem>>
      %dma_start3A_585 = tpu.memref_squeeze %dma_start3A_584 : memref<1x32x128xf32, #tpu.memory_space<vmem>> -> memref<32x128xf32, #tpu.memory_space<vmem>>
      %dma_start3A_586 = arith.constant 0 : i32
      %dma_start3A_587 = tpu.memref_slice %arg4[%dma_start3A_586, %multiple_of3A_580] : memref<32x1000000xf32, #tpu.memory_space<hbm>> -> memref<32x128xf32, #tpu.memory_space<hbm>>
      %dma_start3A_588 = arith.constant 0 : i32
      %dma_start3A_589 = arith.constant 0 : i32
      %dma_start3A_590 = tpu.memref_slice %arg11[%dma_start3A_581, %dma_start3A_588, %dma_start3A_589] : memref<16x32x128xf32, #tpu.memory_space<vmem>> -> memref<1x32x128xf32, #tpu.memory_space<vmem>>
      %dma_start3A_591 = tpu.memref_squeeze %dma_start3A_590 : memref<1x32x128xf32, #tpu.memory_space<vmem>> -> memref<32x128xf32, #tpu.memory_space<vmem>>
      %dma_start3A_592 = arith.constant 0 : i32
      %dma_start3A_593 = tpu.memref_slice %arg4[%dma_start3A_592, %multiple_of3A_580] : memref<32x1000000xf32, #tpu.memory_space<hbm>> -> memref<32x128xf32, #tpu.memory_space<hbm>>
      tpu.enqueue_dma source(%dma_start3A_593 : memref<32x128xf32, #tpu.memory_space<hbm>>) target(%dma_start3A_591 : memref<32x128xf32, #tpu.memory_space<vmem>>) target_semaphore(%arg16 : memref<!tpu.dma_semaphore, #tpu.memory_space<semaphore_mem>>)
      %mul3A_594 = arith.constant 16 : i32
      %mul3A_595 = arith.muli %scan3A_208, %mul3A_594 : i32
      %add3A_596 = arith.constant 15 : i32
      %add3A_597 = arith.addi %mul3A_595, %add3A_596 : i32
      %get3A_598 = arith.index_cast %add3A_597 : i32 to index
      %get3A_599 = tpu.vector_load %arg9[%get3A_598] {strides = array<i32>} : memref<528xi32, #tpu.memory_space<vmem>>, vector<16xi32>,
      %slice3A_600 = vector.extract_strided_slice %get3A_599 {offsets = [0], sizes = [1], strides = [1]} : vector<16xi32> to vector<1xi32>
      %squeeze3A_601 = vector.extract %slice3A_600[0] : i32 from vector<1xi32>
      %shift_right_arithmetic3A_602 = arith.constant 7 : i32
      %shift_right_arithmetic3A_603 = arith.shrsi %squeeze3A_601, %shift_right_arithmetic3A_602 : i32
      %shift_left3A_604 = arith.constant 7 : i32
      %shift_left3A_605 = arith.shli %shift_right_arithmetic3A_603, %shift_left3A_604 : i32
      %multiple_of3A_606 = tpu.assume_multiple %shift_left3A_605, 128 : i32
      %dma_start3A_607 = arith.constant 15 : i32
      %dma_start3A_608 = arith.constant 0 : i32
      %dma_start3A_609 = arith.constant 0 : i32
      %dma_start3A_610 = tpu.memref_slice %arg11[%dma_start3A_607, %dma_start3A_608, %dma_start3A_609] : memref<16x32x128xf32, #tpu.memory_space<vmem>> -> memref<1x32x128xf32, #tpu.memory_space<vmem>>
      %dma_start3A_611 = tpu.memref_squeeze %dma_start3A_610 : memref<1x32x128xf32, #tpu.memory_space<vmem>> -> memref<32x128xf32, #tpu.memory_space<vmem>>
      %dma_start3A_612 = arith.constant 0 : i32
      %dma_start3A_613 = tpu.memref_slice %arg4[%dma_start3A_612, %multiple_of3A_606] : memref<32x1000000xf32, #tpu.memory_space<hbm>> -> memref<32x128xf32, #tpu.memory_space<hbm>>
      %dma_start3A_614 = arith.constant 0 : i32
      %dma_start3A_615 = arith.constant 0 : i32
      %dma_start3A_616 = tpu.memref_slice %arg11[%dma_start3A_607, %dma_start3A_614, %dma_start3A_615] : memref<16x32x128xf32, #tpu.memory_space<vmem>> -> memref<1x32x128xf32, #tpu.memory_space<vmem>>
      %dma_start3A_617 = tpu.memref_squeeze %dma_start3A_616 : memref<1x32x128xf32, #tpu.memory_space<vmem>> -> memref<32x128xf32, #tpu.memory_space<vmem>>
      %dma_start3A_618 = arith.constant 0 : i32
      %dma_start3A_619 = tpu.memref_slice %arg4[%dma_start3A_618, %multiple_of3A_606] : memref<32x1000000xf32, #tpu.memory_space<hbm>> -> memref<32x128xf32, #tpu.memory_space<hbm>>
      tpu.enqueue_dma source(%dma_start3A_619 : memref<32x128xf32, #tpu.memory_space<hbm>>) target(%dma_start3A_617 : memref<32x128xf32, #tpu.memory_space<vmem>>) target_semaphore(%arg16 : memref<!tpu.dma_semaphore, #tpu.memory_space<semaphore_mem>>)
      %dma_wait3A = arith.constant 0 : i32
      %dma_wait3A_620 = arith.constant 0 : i32
      %dma_wait3A_621 = arith.constant 0 : i32
      %dma_wait3A_622 = tpu.memref_slice %arg11[%dma_wait3A, %dma_wait3A_620, %dma_wait3A_621] : memref<16x32x128xf32, #tpu.memory_space<vmem>> -> memref<1x32x128xf32, #tpu.memory_space<vmem>>
      %dma_wait3A_623 = tpu.memref_squeeze %dma_wait3A_622 : memref<1x32x128xf32, #tpu.memory_space<vmem>> -> memref<32x128xf32, #tpu.memory_space<vmem>>
      %dma_wait3A_624 = arith.constant 0 : i32
      %dma_wait3A_625 = tpu.memref_slice %arg4[%dma_wait3A_624, %multiple_of3A] : memref<32x1000000xf32, #tpu.memory_space<hbm>> -> memref<32x128xf32, #tpu.memory_space<hbm>>
      %dma_wait3A_626 = arith.constant 0 : i32
      %dma_wait3A_627 = arith.constant 0 : i32
      %dma_wait3A_628 = tpu.memref_slice %arg11[%dma_wait3A, %dma_wait3A_626, %dma_wait3A_627] : memref<16x32x128xf32, #tpu.memory_space<vmem>> -> memref<1x32x128xf32, #tpu.memory_space<vmem>>
      %dma_wait3A_629 = tpu.memref_squeeze %dma_wait3A_628 : memref<1x32x128xf32, #tpu.memory_space<vmem>> -> memref<32x128xf32, #tpu.memory_space<vmem>>
      %dma_wait3A_630 = arith.constant 0 : i32
      %dma_wait3A_631 = tpu.memref_slice %arg4[%dma_wait3A_630, %multiple_of3A] : memref<32x1000000xf32, #tpu.memory_space<hbm>> -> memref<32x128xf32, #tpu.memory_space<hbm>>
      tpu.wait_dma2 semaphore(%arg16 : memref<!tpu.dma_semaphore, #tpu.memory_space<semaphore_mem>>) src(%dma_wait3A_631 : memref<32x128xf32, #tpu.memory_space<hbm>>) dst(%dma_wait3A_629 : memref<32x128xf32, #tpu.memory_space<vmem>>)
      %dma_wait3A_632 = arith.constant 1 : i32
      %dma_wait3A_633 = arith.constant 0 : i32
      %dma_wait3A_634 = arith.constant 0 : i32
      %dma_wait3A_635 = tpu.memref_slice %arg11[%dma_wait3A_632, %dma_wait3A_633, %dma_wait3A_634] : memref<16x32x128xf32, #tpu.memory_space<vmem>> -> memref<1x32x128xf32, #tpu.memory_space<vmem>>
      %dma_wait3A_636 = tpu.memref_squeeze %dma_wait3A_635 : memref<1x32x128xf32, #tpu.memory_space<vmem>> -> memref<32x128xf32, #tpu.memory_space<vmem>>
      %dma_wait3A_637 = arith.constant 0 : i32
      %dma_wait3A_638 = tpu.memref_slice %arg4[%dma_wait3A_637, %multiple_of3A_242] : memref<32x1000000xf32, #tpu.memory_space<hbm>> -> memref<32x128xf32, #tpu.memory_space<hbm>>
      %dma_wait3A_639 = arith.constant 0 : i32
      %dma_wait3A_640 = arith.constant 0 : i32
      %dma_wait3A_641 = tpu.memref_slice %arg11[%dma_wait3A_632, %dma_wait3A_639, %dma_wait3A_640] : memref<16x32x128xf32, #tpu.memory_space<vmem>> -> memref<1x32x128xf32, #tpu.memory_space<vmem>>
      %dma_wait3A_642 = tpu.memref_squeeze %dma_wait3A_641 : memref<1x32x128xf32, #tpu.memory_space<vmem>> -> memref<32x128xf32, #tpu.memory_space<vmem>>
      %dma_wait3A_643 = arith.constant 0 : i32
      %dma_wait3A_644 = tpu.memref_slice %arg4[%dma_wait3A_643, %multiple_of3A_242] : memref<32x1000000xf32, #tpu.memory_space<hbm>> -> memref<32x128xf32, #tpu.memory_space<hbm>>
      tpu.wait_dma2 semaphore(%arg16 : memref<!tpu.dma_semaphore, #tpu.memory_space<semaphore_mem>>) src(%dma_wait3A_644 : memref<32x128xf32, #tpu.memory_space<hbm>>) dst(%dma_wait3A_642 : memref<32x128xf32, #tpu.memory_space<vmem>>)
      %dma_wait3A_645 = arith.constant 2 : i32
      %dma_wait3A_646 = arith.constant 0 : i32
      %dma_wait3A_647 = arith.constant 0 : i32
      %dma_wait3A_648 = tpu.memref_slice %arg11[%dma_wait3A_645, %dma_wait3A_646, %dma_wait3A_647] : memref<16x32x128xf32, #tpu.memory_space<vmem>> -> memref<1x32x128xf32, #tpu.memory_space<vmem>>
      %dma_wait3A_649 = tpu.memref_squeeze %dma_wait3A_648 : memref<1x32x128xf32, #tpu.memory_space<vmem>> -> memref<32x128xf32, #tpu.memory_space<vmem>>
      %dma_wait3A_650 = arith.constant 0 : i32
      %dma_wait3A_651 = tpu.memref_slice %arg4[%dma_wait3A_650, %multiple_of3A_268] : memref<32x1000000xf32, #tpu.memory_space<hbm>> -> memref<32x128xf32, #tpu.memory_space<hbm>>
      %dma_wait3A_652 = arith.constant 0 : i32
      %dma_wait3A_653 = arith.constant 0 : i32
      %dma_wait3A_654 = tpu.memref_slice %arg11[%dma_wait3A_645, %dma_wait3A_652, %dma_wait3A_653] : memref<16x32x128xf32, #tpu.memory_space<vmem>> -> memref<1x32x128xf32, #tpu.memory_space<vmem>>
      %dma_wait3A_655 = tpu.memref_squeeze %dma_wait3A_654 : memref<1x32x128xf32, #tpu.memory_space<vmem>> -> memref<32x128xf32, #tpu.memory_space<vmem>>
      %dma_wait3A_656 = arith.constant 0 : i32
      %dma_wait3A_657 = tpu.memref_slice %arg4[%dma_wait3A_656, %multiple_of3A_268] : memref<32x1000000xf32, #tpu.memory_space<hbm>> -> memref<32x128xf32, #tpu.memory_space<hbm>>
      tpu.wait_dma2 semaphore(%arg16 : memref<!tpu.dma_semaphore, #tpu.memory_space<semaphore_mem>>) src(%dma_wait3A_657 : memref<32x128xf32, #tpu.memory_space<hbm>>) dst(%dma_wait3A_655 : memref<32x128xf32, #tpu.memory_space<vmem>>)
      %dma_wait3A_658 = arith.constant 3 : i32
      %dma_wait3A_659 = arith.constant 0 : i32
      %dma_wait3A_660 = arith.constant 0 : i32
      %dma_wait3A_661 = tpu.memref_slice %arg11[%dma_wait3A_658, %dma_wait3A_659, %dma_wait3A_660] : memref<16x32x128xf32, #tpu.memory_space<vmem>> -> memref<1x32x128xf32, #tpu.memory_space<vmem>>
      %dma_wait3A_662 = tpu.memref_squeeze %dma_wait3A_661 : memref<1x32x128xf32, #tpu.memory_space<vmem>> -> memref<32x128xf32, #tpu.memory_space<vmem>>
      %dma_wait3A_663 = arith.constant 0 : i32
      %dma_wait3A_664 = tpu.memref_slice %arg4[%dma_wait3A_663, %multiple_of3A_294] : memref<32x1000000xf32, #tpu.memory_space<hbm>> -> memref<32x128xf32, #tpu.memory_space<hbm>>
      %dma_wait3A_665 = arith.constant 0 : i32
      %dma_wait3A_666 = arith.constant 0 : i32
      %dma_wait3A_667 = tpu.memref_slice %arg11[%dma_wait3A_658, %dma_wait3A_665, %dma_wait3A_666] : memref<16x32x128xf32, #tpu.memory_space<vmem>> -> memref<1x32x128xf32, #tpu.memory_space<vmem>>
      %dma_wait3A_668 = tpu.memref_squeeze %dma_wait3A_667 : memref<1x32x128xf32, #tpu.memory_space<vmem>> -> memref<32x128xf32, #tpu.memory_space<vmem>>
      %dma_wait3A_669 = arith.constant 0 : i32
      %dma_wait3A_670 = tpu.memref_slice %arg4[%dma_wait3A_669, %multiple_of3A_294] : memref<32x1000000xf32, #tpu.memory_space<hbm>> -> memref<32x128xf32, #tpu.memory_space<hbm>>
      tpu.wait_dma2 semaphore(%arg16 : memref<!tpu.dma_semaphore, #tpu.memory_space<semaphore_mem>>) src(%dma_wait3A_670 : memref<32x128xf32, #tpu.memory_space<hbm>>) dst(%dma_wait3A_668 : memref<32x128xf32, #tpu.memory_space<vmem>>)
      %dma_wait3A_671 = arith.constant 4 : i32
      %dma_wait3A_672 = arith.constant 0 : i32
      %dma_wait3A_673 = arith.constant 0 : i32
      %dma_wait3A_674 = tpu.memref_slice %arg11[%dma_wait3A_671, %dma_wait3A_672, %dma_wait3A_673] : memref<16x32x128xf32, #tpu.memory_space<vmem>> -> memref<1x32x128xf32, #tpu.memory_space<vmem>>
      %dma_wait3A_675 = tpu.memref_squeeze %dma_wait3A_674 : memref<1x32x128xf32, #tpu.memory_space<vmem>> -> memref<32x128xf32, #tpu.memory_space<vmem>>
      %dma_wait3A_676 = arith.constant 0 : i32
      %dma_wait3A_677 = tpu.memref_slice %arg4[%dma_wait3A_676, %multiple_of3A_320] : memref<32x1000000xf32, #tpu.memory_space<hbm>> -> memref<32x128xf32, #tpu.memory_space<hbm>>
      %dma_wait3A_678 = arith.constant 0 : i32
      %dma_wait3A_679 = arith.constant 0 : i32
      %dma_wait3A_680 = tpu.memref_slice %arg11[%dma_wait3A_671, %dma_wait3A_678, %dma_wait3A_679] : memref<16x32x128xf32, #tpu.memory_space<vmem>> -> memref<1x32x128xf32, #tpu.memory_space<vmem>>
      %dma_wait3A_681 = tpu.memref_squeeze %dma_wait3A_680 : memref<1x32x128xf32, #tpu.memory_space<vmem>> -> memref<32x128xf32, #tpu.memory_space<vmem>>
      %dma_wait3A_682 = arith.constant 0 : i32
      %dma_wait3A_683 = tpu.memref_slice %arg4[%dma_wait3A_682, %multiple_of3A_320] : memref<32x1000000xf32, #tpu.memory_space<hbm>> -> memref<32x128xf32, #tpu.memory_space<hbm>>
      tpu.wait_dma2 semaphore(%arg16 : memref<!tpu.dma_semaphore, #tpu.memory_space<semaphore_mem>>) src(%dma_wait3A_683 : memref<32x128xf32, #tpu.memory_space<hbm>>) dst(%dma_wait3A_681 : memref<32x128xf32, #tpu.memory_space<vmem>>)
      %dma_wait3A_684 = arith.constant 5 : i32
      %dma_wait3A_685 = arith.constant 0 : i32
      %dma_wait3A_686 = arith.constant 0 : i32
      %dma_wait3A_687 = tpu.memref_slice %arg11[%dma_wait3A_684, %dma_wait3A_685, %dma_wait3A_686] : memref<16x32x128xf32, #tpu.memory_space<vmem>> -> memref<1x32x128xf32, #tpu.memory_space<vmem>>
      %dma_wait3A_688 = tpu.memref_squeeze %dma_wait3A_687 : memref<1x32x128xf32, #tpu.memory_space<vmem>> -> memref<32x128xf32, #tpu.memory_space<vmem>>
      %dma_wait3A_689 = arith.constant 0 : i32
      %dma_wait3A_690 = tpu.memref_slice %arg4[%dma_wait3A_689, %multiple_of3A_346] : memref<32x1000000xf32, #tpu.memory_space<hbm>> -> memref<32x128xf32, #tpu.memory_space<hbm>>
      %dma_wait3A_691 = arith.constant 0 : i32
      %dma_wait3A_692 = arith.constant 0 : i32
      %dma_wait3A_693 = tpu.memref_slice %arg11[%dma_wait3A_684, %dma_wait3A_691, %dma_wait3A_692] : memref<16x32x128xf32, #tpu.memory_space<vmem>> -> memref<1x32x128xf32, #tpu.memory_space<vmem>>
      %dma_wait3A_694 = tpu.memref_squeeze %dma_wait3A_693 : memref<1x32x128xf32, #tpu.memory_space<vmem>> -> memref<32x128xf32, #tpu.memory_space<vmem>>
      %dma_wait3A_695 = arith.constant 0 : i32
      %dma_wait3A_696 = tpu.memref_slice %arg4[%dma_wait3A_695, %multiple_of3A_346] : memref<32x1000000xf32, #tpu.memory_space<hbm>> -> memref<32x128xf32, #tpu.memory_space<hbm>>
      tpu.wait_dma2 semaphore(%arg16 : memref<!tpu.dma_semaphore, #tpu.memory_space<semaphore_mem>>) src(%dma_wait3A_696 : memref<32x128xf32, #tpu.memory_space<hbm>>) dst(%dma_wait3A_694 : memref<32x128xf32, #tpu.memory_space<vmem>>)
      %dma_wait3A_697 = arith.constant 6 : i32
      %dma_wait3A_698 = arith.constant 0 : i32
      %dma_wait3A_699 = arith.constant 0 : i32
      %dma_wait3A_700 = tpu.memref_slice %arg11[%dma_wait3A_697, %dma_wait3A_698, %dma_wait3A_699] : memref<16x32x128xf32, #tpu.memory_space<vmem>> -> memref<1x32x128xf32, #tpu.memory_space<vmem>>
      %dma_wait3A_701 = tpu.memref_squeeze %dma_wait3A_700 : memref<1x32x128xf32, #tpu.memory_space<vmem>> -> memref<32x128xf32, #tpu.memory_space<vmem>>
      %dma_wait3A_702 = arith.constant 0 : i32
      %dma_wait3A_703 = tpu.memref_slice %arg4[%dma_wait3A_702, %multiple_of3A_372] : memref<32x1000000xf32, #tpu.memory_space<hbm>> -> memref<32x128xf32, #tpu.memory_space<hbm>>
      %dma_wait3A_704 = arith.constant 0 : i32
      %dma_wait3A_705 = arith.constant 0 : i32
      %dma_wait3A_706 = tpu.memref_slice %arg11[%dma_wait3A_697, %dma_wait3A_704, %dma_wait3A_705] : memref<16x32x128xf32, #tpu.memory_space<vmem>> -> memref<1x32x128xf32, #tpu.memory_space<vmem>>
      %dma_wait3A_707 = tpu.memref_squeeze %dma_wait3A_706 : memref<1x32x128xf32, #tpu.memory_space<vmem>> -> memref<32x128xf32, #tpu.memory_space<vmem>>
      %dma_wait3A_708 = arith.constant 0 : i32
      %dma_wait3A_709 = tpu.memref_slice %arg4[%dma_wait3A_708, %multiple_of3A_372] : memref<32x1000000xf32, #tpu.memory_space<hbm>> -> memref<32x128xf32, #tpu.memory_space<hbm>>
      tpu.wait_dma2 semaphore(%arg16 : memref<!tpu.dma_semaphore, #tpu.memory_space<semaphore_mem>>) src(%dma_wait3A_709 : memref<32x128xf32, #tpu.memory_space<hbm>>) dst(%dma_wait3A_707 : memref<32x128xf32, #tpu.memory_space<vmem>>)
      %dma_wait3A_710 = arith.constant 7 : i32
      %dma_wait3A_711 = arith.constant 0 : i32
      %dma_wait3A_712 = arith.constant 0 : i32
      %dma_wait3A_713 = tpu.memref_slice %arg11[%dma_wait3A_710, %dma_wait3A_711, %dma_wait3A_712] : memref<16x32x128xf32, #tpu.memory_space<vmem>> -> memref<1x32x128xf32, #tpu.memory_space<vmem>>
      %dma_wait3A_714 = tpu.memref_squeeze %dma_wait3A_713 : memref<1x32x128xf32, #tpu.memory_space<vmem>> -> memref<32x128xf32, #tpu.memory_space<vmem>>
      %dma_wait3A_715 = arith.constant 0 : i32
      %dma_wait3A_716 = tpu.memref_slice %arg4[%dma_wait3A_715, %multiple_of3A_398] : memref<32x1000000xf32, #tpu.memory_space<hbm>> -> memref<32x128xf32, #tpu.memory_space<hbm>>
      %dma_wait3A_717 = arith.constant 0 : i32
      %dma_wait3A_718 = arith.constant 0 : i32
      %dma_wait3A_719 = tpu.memref_slice %arg11[%dma_wait3A_710, %dma_wait3A_717, %dma_wait3A_718] : memref<16x32x128xf32, #tpu.memory_space<vmem>> -> memref<1x32x128xf32, #tpu.memory_space<vmem>>
      %dma_wait3A_720 = tpu.memref_squeeze %dma_wait3A_719 : memref<1x32x128xf32, #tpu.memory_space<vmem>> -> memref<32x128xf32, #tpu.memory_space<vmem>>
      %dma_wait3A_721 = arith.constant 0 : i32
      %dma_wait3A_722 = tpu.memref_slice %arg4[%dma_wait3A_721, %multiple_of3A_398] : memref<32x1000000xf32, #tpu.memory_space<hbm>> -> memref<32x128xf32, #tpu.memory_space<hbm>>
      tpu.wait_dma2 semaphore(%arg16 : memref<!tpu.dma_semaphore, #tpu.memory_space<semaphore_mem>>) src(%dma_wait3A_722 : memref<32x128xf32, #tpu.memory_space<hbm>>) dst(%dma_wait3A_720 : memref<32x128xf32, #tpu.memory_space<vmem>>)
      %dma_wait3A_723 = arith.constant 8 : i32
      %dma_wait3A_724 = arith.constant 0 : i32
      %dma_wait3A_725 = arith.constant 0 : i32
      %dma_wait3A_726 = tpu.memref_slice %arg11[%dma_wait3A_723, %dma_wait3A_724, %dma_wait3A_725] : memref<16x32x128xf32, #tpu.memory_space<vmem>> -> memref<1x32x128xf32, #tpu.memory_space<vmem>>
      %dma_wait3A_727 = tpu.memref_squeeze %dma_wait3A_726 : memref<1x32x128xf32, #tpu.memory_space<vmem>> -> memref<32x128xf32, #tpu.memory_space<vmem>>
      %dma_wait3A_728 = arith.constant 0 : i32
      %dma_wait3A_729 = tpu.memref_slice %arg4[%dma_wait3A_728, %multiple_of3A_424] : memref<32x1000000xf32, #tpu.memory_space<hbm>> -> memref<32x128xf32, #tpu.memory_space<hbm>>
      %dma_wait3A_730 = arith.constant 0 : i32
      %dma_wait3A_731 = arith.constant 0 : i32
      %dma_wait3A_732 = tpu.memref_slice %arg11[%dma_wait3A_723, %dma_wait3A_730, %dma_wait3A_731] : memref<16x32x128xf32, #tpu.memory_space<vmem>> -> memref<1x32x128xf32, #tpu.memory_space<vmem>>
      %dma_wait3A_733 = tpu.memref_squeeze %dma_wait3A_732 : memref<1x32x128xf32, #tpu.memory_space<vmem>> -> memref<32x128xf32, #tpu.memory_space<vmem>>
      %dma_wait3A_734 = arith.constant 0 : i32
      %dma_wait3A_735 = tpu.memref_slice %arg4[%dma_wait3A_734, %multiple_of3A_424] : memref<32x1000000xf32, #tpu.memory_space<hbm>> -> memref<32x128xf32, #tpu.memory_space<hbm>>
      tpu.wait_dma2 semaphore(%arg16 : memref<!tpu.dma_semaphore, #tpu.memory_space<semaphore_mem>>) src(%dma_wait3A_735 : memref<32x128xf32, #tpu.memory_space<hbm>>) dst(%dma_wait3A_733 : memref<32x128xf32, #tpu.memory_space<vmem>>)
      %dma_wait3A_736 = arith.constant 9 : i32
      %dma_wait3A_737 = arith.constant 0 : i32
      %dma_wait3A_738 = arith.constant 0 : i32
      %dma_wait3A_739 = tpu.memref_slice %arg11[%dma_wait3A_736, %dma_wait3A_737, %dma_wait3A_738] : memref<16x32x128xf32, #tpu.memory_space<vmem>> -> memref<1x32x128xf32, #tpu.memory_space<vmem>>
      %dma_wait3A_740 = tpu.memref_squeeze %dma_wait3A_739 : memref<1x32x128xf32, #tpu.memory_space<vmem>> -> memref<32x128xf32, #tpu.memory_space<vmem>>
      %dma_wait3A_741 = arith.constant 0 : i32
      %dma_wait3A_742 = tpu.memref_slice %arg4[%dma_wait3A_741, %multiple_of3A_450] : memref<32x1000000xf32, #tpu.memory_space<hbm>> -> memref<32x128xf32, #tpu.memory_space<hbm>>
      %dma_wait3A_743 = arith.constant 0 : i32
      %dma_wait3A_744 = arith.constant 0 : i32
      %dma_wait3A_745 = tpu.memref_slice %arg11[%dma_wait3A_736, %dma_wait3A_743, %dma_wait3A_744] : memref<16x32x128xf32, #tpu.memory_space<vmem>> -> memref<1x32x128xf32, #tpu.memory_space<vmem>>
      %dma_wait3A_746 = tpu.memref_squeeze %dma_wait3A_745 : memref<1x32x128xf32, #tpu.memory_space<vmem>> -> memref<32x128xf32, #tpu.memory_space<vmem>>
      %dma_wait3A_747 = arith.constant 0 : i32
      %dma_wait3A_748 = tpu.memref_slice %arg4[%dma_wait3A_747, %multiple_of3A_450] : memref<32x1000000xf32, #tpu.memory_space<hbm>> -> memref<32x128xf32, #tpu.memory_space<hbm>>
      tpu.wait_dma2 semaphore(%arg16 : memref<!tpu.dma_semaphore, #tpu.memory_space<semaphore_mem>>) src(%dma_wait3A_748 : memref<32x128xf32, #tpu.memory_space<hbm>>) dst(%dma_wait3A_746 : memref<32x128xf32, #tpu.memory_space<vmem>>)
      %dma_wait3A_749 = arith.constant 10 : i32
      %dma_wait3A_750 = arith.constant 0 : i32
      %dma_wait3A_751 = arith.constant 0 : i32
      %dma_wait3A_752 = tpu.memref_slice %arg11[%dma_wait3A_749, %dma_wait3A_750, %dma_wait3A_751] : memref<16x32x128xf32, #tpu.memory_space<vmem>> -> memref<1x32x128xf32, #tpu.memory_space<vmem>>
      %dma_wait3A_753 = tpu.memref_squeeze %dma_wait3A_752 : memref<1x32x128xf32, #tpu.memory_space<vmem>> -> memref<32x128xf32, #tpu.memory_space<vmem>>
      %dma_wait3A_754 = arith.constant 0 : i32
      %dma_wait3A_755 = tpu.memref_slice %arg4[%dma_wait3A_754, %multiple_of3A_476] : memref<32x1000000xf32, #tpu.memory_space<hbm>> -> memref<32x128xf32, #tpu.memory_space<hbm>>
      %dma_wait3A_756 = arith.constant 0 : i32
      %dma_wait3A_757 = arith.constant 0 : i32
      %dma_wait3A_758 = tpu.memref_slice %arg11[%dma_wait3A_749, %dma_wait3A_756, %dma_wait3A_757] : memref<16x32x128xf32, #tpu.memory_space<vmem>> -> memref<1x32x128xf32, #tpu.memory_space<vmem>>
      %dma_wait3A_759 = tpu.memref_squeeze %dma_wait3A_758 : memref<1x32x128xf32, #tpu.memory_space<vmem>> -> memref<32x128xf32, #tpu.memory_space<vmem>>
      %dma_wait3A_760 = arith.constant 0 : i32
      %dma_wait3A_761 = tpu.memref_slice %arg4[%dma_wait3A_760, %multiple_of3A_476] : memref<32x1000000xf32, #tpu.memory_space<hbm>> -> memref<32x128xf32, #tpu.memory_space<hbm>>
      tpu.wait_dma2 semaphore(%arg16 : memref<!tpu.dma_semaphore, #tpu.memory_space<semaphore_mem>>) src(%dma_wait3A_761 : memref<32x128xf32, #tpu.memory_space<hbm>>) dst(%dma_wait3A_759 : memref<32x128xf32, #tpu.memory_space<vmem>>)
      %dma_wait3A_762 = arith.constant 11 : i32
      %dma_wait3A_763 = arith.constant 0 : i32
      %dma_wait3A_764 = arith.constant 0 : i32
      %dma_wait3A_765 = tpu.memref_slice %arg11[%dma_wait3A_762, %dma_wait3A_763, %dma_wait3A_764] : memref<16x32x128xf32, #tpu.memory_space<vmem>> -> memref<1x32x128xf32, #tpu.memory_space<vmem>>
      %dma_wait3A_766 = tpu.memref_squeeze %dma_wait3A_765 : memref<1x32x128xf32, #tpu.memory_space<vmem>> -> memref<32x128xf32, #tpu.memory_space<vmem>>
      %dma_wait3A_767 = arith.constant 0 : i32
      %dma_wait3A_768 = tpu.memref_slice %arg4[%dma_wait3A_767, %multiple_of3A_502] : memref<32x1000000xf32, #tpu.memory_space<hbm>> -> memref<32x128xf32, #tpu.memory_space<hbm>>
      %dma_wait3A_769 = arith.constant 0 : i32
      %dma_wait3A_770 = arith.constant 0 : i32
      %dma_wait3A_771 = tpu.memref_slice %arg11[%dma_wait3A_762, %dma_wait3A_769, %dma_wait3A_770] : memref<16x32x128xf32, #tpu.memory_space<vmem>> -> memref<1x32x128xf32, #tpu.memory_space<vmem>>
      %dma_wait3A_772 = tpu.memref_squeeze %dma_wait3A_771 : memref<1x32x128xf32, #tpu.memory_space<vmem>> -> memref<32x128xf32, #tpu.memory_space<vmem>>
      %dma_wait3A_773 = arith.constant 0 : i32
      %dma_wait3A_774 = tpu.memref_slice %arg4[%dma_wait3A_773, %multiple_of3A_502] : memref<32x1000000xf32, #tpu.memory_space<hbm>> -> memref<32x128xf32, #tpu.memory_space<hbm>>
      tpu.wait_dma2 semaphore(%arg16 : memref<!tpu.dma_semaphore, #tpu.memory_space<semaphore_mem>>) src(%dma_wait3A_774 : memref<32x128xf32, #tpu.memory_space<hbm>>) dst(%dma_wait3A_772 : memref<32x128xf32, #tpu.memory_space<vmem>>)
      %dma_wait3A_775 = arith.constant 12 : i32
      %dma_wait3A_776 = arith.constant 0 : i32
      %dma_wait3A_777 = arith.constant 0 : i32
      %dma_wait3A_778 = tpu.memref_slice %arg11[%dma_wait3A_775, %dma_wait3A_776, %dma_wait3A_777] : memref<16x32x128xf32, #tpu.memory_space<vmem>> -> memref<1x32x128xf32, #tpu.memory_space<vmem>>
      %dma_wait3A_779 = tpu.memref_squeeze %dma_wait3A_778 : memref<1x32x128xf32, #tpu.memory_space<vmem>> -> memref<32x128xf32, #tpu.memory_space<vmem>>
      %dma_wait3A_780 = arith.constant 0 : i32
      %dma_wait3A_781 = tpu.memref_slice %arg4[%dma_wait3A_780, %multiple_of3A_528] : memref<32x1000000xf32, #tpu.memory_space<hbm>> -> memref<32x128xf32, #tpu.memory_space<hbm>>
      %dma_wait3A_782 = arith.constant 0 : i32
      %dma_wait3A_783 = arith.constant 0 : i32
      %dma_wait3A_784 = tpu.memref_slice %arg11[%dma_wait3A_775, %dma_wait3A_782, %dma_wait3A_783] : memref<16x32x128xf32, #tpu.memory_space<vmem>> -> memref<1x32x128xf32, #tpu.memory_space<vmem>>
      %dma_wait3A_785 = tpu.memref_squeeze %dma_wait3A_784 : memref<1x32x128xf32, #tpu.memory_space<vmem>> -> memref<32x128xf32, #tpu.memory_space<vmem>>
      %dma_wait3A_786 = arith.constant 0 : i32
      %dma_wait3A_787 = tpu.memref_slice %arg4[%dma_wait3A_786, %multiple_of3A_528] : memref<32x1000000xf32, #tpu.memory_space<hbm>> -> memref<32x128xf32, #tpu.memory_space<hbm>>
      tpu.wait_dma2 semaphore(%arg16 : memref<!tpu.dma_semaphore, #tpu.memory_space<semaphore_mem>>) src(%dma_wait3A_787 : memref<32x128xf32, #tpu.memory_space<hbm>>) dst(%dma_wait3A_785 : memref<32x128xf32, #tpu.memory_space<vmem>>)
      %dma_wait3A_788 = arith.constant 13 : i32
      %dma_wait3A_789 = arith.constant 0 : i32
      %dma_wait3A_790 = arith.constant 0 : i32
      %dma_wait3A_791 = tpu.memref_slice %arg11[%dma_wait3A_788, %dma_wait3A_789, %dma_wait3A_790] : memref<16x32x128xf32, #tpu.memory_space<vmem>> -> memref<1x32x128xf32, #tpu.memory_space<vmem>>
      %dma_wait3A_792 = tpu.memref_squeeze %dma_wait3A_791 : memref<1x32x128xf32, #tpu.memory_space<vmem>> -> memref<32x128xf32, #tpu.memory_space<vmem>>
      %dma_wait3A_793 = arith.constant 0 : i32
      %dma_wait3A_794 = tpu.memref_slice %arg4[%dma_wait3A_793, %multiple_of3A_554] : memref<32x1000000xf32, #tpu.memory_space<hbm>> -> memref<32x128xf32, #tpu.memory_space<hbm>>
      %dma_wait3A_795 = arith.constant 0 : i32
      %dma_wait3A_796 = arith.constant 0 : i32
      %dma_wait3A_797 = tpu.memref_slice %arg11[%dma_wait3A_788, %dma_wait3A_795, %dma_wait3A_796] : memref<16x32x128xf32, #tpu.memory_space<vmem>> -> memref<1x32x128xf32, #tpu.memory_space<vmem>>
      %dma_wait3A_798 = tpu.memref_squeeze %dma_wait3A_797 : memref<1x32x128xf32, #tpu.memory_space<vmem>> -> memref<32x128xf32, #tpu.memory_space<vmem>>
      %dma_wait3A_799 = arith.constant 0 : i32
      %dma_wait3A_800 = tpu.memref_slice %arg4[%dma_wait3A_799, %multiple_of3A_554] : memref<32x1000000xf32, #tpu.memory_space<hbm>> -> memref<32x128xf32, #tpu.memory_space<hbm>>
      tpu.wait_dma2 semaphore(%arg16 : memref<!tpu.dma_semaphore, #tpu.memory_space<semaphore_mem>>) src(%dma_wait3A_800 : memref<32x128xf32, #tpu.memory_space<hbm>>) dst(%dma_wait3A_798 : memref<32x128xf32, #tpu.memory_space<vmem>>)
      %dma_wait3A_801 = arith.constant 14 : i32
      %dma_wait3A_802 = arith.constant 0 : i32
      %dma_wait3A_803 = arith.constant 0 : i32
      %dma_wait3A_804 = tpu.memref_slice %arg11[%dma_wait3A_801, %dma_wait3A_802, %dma_wait3A_803] : memref<16x32x128xf32, #tpu.memory_space<vmem>> -> memref<1x32x128xf32, #tpu.memory_space<vmem>>
      %dma_wait3A_805 = tpu.memref_squeeze %dma_wait3A_804 : memref<1x32x128xf32, #tpu.memory_space<vmem>> -> memref<32x128xf32, #tpu.memory_space<vmem>>
      %dma_wait3A_806 = arith.constant 0 : i32
      %dma_wait3A_807 = tpu.memref_slice %arg4[%dma_wait3A_806, %multiple_of3A_580] : memref<32x1000000xf32, #tpu.memory_space<hbm>> -> memref<32x128xf32, #tpu.memory_space<hbm>>
      %dma_wait3A_808 = arith.constant 0 : i32
      %dma_wait3A_809 = arith.constant 0 : i32
      %dma_wait3A_810 = tpu.memref_slice %arg11[%dma_wait3A_801, %dma_wait3A_808, %dma_wait3A_809] : memref<16x32x128xf32, #tpu.memory_space<vmem>> -> memref<1x32x128xf32, #tpu.memory_space<vmem>>
      %dma_wait3A_811 = tpu.memref_squeeze %dma_wait3A_810 : memref<1x32x128xf32, #tpu.memory_space<vmem>> -> memref<32x128xf32, #tpu.memory_space<vmem>>
      %dma_wait3A_812 = arith.constant 0 : i32
      %dma_wait3A_813 = tpu.memref_slice %arg4[%dma_wait3A_812, %multiple_of3A_580] : memref<32x1000000xf32, #tpu.memory_space<hbm>> -> memref<32x128xf32, #tpu.memory_space<hbm>>
      tpu.wait_dma2 semaphore(%arg16 : memref<!tpu.dma_semaphore, #tpu.memory_space<semaphore_mem>>) src(%dma_wait3A_813 : memref<32x128xf32, #tpu.memory_space<hbm>>) dst(%dma_wait3A_811 : memref<32x128xf32, #tpu.memory_space<vmem>>)
      %dma_wait3A_814 = arith.constant 15 : i32
      %dma_wait3A_815 = arith.constant 0 : i32
      %dma_wait3A_816 = arith.constant 0 : i32
      %dma_wait3A_817 = tpu.memref_slice %arg11[%dma_wait3A_814, %dma_wait3A_815, %dma_wait3A_816] : memref<16x32x128xf32, #tpu.memory_space<vmem>> -> memref<1x32x128xf32, #tpu.memory_space<vmem>>
      %dma_wait3A_818 = tpu.memref_squeeze %dma_wait3A_817 : memref<1x32x128xf32, #tpu.memory_space<vmem>> -> memref<32x128xf32, #tpu.memory_space<vmem>>
      %dma_wait3A_819 = arith.constant 0 : i32
      %dma_wait3A_820 = tpu.memref_slice %arg4[%dma_wait3A_819, %multiple_of3A_606] : memref<32x1000000xf32, #tpu.memory_space<hbm>> -> memref<32x128xf32, #tpu.memory_space<hbm>>
      %dma_wait3A_821 = arith.constant 0 : i32
      %dma_wait3A_822 = arith.constant 0 : i32
      %dma_wait3A_823 = tpu.memref_slice %arg11[%dma_wait3A_814, %dma_wait3A_821, %dma_wait3A_822] : memref<16x32x128xf32, #tpu.memory_space<vmem>> -> memref<1x32x128xf32, #tpu.memory_space<vmem>>
      %dma_wait3A_824 = tpu.memref_squeeze %dma_wait3A_823 : memref<1x32x128xf32, #tpu.memory_space<vmem>> -> memref<32x128xf32, #tpu.memory_space<vmem>>
      %dma_wait3A_825 = arith.constant 0 : i32
      %dma_wait3A_826 = tpu.memref_slice %arg4[%dma_wait3A_825, %multiple_of3A_606] : memref<32x1000000xf32, #tpu.memory_space<hbm>> -> memref<32x128xf32, #tpu.memory_space<hbm>>
      tpu.wait_dma2 semaphore(%arg16 : memref<!tpu.dma_semaphore, #tpu.memory_space<semaphore_mem>>) src(%dma_wait3A_826 : memref<32x128xf32, #tpu.memory_space<hbm>>) dst(%dma_wait3A_824 : memref<32x128xf32, #tpu.memory_space<vmem>>)
      %mul3A_827 = arith.constant 16 : i32
      %mul3A_828 = arith.muli %scan3A_208, %mul3A_827 : i32
      %get3A_829 = arith.index_cast %mul3A_828 : i32 to index
      %get3A_830 = tpu.vector_load %arg9[%get3A_829] {strides = array<i32>} : memref<528xi32, #tpu.memory_space<vmem>>, vector<16xi32>,
      %and3A = arith.constant 127 : i32
      %and3A_831 = vector.broadcast %and3A : i32 to vector<16xi32>
      %and3A_832 = arith.andi %get3A_830, %and3A_831 : vector<16xi32>
      %gather3A = tpu.vector_load_idx %arg11[%iota3A, %broadcast_in_dim3A_3, %and3A_832] : memref<16x32x128xf32, #tpu.memory_space<vmem>>[vector<16xi32>, vector<16xi32>, vector<16xi32>], vector<16xf32>,
      %mul3A_833 = arith.constant 16 : i32
      %mul3A_834 = arith.muli %scan3A_208, %mul3A_833 : i32
      %swap3A = arith.constant 0 : i32
      %swap3A_835 = arith.index_cast %swap3A : i32 to index
      %swap3A_836 = arith.index_cast %mul3A_834 : i32 to index
      %swap3A_837 = tpu.vector_load %arg12[%swap3A_835, %swap3A_836] {strides = array<i32>} : memref<32x512xf32, #tpu.memory_space<vmem>>, vector<16xf32>,
      tpu.vector_store %arg12[%swap3A_835, %swap3A_836], %gather3A {strides = array<i32>} : memref<32x512xf32, #tpu.memory_space<vmem>>, vector<16xf32>,
      %gather3A_838 = tpu.vector_load_idx %arg11[%iota3A, %broadcast_in_dim3A_5, %and3A_832] : memref<16x32x128xf32, #tpu.memory_space<vmem>>[vector<16xi32>, vector<16xi32>, vector<16xi32>], vector<16xf32>,
      %mul3A_839 = arith.constant 16 : i32
      %mul3A_840 = arith.muli %scan3A_208, %mul3A_839 : i32
      %swap3A_841 = arith.constant 1 : i32
      %swap3A_842 = arith.index_cast %swap3A_841 : i32 to index
      %swap3A_843 = arith.index_cast %mul3A_840 : i32 to index
      %swap3A_844 = tpu.vector_load %arg12[%swap3A_842, %swap3A_843] {strides = array<i32>} : memref<32x512xf32, #tpu.memory_space<vmem>>, vector<16xf32>,
      tpu.vector_store %arg12[%swap3A_842, %swap3A_843], %gather3A_838 {strides = array<i32>} : memref<32x512xf32, #tpu.memory_space<vmem>>, vector<16xf32>,
      %gather3A_845 = tpu.vector_load_idx %arg11[%iota3A, %broadcast_in_dim3A_7, %and3A_832] : memref<16x32x128xf32, #tpu.memory_space<vmem>>[vector<16xi32>, vector<16xi32>, vector<16xi32>], vector<16xf32>,
      %mul3A_846 = arith.constant 16 : i32
      %mul3A_847 = arith.muli %scan3A_208, %mul3A_846 : i32
      %swap3A_848 = arith.constant 2 : i32
      %swap3A_849 = arith.index_cast %swap3A_848 : i32 to index
      %swap3A_850 = arith.index_cast %mul3A_847 : i32 to index
      %swap3A_851 = tpu.vector_load %arg12[%swap3A_849, %swap3A_850] {strides = array<i32>} : memref<32x512xf32, #tpu.memory_space<vmem>>, vector<16xf32>,
      tpu.vector_store %arg12[%swap3A_849, %swap3A_850], %gather3A_845 {strides = array<i32>} : memref<32x512xf32, #tpu.memory_space<vmem>>, vector<16xf32>,
      %gather3A_852 = tpu.vector_load_idx %arg11[%iota3A, %broadcast_in_dim3A_9, %and3A_832] : memref<16x32x128xf32, #tpu.memory_space<vmem>>[vector<16xi32>, vector<16xi32>, vector<16xi32>], vector<16xf32>,
      %mul3A_853 = arith.constant 16 : i32
      %mul3A_854 = arith.muli %scan3A_208, %mul3A_853 : i32
      %swap3A_855 = arith.constant 3 : i32
      %swap3A_856 = arith.index_cast %swap3A_855 : i32 to index
      %swap3A_857 = arith.index_cast %mul3A_854 : i32 to index
      %swap3A_858 = tpu.vector_load %arg12[%swap3A_856, %swap3A_857] {strides = array<i32>} : memref<32x512xf32, #tpu.memory_space<vmem>>, vector<16xf32>,
      tpu.vector_store %arg12[%swap3A_856, %swap3A_857], %gather3A_852 {strides = array<i32>} : memref<32x512xf32, #tpu.memory_space<vmem>>, vector<16xf32>,
      %gather3A_859 = tpu.vector_load_idx %arg11[%iota3A, %broadcast_in_dim3A_11, %and3A_832] : memref<16x32x128xf32, #tpu.memory_space<vmem>>[vector<16xi32>, vector<16xi32>, vector<16xi32>], vector<16xf32>,
      %mul3A_860 = arith.constant 16 : i32
      %mul3A_861 = arith.muli %scan3A_208, %mul3A_860 : i32
      %swap3A_862 = arith.constant 4 : i32
      %swap3A_863 = arith.index_cast %swap3A_862 : i32 to index
      %swap3A_864 = arith.index_cast %mul3A_861 : i32 to index
      %swap3A_865 = tpu.vector_load %arg12[%swap3A_863, %swap3A_864] {strides = array<i32>} : memref<32x512xf32, #tpu.memory_space<vmem>>, vector<16xf32>,
      tpu.vector_store %arg12[%swap3A_863, %swap3A_864], %gather3A_859 {strides = array<i32>} : memref<32x512xf32, #tpu.memory_space<vmem>>, vector<16xf32>,
      %gather3A_866 = tpu.vector_load_idx %arg11[%iota3A, %broadcast_in_dim3A_13, %and3A_832] : memref<16x32x128xf32, #tpu.memory_space<vmem>>[vector<16xi32>, vector<16xi32>, vector<16xi32>], vector<16xf32>,
      %mul3A_867 = arith.constant 16 : i32
      %mul3A_868 = arith.muli %scan3A_208, %mul3A_867 : i32
      %swap3A_869 = arith.constant 5 : i32
      %swap3A_870 = arith.index_cast %swap3A_869 : i32 to index
      %swap3A_871 = arith.index_cast %mul3A_868 : i32 to index
      %swap3A_872 = tpu.vector_load %arg12[%swap3A_870, %swap3A_871] {strides = array<i32>} : memref<32x512xf32, #tpu.memory_space<vmem>>, vector<16xf32>,
      tpu.vector_store %arg12[%swap3A_870, %swap3A_871], %gather3A_866 {strides = array<i32>} : memref<32x512xf32, #tpu.memory_space<vmem>>, vector<16xf32>,
      %gather3A_873 = tpu.vector_load_idx %arg11[%iota3A, %broadcast_in_dim3A_15, %and3A_832] : memref<16x32x128xf32, #tpu.memory_space<vmem>>[vector<16xi32>, vector<16xi32>, vector<16xi32>], vector<16xf32>,
      %mul3A_874 = arith.constant 16 : i32
      %mul3A_875 = arith.muli %scan3A_208, %mul3A_874 : i32
      %swap3A_876 = arith.constant 6 : i32
      %swap3A_877 = arith.index_cast %swap3A_876 : i32 to index
      %swap3A_878 = arith.index_cast %mul3A_875 : i32 to index
      %swap3A_879 = tpu.vector_load %arg12[%swap3A_877, %swap3A_878] {strides = array<i32>} : memref<32x512xf32, #tpu.memory_space<vmem>>, vector<16xf32>,
      tpu.vector_store %arg12[%swap3A_877, %swap3A_878], %gather3A_873 {strides = array<i32>} : memref<32x512xf32, #tpu.memory_space<vmem>>, vector<16xf32>,
      %gather3A_880 = tpu.vector_load_idx %arg11[%iota3A, %broadcast_in_dim3A_17, %and3A_832] : memref<16x32x128xf32, #tpu.memory_space<vmem>>[vector<16xi32>, vector<16xi32>, vector<16xi32>], vector<16xf32>,
      %mul3A_881 = arith.constant 16 : i32
      %mul3A_882 = arith.muli %scan3A_208, %mul3A_881 : i32
      %swap3A_883 = arith.constant 7 : i32
      %swap3A_884 = arith.index_cast %swap3A_883 : i32 to index
      %swap3A_885 = arith.index_cast %mul3A_882 : i32 to index
      %swap3A_886 = tpu.vector_load %arg12[%swap3A_884, %swap3A_885] {strides = array<i32>} : memref<32x512xf32, #tpu.memory_space<vmem>>, vector<16xf32>,
      tpu.vector_store %arg12[%swap3A_884, %swap3A_885], %gather3A_880 {strides = array<i32>} : memref<32x512xf32, #tpu.memory_space<vmem>>, vector<16xf32>,
      %gather3A_887 = tpu.vector_load_idx %arg11[%iota3A, %broadcast_in_dim3A_19, %and3A_832] : memref<16x32x128xf32, #tpu.memory_space<vmem>>[vector<16xi32>, vector<16xi32>, vector<16xi32>], vector<16xf32>,
      %mul3A_888 = arith.constant 16 : i32
      %mul3A_889 = arith.muli %scan3A_208, %mul3A_888 : i32
      %swap3A_890 = arith.constant 8 : i32
      %swap3A_891 = arith.index_cast %swap3A_890 : i32 to index
      %swap3A_892 = arith.index_cast %mul3A_889 : i32 to index
      %swap3A_893 = tpu.vector_load %arg12[%swap3A_891, %swap3A_892] {strides = array<i32>} : memref<32x512xf32, #tpu.memory_space<vmem>>, vector<16xf32>,
      tpu.vector_store %arg12[%swap3A_891, %swap3A_892], %gather3A_887 {strides = array<i32>} : memref<32x512xf32, #tpu.memory_space<vmem>>, vector<16xf32>,
      %gather3A_894 = tpu.vector_load_idx %arg11[%iota3A, %broadcast_in_dim3A_21, %and3A_832] : memref<16x32x128xf32, #tpu.memory_space<vmem>>[vector<16xi32>, vector<16xi32>, vector<16xi32>], vector<16xf32>,
      %mul3A_895 = arith.constant 16 : i32
      %mul3A_896 = arith.muli %scan3A_208, %mul3A_895 : i32
      %swap3A_897 = arith.constant 9 : i32
      %swap3A_898 = arith.index_cast %swap3A_897 : i32 to index
      %swap3A_899 = arith.index_cast %mul3A_896 : i32 to index
      %swap3A_900 = tpu.vector_load %arg12[%swap3A_898, %swap3A_899] {strides = array<i32>} : memref<32x512xf32, #tpu.memory_space<vmem>>, vector<16xf32>,
      tpu.vector_store %arg12[%swap3A_898, %swap3A_899], %gather3A_894 {strides = array<i32>} : memref<32x512xf32, #tpu.memory_space<vmem>>, vector<16xf32>,
      %gather3A_901 = tpu.vector_load_idx %arg11[%iota3A, %broadcast_in_dim3A_23, %and3A_832] : memref<16x32x128xf32, #tpu.memory_space<vmem>>[vector<16xi32>, vector<16xi32>, vector<16xi32>], vector<16xf32>,
      %mul3A_902 = arith.constant 16 : i32
      %mul3A_903 = arith.muli %scan3A_208, %mul3A_902 : i32
      %swap3A_904 = arith.constant 10 : i32
      %swap3A_905 = arith.index_cast %swap3A_904 : i32 to index
      %swap3A_906 = arith.index_cast %mul3A_903 : i32 to index
      %swap3A_907 = tpu.vector_load %arg12[%swap3A_905, %swap3A_906] {strides = array<i32>} : memref<32x512xf32, #tpu.memory_space<vmem>>, vector<16xf32>,
      tpu.vector_store %arg12[%swap3A_905, %swap3A_906], %gather3A_901 {strides = array<i32>} : memref<32x512xf32, #tpu.memory_space<vmem>>, vector<16xf32>,
      %gather3A_908 = tpu.vector_load_idx %arg11[%iota3A, %broadcast_in_dim3A_25, %and3A_832] : memref<16x32x128xf32, #tpu.memory_space<vmem>>[vector<16xi32>, vector<16xi32>, vector<16xi32>], vector<16xf32>,
      %mul3A_909 = arith.constant 16 : i32
      %mul3A_910 = arith.muli %scan3A_208, %mul3A_909 : i32
      %swap3A_911 = arith.constant 11 : i32
      %swap3A_912 = arith.index_cast %swap3A_911 : i32 to index
      %swap3A_913 = arith.index_cast %mul3A_910 : i32 to index
      %swap3A_914 = tpu.vector_load %arg12[%swap3A_912, %swap3A_913] {strides = array<i32>} : memref<32x512xf32, #tpu.memory_space<vmem>>, vector<16xf32>,
      tpu.vector_store %arg12[%swap3A_912, %swap3A_913], %gather3A_908 {strides = array<i32>} : memref<32x512xf32, #tpu.memory_space<vmem>>, vector<16xf32>,
      %gather3A_915 = tpu.vector_load_idx %arg11[%iota3A, %broadcast_in_dim3A_27, %and3A_832] : memref<16x32x128xf32, #tpu.memory_space<vmem>>[vector<16xi32>, vector<16xi32>, vector<16xi32>], vector<16xf32>,
      %mul3A_916 = arith.constant 16 : i32
      %mul3A_917 = arith.muli %scan3A_208, %mul3A_916 : i32
      %swap3A_918 = arith.constant 12 : i32
      %swap3A_919 = arith.index_cast %swap3A_918 : i32 to index
      %swap3A_920 = arith.index_cast %mul3A_917 : i32 to index
      %swap3A_921 = tpu.vector_load %arg12[%swap3A_919, %swap3A_920] {strides = array<i32>} : memref<32x512xf32, #tpu.memory_space<vmem>>, vector<16xf32>,
      tpu.vector_store %arg12[%swap3A_919, %swap3A_920], %gather3A_915 {strides = array<i32>} : memref<32x512xf32, #tpu.memory_space<vmem>>, vector<16xf32>,
      %gather3A_922 = tpu.vector_load_idx %arg11[%iota3A, %broadcast_in_dim3A_29, %and3A_832] : memref<16x32x128xf32, #tpu.memory_space<vmem>>[vector<16xi32>, vector<16xi32>, vector<16xi32>], vector<16xf32>,
      %mul3A_923 = arith.constant 16 : i32
      %mul3A_924 = arith.muli %scan3A_208, %mul3A_923 : i32
      %swap3A_925 = arith.constant 13 : i32
      %swap3A_926 = arith.index_cast %swap3A_925 : i32 to index
      %swap3A_927 = arith.index_cast %mul3A_924 : i32 to index
      %swap3A_928 = tpu.vector_load %arg12[%swap3A_926, %swap3A_927] {strides = array<i32>} : memref<32x512xf32, #tpu.memory_space<vmem>>, vector<16xf32>,
      tpu.vector_store %arg12[%swap3A_926, %swap3A_927], %gather3A_922 {strides = array<i32>} : memref<32x512xf32, #tpu.memory_space<vmem>>, vector<16xf32>,
      %gather3A_929 = tpu.vector_load_idx %arg11[%iota3A, %broadcast_in_dim3A_31, %and3A_832] : memref<16x32x128xf32, #tpu.memory_space<vmem>>[vector<16xi32>, vector<16xi32>, vector<16xi32>], vector<16xf32>,
      %mul3A_930 = arith.constant 16 : i32
      %mul3A_931 = arith.muli %scan3A_208, %mul3A_930 : i32
      %swap3A_932 = arith.constant 14 : i32
      %swap3A_933 = arith.index_cast %swap3A_932 : i32 to index
      %swap3A_934 = arith.index_cast %mul3A_931 : i32 to index
      %swap3A_935 = tpu.vector_load %arg12[%swap3A_933, %swap3A_934] {strides = array<i32>} : memref<32x512xf32, #tpu.memory_space<vmem>>, vector<16xf32>,
      tpu.vector_store %arg12[%swap3A_933, %swap3A_934], %gather3A_929 {strides = array<i32>} : memref<32x512xf32, #tpu.memory_space<vmem>>, vector<16xf32>,
      %gather3A_936 = tpu.vector_load_idx %arg11[%iota3A, %broadcast_in_dim3A_33, %and3A_832] : memref<16x32x128xf32, #tpu.memory_space<vmem>>[vector<16xi32>, vector<16xi32>, vector<16xi32>], vector<16xf32>,
      %mul3A_937 = arith.constant 16 : i32
      %mul3A_938 = arith.muli %scan3A_208, %mul3A_937 : i32
      %swap3A_939 = arith.constant 15 : i32
      %swap3A_940 = arith.index_cast %swap3A_939 : i32 to index
      %swap3A_941 = arith.index_cast %mul3A_938 : i32 to index
      %swap3A_942 = tpu.vector_load %arg12[%swap3A_940, %swap3A_941] {strides = array<i32>} : memref<32x512xf32, #tpu.memory_space<vmem>>, vector<16xf32>,
      tpu.vector_store %arg12[%swap3A_940, %swap3A_941], %gather3A_936 {strides = array<i32>} : memref<32x512xf32, #tpu.memory_space<vmem>>, vector<16xf32>,
      %gather3A_943 = tpu.vector_load_idx %arg11[%iota3A, %broadcast_in_dim3A_35, %and3A_832] : memref<16x32x128xf32, #tpu.memory_space<vmem>>[vector<16xi32>, vector<16xi32>, vector<16xi32>], vector<16xf32>,
      %mul3A_944 = arith.constant 16 : i32
      %mul3A_945 = arith.muli %scan3A_208, %mul3A_944 : i32
      %swap3A_946 = arith.constant 16 : i32
      %swap3A_947 = arith.index_cast %swap3A_946 : i32 to index
      %swap3A_948 = arith.index_cast %mul3A_945 : i32 to index
      %swap3A_949 = tpu.vector_load %arg12[%swap3A_947, %swap3A_948] {strides = array<i32>} : memref<32x512xf32, #tpu.memory_space<vmem>>, vector<16xf32>,
      tpu.vector_store %arg12[%swap3A_947, %swap3A_948], %gather3A_943 {strides = array<i32>} : memref<32x512xf32, #tpu.memory_space<vmem>>, vector<16xf32>,
      %gather3A_950 = tpu.vector_load_idx %arg11[%iota3A, %broadcast_in_dim3A_37, %and3A_832] : memref<16x32x128xf32, #tpu.memory_space<vmem>>[vector<16xi32>, vector<16xi32>, vector<16xi32>], vector<16xf32>,
      %mul3A_951 = arith.constant 16 : i32
      %mul3A_952 = arith.muli %scan3A_208, %mul3A_951 : i32
      %swap3A_953 = arith.constant 17 : i32
      %swap3A_954 = arith.index_cast %swap3A_953 : i32 to index
      %swap3A_955 = arith.index_cast %mul3A_952 : i32 to index
      %swap3A_956 = tpu.vector_load %arg12[%swap3A_954, %swap3A_955] {strides = array<i32>} : memref<32x512xf32, #tpu.memory_space<vmem>>, vector<16xf32>,
      tpu.vector_store %arg12[%swap3A_954, %swap3A_955], %gather3A_950 {strides = array<i32>} : memref<32x512xf32, #tpu.memory_space<vmem>>, vector<16xf32>,
      %gather3A_957 = tpu.vector_load_idx %arg11[%iota3A, %broadcast_in_dim3A_39, %and3A_832] : memref<16x32x128xf32, #tpu.memory_space<vmem>>[vector<16xi32>, vector<16xi32>, vector<16xi32>], vector<16xf32>,
      %mul3A_958 = arith.constant 16 : i32
      %mul3A_959 = arith.muli %scan3A_208, %mul3A_958 : i32
      %swap3A_960 = arith.constant 18 : i32
      %swap3A_961 = arith.index_cast %swap3A_960 : i32 to index
      %swap3A_962 = arith.index_cast %mul3A_959 : i32 to index
      %swap3A_963 = tpu.vector_load %arg12[%swap3A_961, %swap3A_962] {strides = array<i32>} : memref<32x512xf32, #tpu.memory_space<vmem>>, vector<16xf32>,
      tpu.vector_store %arg12[%swap3A_961, %swap3A_962], %gather3A_957 {strides = array<i32>} : memref<32x512xf32, #tpu.memory_space<vmem>>, vector<16xf32>,
      %gather3A_964 = tpu.vector_load_idx %arg11[%iota3A, %broadcast_in_dim3A_41, %and3A_832] : memref<16x32x128xf32, #tpu.memory_space<vmem>>[vector<16xi32>, vector<16xi32>, vector<16xi32>], vector<16xf32>,
      %mul3A_965 = arith.constant 16 : i32
      %mul3A_966 = arith.muli %scan3A_208, %mul3A_965 : i32
      %swap3A_967 = arith.constant 19 : i32
      %swap3A_968 = arith.index_cast %swap3A_967 : i32 to index
      %swap3A_969 = arith.index_cast %mul3A_966 : i32 to index
      %swap3A_970 = tpu.vector_load %arg12[%swap3A_968, %swap3A_969] {strides = array<i32>} : memref<32x512xf32, #tpu.memory_space<vmem>>, vector<16xf32>,
      tpu.vector_store %arg12[%swap3A_968, %swap3A_969], %gather3A_964 {strides = array<i32>} : memref<32x512xf32, #tpu.memory_space<vmem>>, vector<16xf32>,
      %gather3A_971 = tpu.vector_load_idx %arg11[%iota3A, %broadcast_in_dim3A_43, %and3A_832] : memref<16x32x128xf32, #tpu.memory_space<vmem>>[vector<16xi32>, vector<16xi32>, vector<16xi32>], vector<16xf32>,
      %mul3A_972 = arith.constant 16 : i32
      %mul3A_973 = arith.muli %scan3A_208, %mul3A_972 : i32
      %swap3A_974 = arith.constant 20 : i32
      %swap3A_975 = arith.index_cast %swap3A_974 : i32 to index
      %swap3A_976 = arith.index_cast %mul3A_973 : i32 to index
      %swap3A_977 = tpu.vector_load %arg12[%swap3A_975, %swap3A_976] {strides = array<i32>} : memref<32x512xf32, #tpu.memory_space<vmem>>, vector<16xf32>,
      tpu.vector_store %arg12[%swap3A_975, %swap3A_976], %gather3A_971 {strides = array<i32>} : memref<32x512xf32, #tpu.memory_space<vmem>>, vector<16xf32>,
      %gather3A_978 = tpu.vector_load_idx %arg11[%iota3A, %broadcast_in_dim3A_45, %and3A_832] : memref<16x32x128xf32, #tpu.memory_space<vmem>>[vector<16xi32>, vector<16xi32>, vector<16xi32>], vector<16xf32>,
      %mul3A_979 = arith.constant 16 : i32
      %mul3A_980 = arith.muli %scan3A_208, %mul3A_979 : i32
      %swap3A_981 = arith.constant 21 : i32
      %swap3A_982 = arith.index_cast %swap3A_981 : i32 to index
      %swap3A_983 = arith.index_cast %mul3A_980 : i32 to index
      %swap3A_984 = tpu.vector_load %arg12[%swap3A_982, %swap3A_983] {strides = array<i32>} : memref<32x512xf32, #tpu.memory_space<vmem>>, vector<16xf32>,
      tpu.vector_store %arg12[%swap3A_982, %swap3A_983], %gather3A_978 {strides = array<i32>} : memref<32x512xf32, #tpu.memory_space<vmem>>, vector<16xf32>,
      %gather3A_985 = tpu.vector_load_idx %arg11[%iota3A, %broadcast_in_dim3A_47, %and3A_832] : memref<16x32x128xf32, #tpu.memory_space<vmem>>[vector<16xi32>, vector<16xi32>, vector<16xi32>], vector<16xf32>,
      %mul3A_986 = arith.constant 16 : i32
      %mul3A_987 = arith.muli %scan3A_208, %mul3A_986 : i32
      %swap3A_988 = arith.constant 22 : i32
      %swap3A_989 = arith.index_cast %swap3A_988 : i32 to index
      %swap3A_990 = arith.index_cast %mul3A_987 : i32 to index
      %swap3A_991 = tpu.vector_load %arg12[%swap3A_989, %swap3A_990] {strides = array<i32>} : memref<32x512xf32, #tpu.memory_space<vmem>>, vector<16xf32>,
      tpu.vector_store %arg12[%swap3A_989, %swap3A_990], %gather3A_985 {strides = array<i32>} : memref<32x512xf32, #tpu.memory_space<vmem>>, vector<16xf32>,
      %gather3A_992 = tpu.vector_load_idx %arg11[%iota3A, %broadcast_in_dim3A_49, %and3A_832] : memref<16x32x128xf32, #tpu.memory_space<vmem>>[vector<16xi32>, vector<16xi32>, vector<16xi32>], vector<16xf32>,
      %mul3A_993 = arith.constant 16 : i32
      %mul3A_994 = arith.muli %scan3A_208, %mul3A_993 : i32
      %swap3A_995 = arith.constant 23 : i32
      %swap3A_996 = arith.index_cast %swap3A_995 : i32 to index
      %swap3A_997 = arith.index_cast %mul3A_994 : i32 to index
      %swap3A_998 = tpu.vector_load %arg12[%swap3A_996, %swap3A_997] {strides = array<i32>} : memref<32x512xf32, #tpu.memory_space<vmem>>, vector<16xf32>,
      tpu.vector_store %arg12[%swap3A_996, %swap3A_997], %gather3A_992 {strides = array<i32>} : memref<32x512xf32, #tpu.memory_space<vmem>>, vector<16xf32>,
      %gather3A_999 = tpu.vector_load_idx %arg11[%iota3A, %broadcast_in_dim3A_51, %and3A_832] : memref<16x32x128xf32, #tpu.memory_space<vmem>>[vector<16xi32>, vector<16xi32>, vector<16xi32>], vector<16xf32>,
      %mul3A_1000 = arith.constant 16 : i32
      %mul3A_1001 = arith.muli %scan3A_208, %mul3A_1000 : i32
      %swap3A_1002 = arith.constant 24 : i32
      %swap3A_1003 = arith.index_cast %swap3A_1002 : i32 to index
      %swap3A_1004 = arith.index_cast %mul3A_1001 : i32 to index
      %swap3A_1005 = tpu.vector_load %arg12[%swap3A_1003, %swap3A_1004] {strides = array<i32>} : memref<32x512xf32, #tpu.memory_space<vmem>>, vector<16xf32>,
      tpu.vector_store %arg12[%swap3A_1003, %swap3A_1004], %gather3A_999 {strides = array<i32>} : memref<32x512xf32, #tpu.memory_space<vmem>>, vector<16xf32>,
      %gather3A_1006 = tpu.vector_load_idx %arg11[%iota3A, %broadcast_in_dim3A_53, %and3A_832] : memref<16x32x128xf32, #tpu.memory_space<vmem>>[vector<16xi32>, vector<16xi32>, vector<16xi32>], vector<16xf32>,
      %mul3A_1007 = arith.constant 16 : i32
      %mul3A_1008 = arith.muli %scan3A_208, %mul3A_1007 : i32
      %swap3A_1009 = arith.constant 25 : i32
      %swap3A_1010 = arith.index_cast %swap3A_1009 : i32 to index
      %swap3A_1011 = arith.index_cast %mul3A_1008 : i32 to index
      %swap3A_1012 = tpu.vector_load %arg12[%swap3A_1010, %swap3A_1011] {strides = array<i32>} : memref<32x512xf32, #tpu.memory_space<vmem>>, vector<16xf32>,
      tpu.vector_store %arg12[%swap3A_1010, %swap3A_1011], %gather3A_1006 {strides = array<i32>} : memref<32x512xf32, #tpu.memory_space<vmem>>, vector<16xf32>,
      %gather3A_1013 = tpu.vector_load_idx %arg11[%iota3A, %broadcast_in_dim3A_55, %and3A_832] : memref<16x32x128xf32, #tpu.memory_space<vmem>>[vector<16xi32>, vector<16xi32>, vector<16xi32>], vector<16xf32>,
      %mul3A_1014 = arith.constant 16 : i32
      %mul3A_1015 = arith.muli %scan3A_208, %mul3A_1014 : i32
      %swap3A_1016 = arith.constant 26 : i32
      %swap3A_1017 = arith.index_cast %swap3A_1016 : i32 to index
      %swap3A_1018 = arith.index_cast %mul3A_1015 : i32 to index
      %swap3A_1019 = tpu.vector_load %arg12[%swap3A_1017, %swap3A_1018] {strides = array<i32>} : memref<32x512xf32, #tpu.memory_space<vmem>>, vector<16xf32>,
      tpu.vector_store %arg12[%swap3A_1017, %swap3A_1018], %gather3A_1013 {strides = array<i32>} : memref<32x512xf32, #tpu.memory_space<vmem>>, vector<16xf32>,
      %gather3A_1020 = tpu.vector_load_idx %arg11[%iota3A, %broadcast_in_dim3A_57, %and3A_832] : memref<16x32x128xf32, #tpu.memory_space<vmem>>[vector<16xi32>, vector<16xi32>, vector<16xi32>], vector<16xf32>,
      %mul3A_1021 = arith.constant 16 : i32
      %mul3A_1022 = arith.muli %scan3A_208, %mul3A_1021 : i32
      %swap3A_1023 = arith.constant 27 : i32
      %swap3A_1024 = arith.index_cast %swap3A_1023 : i32 to index
      %swap3A_1025 = arith.index_cast %mul3A_1022 : i32 to index
      %swap3A_1026 = tpu.vector_load %arg12[%swap3A_1024, %swap3A_1025] {strides = array<i32>} : memref<32x512xf32, #tpu.memory_space<vmem>>, vector<16xf32>,
      tpu.vector_store %arg12[%swap3A_1024, %swap3A_1025], %gather3A_1020 {strides = array<i32>} : memref<32x512xf32, #tpu.memory_space<vmem>>, vector<16xf32>,
      %gather3A_1027 = tpu.vector_load_idx %arg11[%iota3A, %broadcast_in_dim3A_59, %and3A_832] : memref<16x32x128xf32, #tpu.memory_space<vmem>>[vector<16xi32>, vector<16xi32>, vector<16xi32>], vector<16xf32>,
      %mul3A_1028 = arith.constant 16 : i32
      %mul3A_1029 = arith.muli %scan3A_208, %mul3A_1028 : i32
      %swap3A_1030 = arith.constant 28 : i32
      %swap3A_1031 = arith.index_cast %swap3A_1030 : i32 to index
      %swap3A_1032 = arith.index_cast %mul3A_1029 : i32 to index
      %swap3A_1033 = tpu.vector_load %arg12[%swap3A_1031, %swap3A_1032] {strides = array<i32>} : memref<32x512xf32, #tpu.memory_space<vmem>>, vector<16xf32>,
      tpu.vector_store %arg12[%swap3A_1031, %swap3A_1032], %gather3A_1027 {strides = array<i32>} : memref<32x512xf32, #tpu.memory_space<vmem>>, vector<16xf32>,
      %gather3A_1034 = tpu.vector_load_idx %arg11[%iota3A, %broadcast_in_dim3A_61, %and3A_832] : memref<16x32x128xf32, #tpu.memory_space<vmem>>[vector<16xi32>, vector<16xi32>, vector<16xi32>], vector<16xf32>,
      %mul3A_1035 = arith.constant 16 : i32
      %mul3A_1036 = arith.muli %scan3A_208, %mul3A_1035 : i32
      %swap3A_1037 = arith.constant 29 : i32
      %swap3A_1038 = arith.index_cast %swap3A_1037 : i32 to index
      %swap3A_1039 = arith.index_cast %mul3A_1036 : i32 to index
      %swap3A_1040 = tpu.vector_load %arg12[%swap3A_1038, %swap3A_1039] {strides = array<i32>} : memref<32x512xf32, #tpu.memory_space<vmem>>, vector<16xf32>,
      tpu.vector_store %arg12[%swap3A_1038, %swap3A_1039], %gather3A_1034 {strides = array<i32>} : memref<32x512xf32, #tpu.memory_space<vmem>>, vector<16xf32>,
      %gather3A_1041 = tpu.vector_load_idx %arg11[%iota3A, %broadcast_in_dim3A_63, %and3A_832] : memref<16x32x128xf32, #tpu.memory_space<vmem>>[vector<16xi32>, vector<16xi32>, vector<16xi32>], vector<16xf32>,
      %mul3A_1042 = arith.constant 16 : i32
      %mul3A_1043 = arith.muli %scan3A_208, %mul3A_1042 : i32
      %swap3A_1044 = arith.constant 30 : i32
      %swap3A_1045 = arith.index_cast %swap3A_1044 : i32 to index
      %swap3A_1046 = arith.index_cast %mul3A_1043 : i32 to index
      %swap3A_1047 = tpu.vector_load %arg12[%swap3A_1045, %swap3A_1046] {strides = array<i32>} : memref<32x512xf32, #tpu.memory_space<vmem>>, vector<16xf32>,
      tpu.vector_store %arg12[%swap3A_1045, %swap3A_1046], %gather3A_1041 {strides = array<i32>} : memref<32x512xf32, #tpu.memory_space<vmem>>, vector<16xf32>,
      %gather3A_1048 = tpu.vector_load_idx %arg11[%iota3A, %broadcast_in_dim3A_65, %and3A_832] : memref<16x32x128xf32, #tpu.memory_space<vmem>>[vector<16xi32>, vector<16xi32>, vector<16xi32>], vector<16xf32>,
      %mul3A_1049 = arith.constant 16 : i32
      %mul3A_1050 = arith.muli %scan3A_208, %mul3A_1049 : i32
      %swap3A_1051 = arith.constant 31 : i32
      %swap3A_1052 = arith.index_cast %swap3A_1051 : i32 to index
      %swap3A_1053 = arith.index_cast %mul3A_1050 : i32 to index
      %swap3A_1054 = tpu.vector_load %arg12[%swap3A_1052, %swap3A_1053] {strides = array<i32>} : memref<32x512xf32, #tpu.memory_space<vmem>>, vector<16xf32>,
      tpu.vector_store %arg12[%swap3A_1052, %swap3A_1053], %gather3A_1048 {strides = array<i32>} : memref<32x512xf32, #tpu.memory_space<vmem>>, vector<16xf32>,
      %scan3A_1055 = arith.constant 0 : i32
      scf.yield %scan3A_1055 : i32
    }
    %scan3A_200 = arith.constant 32 : i32
    %scan3A_201 = arith.constant 0 : i32
    %scan3A_202 = arith.constant 0 : i32
    %scan3A_203 = arith.constant 32 : i32
    %scan3A_204 = arith.addi %scan3A_202, %scan3A_203 : i32
    %scan3A_205 = arith.constant 1 : i32
    %scan3A_206 = scf.for %scan3A_208 = %scan3A_202 to %scan3A_204 step %scan3A_205 iter_args(%scan3A_209 = %scan3A_201) -> (i32)  : i32 {
      %mul3A_210 = arith.constant 16 : i32
      %mul3A_211 = arith.muli %scan3A_208, %mul3A_210 : i32
      %add3A_212 = arith.constant 0 : i32
      %add3A_213 = arith.addi %mul3A_211, %add3A_212 : i32
      %get3A_214 = arith.index_cast %add3A_213 : i32 to index
      %get3A_215 = tpu.vector_load %arg10[%get3A_214] {strides = array<i32>} : memref<528xi32, #tpu.memory_space<vmem>>, vector<16xi32>,
      %slice3A = vector.extract_strided_slice %get3A_215 {offsets = [0], sizes = [1], strides = [1]} : vector<16xi32> to vector<1xi32>
      %squeeze3A = vector.extract %slice3A[0] : i32 from vector<1xi32>
      %shift_right_arithmetic3A = arith.constant 7 : i32
      %shift_right_arithmetic3A_216 = arith.shrsi %squeeze3A, %shift_right_arithmetic3A : i32
      %shift_left3A = arith.constant 7 : i32
      %shift_left3A_217 = arith.shli %shift_right_arithmetic3A_216, %shift_left3A : i32
      %multiple_of3A = tpu.assume_multiple %shift_left3A_217, 128 : i32
      %dma_start3A = arith.constant 0 : i32
      %dma_start3A_218 = arith.constant 0 : i32
      %dma_start3A_219 = arith.constant 0 : i32
      %dma_start3A_220 = tpu.memref_slice %arg11[%dma_start3A, %dma_start3A_218, %dma_start3A_219] : memref<16x32x128xf32, #tpu.memory_space<vmem>> -> memref<1x32x128xf32, #tpu.memory_space<vmem>>
      %dma_start3A_221 = tpu.memref_squeeze %dma_start3A_220 : memref<1x32x128xf32, #tpu.memory_space<vmem>> -> memref<32x128xf32, #tpu.memory_space<vmem>>
      %dma_start3A_222 = arith.constant 0 : i32
      %dma_start3A_223 = tpu.memref_slice %arg5[%dma_start3A_222, %multiple_of3A] : memref<32x1000000xf32, #tpu.memory_space<hbm>> -> memref<32x128xf32, #tpu.memory_space<hbm>>
      %dma_start3A_224 = arith.constant 0 : i32
      %dma_start3A_225 = arith.constant 0 : i32
      %dma_start3A_226 = tpu.memref_slice %arg11[%dma_start3A, %dma_start3A_224, %dma_start3A_225] : memref<16x32x128xf32, #tpu.memory_space<vmem>> -> memref<1x32x128xf32, #tpu.memory_space<vmem>>
      %dma_start3A_227 = tpu.memref_squeeze %dma_start3A_226 : memref<1x32x128xf32, #tpu.memory_space<vmem>> -> memref<32x128xf32, #tpu.memory_space<vmem>>
      %dma_start3A_228 = arith.constant 0 : i32
      %dma_start3A_229 = tpu.memref_slice %arg5[%dma_start3A_228, %multiple_of3A] : memref<32x1000000xf32, #tpu.memory_space<hbm>> -> memref<32x128xf32, #tpu.memory_space<hbm>>
      tpu.enqueue_dma source(%dma_start3A_229 : memref<32x128xf32, #tpu.memory_space<hbm>>) target(%dma_start3A_227 : memref<32x128xf32, #tpu.memory_space<vmem>>) target_semaphore(%arg16 : memref<!tpu.dma_semaphore, #tpu.memory_space<semaphore_mem>>)
      %mul3A_230 = arith.constant 16 : i32
      %mul3A_231 = arith.muli %scan3A_208, %mul3A_230 : i32
      %add3A_232 = arith.constant 1 : i32
      %add3A_233 = arith.addi %mul3A_231, %add3A_232 : i32
      %get3A_234 = arith.index_cast %add3A_233 : i32 to index
      %get3A_235 = tpu.vector_load %arg10[%get3A_234] {strides = array<i32>} : memref<528xi32, #tpu.memory_space<vmem>>, vector<16xi32>,
      %slice3A_236 = vector.extract_strided_slice %get3A_235 {offsets = [0], sizes = [1], strides = [1]} : vector<16xi32> to vector<1xi32>
      %squeeze3A_237 = vector.extract %slice3A_236[0] : i32 from vector<1xi32>
      %shift_right_arithmetic3A_238 = arith.constant 7 : i32
      %shift_right_arithmetic3A_239 = arith.shrsi %squeeze3A_237, %shift_right_arithmetic3A_238 : i32
      %shift_left3A_240 = arith.constant 7 : i32
      %shift_left3A_241 = arith.shli %shift_right_arithmetic3A_239, %shift_left3A_240 : i32
      %multiple_of3A_242 = tpu.assume_multiple %shift_left3A_241, 128 : i32
      %dma_start3A_243 = arith.constant 1 : i32
      %dma_start3A_244 = arith.constant 0 : i32
      %dma_start3A_245 = arith.constant 0 : i32
      %dma_start3A_246 = tpu.memref_slice %arg11[%dma_start3A_243, %dma_start3A_244, %dma_start3A_245] : memref<16x32x128xf32, #tpu.memory_space<vmem>> -> memref<1x32x128xf32, #tpu.memory_space<vmem>>
      %dma_start3A_247 = tpu.memref_squeeze %dma_start3A_246 : memref<1x32x128xf32, #tpu.memory_space<vmem>> -> memref<32x128xf32, #tpu.memory_space<vmem>>
      %dma_start3A_248 = arith.constant 0 : i32
      %dma_start3A_249 = tpu.memref_slice %arg5[%dma_start3A_248, %multiple_of3A_242] : memref<32x1000000xf32, #tpu.memory_space<hbm>> -> memref<32x128xf32, #tpu.memory_space<hbm>>
      %dma_start3A_250 = arith.constant 0 : i32
      %dma_start3A_251 = arith.constant 0 : i32
      %dma_start3A_252 = tpu.memref_slice %arg11[%dma_start3A_243, %dma_start3A_250, %dma_start3A_251] : memref<16x32x128xf32, #tpu.memory_space<vmem>> -> memref<1x32x128xf32, #tpu.memory_space<vmem>>
      %dma_start3A_253 = tpu.memref_squeeze %dma_start3A_252 : memref<1x32x128xf32, #tpu.memory_space<vmem>> -> memref<32x128xf32, #tpu.memory_space<vmem>>
      %dma_start3A_254 = arith.constant 0 : i32
      %dma_start3A_255 = tpu.memref_slice %arg5[%dma_start3A_254, %multiple_of3A_242] : memref<32x1000000xf32, #tpu.memory_space<hbm>> -> memref<32x128xf32, #tpu.memory_space<hbm>>
      tpu.enqueue_dma source(%dma_start3A_255 : memref<32x128xf32, #tpu.memory_space<hbm>>) target(%dma_start3A_253 : memref<32x128xf32, #tpu.memory_space<vmem>>) target_semaphore(%arg16 : memref<!tpu.dma_semaphore, #tpu.memory_space<semaphore_mem>>)
      %mul3A_256 = arith.constant 16 : i32
      %mul3A_257 = arith.muli %scan3A_208, %mul3A_256 : i32
      %add3A_258 = arith.constant 2 : i32
      %add3A_259 = arith.addi %mul3A_257, %add3A_258 : i32
      %get3A_260 = arith.index_cast %add3A_259 : i32 to index
      %get3A_261 = tpu.vector_load %arg10[%get3A_260] {strides = array<i32>} : memref<528xi32, #tpu.memory_space<vmem>>, vector<16xi32>,
      %slice3A_262 = vector.extract_strided_slice %get3A_261 {offsets = [0], sizes = [1], strides = [1]} : vector<16xi32> to vector<1xi32>
      %squeeze3A_263 = vector.extract %slice3A_262[0] : i32 from vector<1xi32>
      %shift_right_arithmetic3A_264 = arith.constant 7 : i32
      %shift_right_arithmetic3A_265 = arith.shrsi %squeeze3A_263, %shift_right_arithmetic3A_264 : i32
      %shift_left3A_266 = arith.constant 7 : i32
      %shift_left3A_267 = arith.shli %shift_right_arithmetic3A_265, %shift_left3A_266 : i32
      %multiple_of3A_268 = tpu.assume_multiple %shift_left3A_267, 128 : i32
      %dma_start3A_269 = arith.constant 2 : i32
      %dma_start3A_270 = arith.constant 0 : i32
      %dma_start3A_271 = arith.constant 0 : i32
      %dma_start3A_272 = tpu.memref_slice %arg11[%dma_start3A_269, %dma_start3A_270, %dma_start3A_271] : memref<16x32x128xf32, #tpu.memory_space<vmem>> -> memref<1x32x128xf32, #tpu.memory_space<vmem>>
      %dma_start3A_273 = tpu.memref_squeeze %dma_start3A_272 : memref<1x32x128xf32, #tpu.memory_space<vmem>> -> memref<32x128xf32, #tpu.memory_space<vmem>>
      %dma_start3A_274 = arith.constant 0 : i32
      %dma_start3A_275 = tpu.memref_slice %arg5[%dma_start3A_274, %multiple_of3A_268] : memref<32x1000000xf32, #tpu.memory_space<hbm>> -> memref<32x128xf32, #tpu.memory_space<hbm>>
      %dma_start3A_276 = arith.constant 0 : i32
      %dma_start3A_277 = arith.constant 0 : i32
      %dma_start3A_278 = tpu.memref_slice %arg11[%dma_start3A_269, %dma_start3A_276, %dma_start3A_277] : memref<16x32x128xf32, #tpu.memory_space<vmem>> -> memref<1x32x128xf32, #tpu.memory_space<vmem>>
      %dma_start3A_279 = tpu.memref_squeeze %dma_start3A_278 : memref<1x32x128xf32, #tpu.memory_space<vmem>> -> memref<32x128xf32, #tpu.memory_space<vmem>>
      %dma_start3A_280 = arith.constant 0 : i32
      %dma_start3A_281 = tpu.memref_slice %arg5[%dma_start3A_280, %multiple_of3A_268] : memref<32x1000000xf32, #tpu.memory_space<hbm>> -> memref<32x128xf32, #tpu.memory_space<hbm>>
      tpu.enqueue_dma source(%dma_start3A_281 : memref<32x128xf32, #tpu.memory_space<hbm>>) target(%dma_start3A_279 : memref<32x128xf32, #tpu.memory_space<vmem>>) target_semaphore(%arg16 : memref<!tpu.dma_semaphore, #tpu.memory_space<semaphore_mem>>)
      %mul3A_282 = arith.constant 16 : i32
      %mul3A_283 = arith.muli %scan3A_208, %mul3A_282 : i32
      %add3A_284 = arith.constant 3 : i32
      %add3A_285 = arith.addi %mul3A_283, %add3A_284 : i32
      %get3A_286 = arith.index_cast %add3A_285 : i32 to index
      %get3A_287 = tpu.vector_load %arg10[%get3A_286] {strides = array<i32>} : memref<528xi32, #tpu.memory_space<vmem>>, vector<16xi32>,
      %slice3A_288 = vector.extract_strided_slice %get3A_287 {offsets = [0], sizes = [1], strides = [1]} : vector<16xi32> to vector<1xi32>
      %squeeze3A_289 = vector.extract %slice3A_288[0] : i32 from vector<1xi32>
      %shift_right_arithmetic3A_290 = arith.constant 7 : i32
      %shift_right_arithmetic3A_291 = arith.shrsi %squeeze3A_289, %shift_right_arithmetic3A_290 : i32
      %shift_left3A_292 = arith.constant 7 : i32
      %shift_left3A_293 = arith.shli %shift_right_arithmetic3A_291, %shift_left3A_292 : i32
      %multiple_of3A_294 = tpu.assume_multiple %shift_left3A_293, 128 : i32
      %dma_start3A_295 = arith.constant 3 : i32
      %dma_start3A_296 = arith.constant 0 : i32
      %dma_start3A_297 = arith.constant 0 : i32
      %dma_start3A_298 = tpu.memref_slice %arg11[%dma_start3A_295, %dma_start3A_296, %dma_start3A_297] : memref<16x32x128xf32, #tpu.memory_space<vmem>> -> memref<1x32x128xf32, #tpu.memory_space<vmem>>
      %dma_start3A_299 = tpu.memref_squeeze %dma_start3A_298 : memref<1x32x128xf32, #tpu.memory_space<vmem>> -> memref<32x128xf32, #tpu.memory_space<vmem>>
      %dma_start3A_300 = arith.constant 0 : i32
      %dma_start3A_301 = tpu.memref_slice %arg5[%dma_start3A_300, %multiple_of3A_294] : memref<32x1000000xf32, #tpu.memory_space<hbm>> -> memref<32x128xf32, #tpu.memory_space<hbm>>
      %dma_start3A_302 = arith.constant 0 : i32
      %dma_start3A_303 = arith.constant 0 : i32
      %dma_start3A_304 = tpu.memref_slice %arg11[%dma_start3A_295, %dma_start3A_302, %dma_start3A_303] : memref<16x32x128xf32, #tpu.memory_space<vmem>> -> memref<1x32x128xf32, #tpu.memory_space<vmem>>
      %dma_start3A_305 = tpu.memref_squeeze %dma_start3A_304 : memref<1x32x128xf32, #tpu.memory_space<vmem>> -> memref<32x128xf32, #tpu.memory_space<vmem>>
      %dma_start3A_306 = arith.constant 0 : i32
      %dma_start3A_307 = tpu.memref_slice %arg5[%dma_start3A_306, %multiple_of3A_294] : memref<32x1000000xf32, #tpu.memory_space<hbm>> -> memref<32x128xf32, #tpu.memory_space<hbm>>
      tpu.enqueue_dma source(%dma_start3A_307 : memref<32x128xf32, #tpu.memory_space<hbm>>) target(%dma_start3A_305 : memref<32x128xf32, #tpu.memory_space<vmem>>) target_semaphore(%arg16 : memref<!tpu.dma_semaphore, #tpu.memory_space<semaphore_mem>>)
      %mul3A_308 = arith.constant 16 : i32
      %mul3A_309 = arith.muli %scan3A_208, %mul3A_308 : i32
      %add3A_310 = arith.constant 4 : i32
      %add3A_311 = arith.addi %mul3A_309, %add3A_310 : i32
      %get3A_312 = arith.index_cast %add3A_311 : i32 to index
      %get3A_313 = tpu.vector_load %arg10[%get3A_312] {strides = array<i32>} : memref<528xi32, #tpu.memory_space<vmem>>, vector<16xi32>,
      %slice3A_314 = vector.extract_strided_slice %get3A_313 {offsets = [0], sizes = [1], strides = [1]} : vector<16xi32> to vector<1xi32>
      %squeeze3A_315 = vector.extract %slice3A_314[0] : i32 from vector<1xi32>
      %shift_right_arithmetic3A_316 = arith.constant 7 : i32
      %shift_right_arithmetic3A_317 = arith.shrsi %squeeze3A_315, %shift_right_arithmetic3A_316 : i32
      %shift_left3A_318 = arith.constant 7 : i32
      %shift_left3A_319 = arith.shli %shift_right_arithmetic3A_317, %shift_left3A_318 : i32
      %multiple_of3A_320 = tpu.assume_multiple %shift_left3A_319, 128 : i32
      %dma_start3A_321 = arith.constant 4 : i32
      %dma_start3A_322 = arith.constant 0 : i32
      %dma_start3A_323 = arith.constant 0 : i32
      %dma_start3A_324 = tpu.memref_slice %arg11[%dma_start3A_321, %dma_start3A_322, %dma_start3A_323] : memref<16x32x128xf32, #tpu.memory_space<vmem>> -> memref<1x32x128xf32, #tpu.memory_space<vmem>>
      %dma_start3A_325 = tpu.memref_squeeze %dma_start3A_324 : memref<1x32x128xf32, #tpu.memory_space<vmem>> -> memref<32x128xf32, #tpu.memory_space<vmem>>
      %dma_start3A_326 = arith.constant 0 : i32
      %dma_start3A_327 = tpu.memref_slice %arg5[%dma_start3A_326, %multiple_of3A_320] : memref<32x1000000xf32, #tpu.memory_space<hbm>> -> memref<32x128xf32, #tpu.memory_space<hbm>>
      %dma_start3A_328 = arith.constant 0 : i32
      %dma_start3A_329 = arith.constant 0 : i32
      %dma_start3A_330 = tpu.memref_slice %arg11[%dma_start3A_321, %dma_start3A_328, %dma_start3A_329] : memref<16x32x128xf32, #tpu.memory_space<vmem>> -> memref<1x32x128xf32, #tpu.memory_space<vmem>>
      %dma_start3A_331 = tpu.memref_squeeze %dma_start3A_330 : memref<1x32x128xf32, #tpu.memory_space<vmem>> -> memref<32x128xf32, #tpu.memory_space<vmem>>
      %dma_start3A_332 = arith.constant 0 : i32
      %dma_start3A_333 = tpu.memref_slice %arg5[%dma_start3A_332, %multiple_of3A_320] : memref<32x1000000xf32, #tpu.memory_space<hbm>> -> memref<32x128xf32, #tpu.memory_space<hbm>>
      tpu.enqueue_dma source(%dma_start3A_333 : memref<32x128xf32, #tpu.memory_space<hbm>>) target(%dma_start3A_331 : memref<32x128xf32, #tpu.memory_space<vmem>>) target_semaphore(%arg16 : memref<!tpu.dma_semaphore, #tpu.memory_space<semaphore_mem>>)
      %mul3A_334 = arith.constant 16 : i32
      %mul3A_335 = arith.muli %scan3A_208, %mul3A_334 : i32
      %add3A_336 = arith.constant 5 : i32
      %add3A_337 = arith.addi %mul3A_335, %add3A_336 : i32
      %get3A_338 = arith.index_cast %add3A_337 : i32 to index
      %get3A_339 = tpu.vector_load %arg10[%get3A_338] {strides = array<i32>} : memref<528xi32, #tpu.memory_space<vmem>>, vector<16xi32>,
      %slice3A_340 = vector.extract_strided_slice %get3A_339 {offsets = [0], sizes = [1], strides = [1]} : vector<16xi32> to vector<1xi32>
      %squeeze3A_341 = vector.extract %slice3A_340[0] : i32 from vector<1xi32>
      %shift_right_arithmetic3A_342 = arith.constant 7 : i32
      %shift_right_arithmetic3A_343 = arith.shrsi %squeeze3A_341, %shift_right_arithmetic3A_342 : i32
      %shift_left3A_344 = arith.constant 7 : i32
      %shift_left3A_345 = arith.shli %shift_right_arithmetic3A_343, %shift_left3A_344 : i32
      %multiple_of3A_346 = tpu.assume_multiple %shift_left3A_345, 128 : i32
      %dma_start3A_347 = arith.constant 5 : i32
      %dma_start3A_348 = arith.constant 0 : i32
      %dma_start3A_349 = arith.constant 0 : i32
      %dma_start3A_350 = tpu.memref_slice %arg11[%dma_start3A_347, %dma_start3A_348, %dma_start3A_349] : memref<16x32x128xf32, #tpu.memory_space<vmem>> -> memref<1x32x128xf32, #tpu.memory_space<vmem>>
      %dma_start3A_351 = tpu.memref_squeeze %dma_start3A_350 : memref<1x32x128xf32, #tpu.memory_space<vmem>> -> memref<32x128xf32, #tpu.memory_space<vmem>>
      %dma_start3A_352 = arith.constant 0 : i32
      %dma_start3A_353 = tpu.memref_slice %arg5[%dma_start3A_352, %multiple_of3A_346] : memref<32x1000000xf32, #tpu.memory_space<hbm>> -> memref<32x128xf32, #tpu.memory_space<hbm>>
      %dma_start3A_354 = arith.constant 0 : i32
      %dma_start3A_355 = arith.constant 0 : i32
      %dma_start3A_356 = tpu.memref_slice %arg11[%dma_start3A_347, %dma_start3A_354, %dma_start3A_355] : memref<16x32x128xf32, #tpu.memory_space<vmem>> -> memref<1x32x128xf32, #tpu.memory_space<vmem>>
      %dma_start3A_357 = tpu.memref_squeeze %dma_start3A_356 : memref<1x32x128xf32, #tpu.memory_space<vmem>> -> memref<32x128xf32, #tpu.memory_space<vmem>>
      %dma_start3A_358 = arith.constant 0 : i32
      %dma_start3A_359 = tpu.memref_slice %arg5[%dma_start3A_358, %multiple_of3A_346] : memref<32x1000000xf32, #tpu.memory_space<hbm>> -> memref<32x128xf32, #tpu.memory_space<hbm>>
      tpu.enqueue_dma source(%dma_start3A_359 : memref<32x128xf32, #tpu.memory_space<hbm>>) target(%dma_start3A_357 : memref<32x128xf32, #tpu.memory_space<vmem>>) target_semaphore(%arg16 : memref<!tpu.dma_semaphore, #tpu.memory_space<semaphore_mem>>)
      %mul3A_360 = arith.constant 16 : i32
      %mul3A_361 = arith.muli %scan3A_208, %mul3A_360 : i32
      %add3A_362 = arith.constant 6 : i32
      %add3A_363 = arith.addi %mul3A_361, %add3A_362 : i32
      %get3A_364 = arith.index_cast %add3A_363 : i32 to index
      %get3A_365 = tpu.vector_load %arg10[%get3A_364] {strides = array<i32>} : memref<528xi32, #tpu.memory_space<vmem>>, vector<16xi32>,
      %slice3A_366 = vector.extract_strided_slice %get3A_365 {offsets = [0], sizes = [1], strides = [1]} : vector<16xi32> to vector<1xi32>
      %squeeze3A_367 = vector.extract %slice3A_366[0] : i32 from vector<1xi32>
      %shift_right_arithmetic3A_368 = arith.constant 7 : i32
      %shift_right_arithmetic3A_369 = arith.shrsi %squeeze3A_367, %shift_right_arithmetic3A_368 : i32
      %shift_left3A_370 = arith.constant 7 : i32
      %shift_left3A_371 = arith.shli %shift_right_arithmetic3A_369, %shift_left3A_370 : i32
      %multiple_of3A_372 = tpu.assume_multiple %shift_left3A_371, 128 : i32
      %dma_start3A_373 = arith.constant 6 : i32
      %dma_start3A_374 = arith.constant 0 : i32
      %dma_start3A_375 = arith.constant 0 : i32
      %dma_start3A_376 = tpu.memref_slice %arg11[%dma_start3A_373, %dma_start3A_374, %dma_start3A_375] : memref<16x32x128xf32, #tpu.memory_space<vmem>> -> memref<1x32x128xf32, #tpu.memory_space<vmem>>
      %dma_start3A_377 = tpu.memref_squeeze %dma_start3A_376 : memref<1x32x128xf32, #tpu.memory_space<vmem>> -> memref<32x128xf32, #tpu.memory_space<vmem>>
      %dma_start3A_378 = arith.constant 0 : i32
      %dma_start3A_379 = tpu.memref_slice %arg5[%dma_start3A_378, %multiple_of3A_372] : memref<32x1000000xf32, #tpu.memory_space<hbm>> -> memref<32x128xf32, #tpu.memory_space<hbm>>
      %dma_start3A_380 = arith.constant 0 : i32
      %dma_start3A_381 = arith.constant 0 : i32
      %dma_start3A_382 = tpu.memref_slice %arg11[%dma_start3A_373, %dma_start3A_380, %dma_start3A_381] : memref<16x32x128xf32, #tpu.memory_space<vmem>> -> memref<1x32x128xf32, #tpu.memory_space<vmem>>
      %dma_start3A_383 = tpu.memref_squeeze %dma_start3A_382 : memref<1x32x128xf32, #tpu.memory_space<vmem>> -> memref<32x128xf32, #tpu.memory_space<vmem>>
      %dma_start3A_384 = arith.constant 0 : i32
      %dma_start3A_385 = tpu.memref_slice %arg5[%dma_start3A_384, %multiple_of3A_372] : memref<32x1000000xf32, #tpu.memory_space<hbm>> -> memref<32x128xf32, #tpu.memory_space<hbm>>
      tpu.enqueue_dma source(%dma_start3A_385 : memref<32x128xf32, #tpu.memory_space<hbm>>) target(%dma_start3A_383 : memref<32x128xf32, #tpu.memory_space<vmem>>) target_semaphore(%arg16 : memref<!tpu.dma_semaphore, #tpu.memory_space<semaphore_mem>>)
      %mul3A_386 = arith.constant 16 : i32
      %mul3A_387 = arith.muli %scan3A_208, %mul3A_386 : i32
      %add3A_388 = arith.constant 7 : i32
      %add3A_389 = arith.addi %mul3A_387, %add3A_388 : i32
      %get3A_390 = arith.index_cast %add3A_389 : i32 to index
      %get3A_391 = tpu.vector_load %arg10[%get3A_390] {strides = array<i32>} : memref<528xi32, #tpu.memory_space<vmem>>, vector<16xi32>,
      %slice3A_392 = vector.extract_strided_slice %get3A_391 {offsets = [0], sizes = [1], strides = [1]} : vector<16xi32> to vector<1xi32>
      %squeeze3A_393 = vector.extract %slice3A_392[0] : i32 from vector<1xi32>
      %shift_right_arithmetic3A_394 = arith.constant 7 : i32
      %shift_right_arithmetic3A_395 = arith.shrsi %squeeze3A_393, %shift_right_arithmetic3A_394 : i32
      %shift_left3A_396 = arith.constant 7 : i32
      %shift_left3A_397 = arith.shli %shift_right_arithmetic3A_395, %shift_left3A_396 : i32
      %multiple_of3A_398 = tpu.assume_multiple %shift_left3A_397, 128 : i32
      %dma_start3A_399 = arith.constant 7 : i32
      %dma_start3A_400 = arith.constant 0 : i32
      %dma_start3A_401 = arith.constant 0 : i32
      %dma_start3A_402 = tpu.memref_slice %arg11[%dma_start3A_399, %dma_start3A_400, %dma_start3A_401] : memref<16x32x128xf32, #tpu.memory_space<vmem>> -> memref<1x32x128xf32, #tpu.memory_space<vmem>>
      %dma_start3A_403 = tpu.memref_squeeze %dma_start3A_402 : memref<1x32x128xf32, #tpu.memory_space<vmem>> -> memref<32x128xf32, #tpu.memory_space<vmem>>
      %dma_start3A_404 = arith.constant 0 : i32
      %dma_start3A_405 = tpu.memref_slice %arg5[%dma_start3A_404, %multiple_of3A_398] : memref<32x1000000xf32, #tpu.memory_space<hbm>> -> memref<32x128xf32, #tpu.memory_space<hbm>>
      %dma_start3A_406 = arith.constant 0 : i32
      %dma_start3A_407 = arith.constant 0 : i32
      %dma_start3A_408 = tpu.memref_slice %arg11[%dma_start3A_399, %dma_start3A_406, %dma_start3A_407] : memref<16x32x128xf32, #tpu.memory_space<vmem>> -> memref<1x32x128xf32, #tpu.memory_space<vmem>>
      %dma_start3A_409 = tpu.memref_squeeze %dma_start3A_408 : memref<1x32x128xf32, #tpu.memory_space<vmem>> -> memref<32x128xf32, #tpu.memory_space<vmem>>
      %dma_start3A_410 = arith.constant 0 : i32
      %dma_start3A_411 = tpu.memref_slice %arg5[%dma_start3A_410, %multiple_of3A_398] : memref<32x1000000xf32, #tpu.memory_space<hbm>> -> memref<32x128xf32, #tpu.memory_space<hbm>>
      tpu.enqueue_dma source(%dma_start3A_411 : memref<32x128xf32, #tpu.memory_space<hbm>>) target(%dma_start3A_409 : memref<32x128xf32, #tpu.memory_space<vmem>>) target_semaphore(%arg16 : memref<!tpu.dma_semaphore, #tpu.memory_space<semaphore_mem>>)
      %mul3A_412 = arith.constant 16 : i32
      %mul3A_413 = arith.muli %scan3A_208, %mul3A_412 : i32
      %add3A_414 = arith.constant 8 : i32
      %add3A_415 = arith.addi %mul3A_413, %add3A_414 : i32
      %get3A_416 = arith.index_cast %add3A_415 : i32 to index
      %get3A_417 = tpu.vector_load %arg10[%get3A_416] {strides = array<i32>} : memref<528xi32, #tpu.memory_space<vmem>>, vector<16xi32>,
      %slice3A_418 = vector.extract_strided_slice %get3A_417 {offsets = [0], sizes = [1], strides = [1]} : vector<16xi32> to vector<1xi32>
      %squeeze3A_419 = vector.extract %slice3A_418[0] : i32 from vector<1xi32>
      %shift_right_arithmetic3A_420 = arith.constant 7 : i32
      %shift_right_arithmetic3A_421 = arith.shrsi %squeeze3A_419, %shift_right_arithmetic3A_420 : i32
      %shift_left3A_422 = arith.constant 7 : i32
      %shift_left3A_423 = arith.shli %shift_right_arithmetic3A_421, %shift_left3A_422 : i32
      %multiple_of3A_424 = tpu.assume_multiple %shift_left3A_423, 128 : i32
      %dma_start3A_425 = arith.constant 8 : i32
      %dma_start3A_426 = arith.constant 0 : i32
      %dma_start3A_427 = arith.constant 0 : i32
      %dma_start3A_428 = tpu.memref_slice %arg11[%dma_start3A_425, %dma_start3A_426, %dma_start3A_427] : memref<16x32x128xf32, #tpu.memory_space<vmem>> -> memref<1x32x128xf32, #tpu.memory_space<vmem>>
      %dma_start3A_429 = tpu.memref_squeeze %dma_start3A_428 : memref<1x32x128xf32, #tpu.memory_space<vmem>> -> memref<32x128xf32, #tpu.memory_space<vmem>>
      %dma_start3A_430 = arith.constant 0 : i32
      %dma_start3A_431 = tpu.memref_slice %arg5[%dma_start3A_430, %multiple_of3A_424] : memref<32x1000000xf32, #tpu.memory_space<hbm>> -> memref<32x128xf32, #tpu.memory_space<hbm>>
      %dma_start3A_432 = arith.constant 0 : i32
      %dma_start3A_433 = arith.constant 0 : i32
      %dma_start3A_434 = tpu.memref_slice %arg11[%dma_start3A_425, %dma_start3A_432, %dma_start3A_433] : memref<16x32x128xf32, #tpu.memory_space<vmem>> -> memref<1x32x128xf32, #tpu.memory_space<vmem>>
      %dma_start3A_435 = tpu.memref_squeeze %dma_start3A_434 : memref<1x32x128xf32, #tpu.memory_space<vmem>> -> memref<32x128xf32, #tpu.memory_space<vmem>>
      %dma_start3A_436 = arith.constant 0 : i32
      %dma_start3A_437 = tpu.memref_slice %arg5[%dma_start3A_436, %multiple_of3A_424] : memref<32x1000000xf32, #tpu.memory_space<hbm>> -> memref<32x128xf32, #tpu.memory_space<hbm>>
      tpu.enqueue_dma source(%dma_start3A_437 : memref<32x128xf32, #tpu.memory_space<hbm>>) target(%dma_start3A_435 : memref<32x128xf32, #tpu.memory_space<vmem>>) target_semaphore(%arg16 : memref<!tpu.dma_semaphore, #tpu.memory_space<semaphore_mem>>)
      %mul3A_438 = arith.constant 16 : i32
      %mul3A_439 = arith.muli %scan3A_208, %mul3A_438 : i32
      %add3A_440 = arith.constant 9 : i32
      %add3A_441 = arith.addi %mul3A_439, %add3A_440 : i32
      %get3A_442 = arith.index_cast %add3A_441 : i32 to index
      %get3A_443 = tpu.vector_load %arg10[%get3A_442] {strides = array<i32>} : memref<528xi32, #tpu.memory_space<vmem>>, vector<16xi32>,
      %slice3A_444 = vector.extract_strided_slice %get3A_443 {offsets = [0], sizes = [1], strides = [1]} : vector<16xi32> to vector<1xi32>
      %squeeze3A_445 = vector.extract %slice3A_444[0] : i32 from vector<1xi32>
      %shift_right_arithmetic3A_446 = arith.constant 7 : i32
      %shift_right_arithmetic3A_447 = arith.shrsi %squeeze3A_445, %shift_right_arithmetic3A_446 : i32
      %shift_left3A_448 = arith.constant 7 : i32
      %shift_left3A_449 = arith.shli %shift_right_arithmetic3A_447, %shift_left3A_448 : i32
      %multiple_of3A_450 = tpu.assume_multiple %shift_left3A_449, 128 : i32
      %dma_start3A_451 = arith.constant 9 : i32
      %dma_start3A_452 = arith.constant 0 : i32
      %dma_start3A_453 = arith.constant 0 : i32
      %dma_start3A_454 = tpu.memref_slice %arg11[%dma_start3A_451, %dma_start3A_452, %dma_start3A_453] : memref<16x32x128xf32, #tpu.memory_space<vmem>> -> memref<1x32x128xf32, #tpu.memory_space<vmem>>
      %dma_start3A_455 = tpu.memref_squeeze %dma_start3A_454 : memref<1x32x128xf32, #tpu.memory_space<vmem>> -> memref<32x128xf32, #tpu.memory_space<vmem>>
      %dma_start3A_456 = arith.constant 0 : i32
      %dma_start3A_457 = tpu.memref_slice %arg5[%dma_start3A_456, %multiple_of3A_450] : memref<32x1000000xf32, #tpu.memory_space<hbm>> -> memref<32x128xf32, #tpu.memory_space<hbm>>
      %dma_start3A_458 = arith.constant 0 : i32
      %dma_start3A_459 = arith.constant 0 : i32
      %dma_start3A_460 = tpu.memref_slice %arg11[%dma_start3A_451, %dma_start3A_458, %dma_start3A_459] : memref<16x32x128xf32, #tpu.memory_space<vmem>> -> memref<1x32x128xf32, #tpu.memory_space<vmem>>
      %dma_start3A_461 = tpu.memref_squeeze %dma_start3A_460 : memref<1x32x128xf32, #tpu.memory_space<vmem>> -> memref<32x128xf32, #tpu.memory_space<vmem>>
      %dma_start3A_462 = arith.constant 0 : i32
      %dma_start3A_463 = tpu.memref_slice %arg5[%dma_start3A_462, %multiple_of3A_450] : memref<32x1000000xf32, #tpu.memory_space<hbm>> -> memref<32x128xf32, #tpu.memory_space<hbm>>
      tpu.enqueue_dma source(%dma_start3A_463 : memref<32x128xf32, #tpu.memory_space<hbm>>) target(%dma_start3A_461 : memref<32x128xf32, #tpu.memory_space<vmem>>) target_semaphore(%arg16 : memref<!tpu.dma_semaphore, #tpu.memory_space<semaphore_mem>>)
      %mul3A_464 = arith.constant 16 : i32
      %mul3A_465 = arith.muli %scan3A_208, %mul3A_464 : i32
      %add3A_466 = arith.constant 10 : i32
      %add3A_467 = arith.addi %mul3A_465, %add3A_466 : i32
      %get3A_468 = arith.index_cast %add3A_467 : i32 to index
      %get3A_469 = tpu.vector_load %arg10[%get3A_468] {strides = array<i32>} : memref<528xi32, #tpu.memory_space<vmem>>, vector<16xi32>,
      %slice3A_470 = vector.extract_strided_slice %get3A_469 {offsets = [0], sizes = [1], strides = [1]} : vector<16xi32> to vector<1xi32>
      %squeeze3A_471 = vector.extract %slice3A_470[0] : i32 from vector<1xi32>
      %shift_right_arithmetic3A_472 = arith.constant 7 : i32
      %shift_right_arithmetic3A_473 = arith.shrsi %squeeze3A_471, %shift_right_arithmetic3A_472 : i32
      %shift_left3A_474 = arith.constant 7 : i32
      %shift_left3A_475 = arith.shli %shift_right_arithmetic3A_473, %shift_left3A_474 : i32
      %multiple_of3A_476 = tpu.assume_multiple %shift_left3A_475, 128 : i32
      %dma_start3A_477 = arith.constant 10 : i32
      %dma_start3A_478 = arith.constant 0 : i32
      %dma_start3A_479 = arith.constant 0 : i32
      %dma_start3A_480 = tpu.memref_slice %arg11[%dma_start3A_477, %dma_start3A_478, %dma_start3A_479] : memref<16x32x128xf32, #tpu.memory_space<vmem>> -> memref<1x32x128xf32, #tpu.memory_space<vmem>>
      %dma_start3A_481 = tpu.memref_squeeze %dma_start3A_480 : memref<1x32x128xf32, #tpu.memory_space<vmem>> -> memref<32x128xf32, #tpu.memory_space<vmem>>
      %dma_start3A_482 = arith.constant 0 : i32
      %dma_start3A_483 = tpu.memref_slice %arg5[%dma_start3A_482, %multiple_of3A_476] : memref<32x1000000xf32, #tpu.memory_space<hbm>> -> memref<32x128xf32, #tpu.memory_space<hbm>>
      %dma_start3A_484 = arith.constant 0 : i32
      %dma_start3A_485 = arith.constant 0 : i32
      %dma_start3A_486 = tpu.memref_slice %arg11[%dma_start3A_477, %dma_start3A_484, %dma_start3A_485] : memref<16x32x128xf32, #tpu.memory_space<vmem>> -> memref<1x32x128xf32, #tpu.memory_space<vmem>>
      %dma_start3A_487 = tpu.memref_squeeze %dma_start3A_486 : memref<1x32x128xf32, #tpu.memory_space<vmem>> -> memref<32x128xf32, #tpu.memory_space<vmem>>
      %dma_start3A_488 = arith.constant 0 : i32
      %dma_start3A_489 = tpu.memref_slice %arg5[%dma_start3A_488, %multiple_of3A_476] : memref<32x1000000xf32, #tpu.memory_space<hbm>> -> memref<32x128xf32, #tpu.memory_space<hbm>>
      tpu.enqueue_dma source(%dma_start3A_489 : memref<32x128xf32, #tpu.memory_space<hbm>>) target(%dma_start3A_487 : memref<32x128xf32, #tpu.memory_space<vmem>>) target_semaphore(%arg16 : memref<!tpu.dma_semaphore, #tpu.memory_space<semaphore_mem>>)
      %mul3A_490 = arith.constant 16 : i32
      %mul3A_491 = arith.muli %scan3A_208, %mul3A_490 : i32
      %add3A_492 = arith.constant 11 : i32
      %add3A_493 = arith.addi %mul3A_491, %add3A_492 : i32
      %get3A_494 = arith.index_cast %add3A_493 : i32 to index
      %get3A_495 = tpu.vector_load %arg10[%get3A_494] {strides = array<i32>} : memref<528xi32, #tpu.memory_space<vmem>>, vector<16xi32>,
      %slice3A_496 = vector.extract_strided_slice %get3A_495 {offsets = [0], sizes = [1], strides = [1]} : vector<16xi32> to vector<1xi32>
      %squeeze3A_497 = vector.extract %slice3A_496[0] : i32 from vector<1xi32>
      %shift_right_arithmetic3A_498 = arith.constant 7 : i32
      %shift_right_arithmetic3A_499 = arith.shrsi %squeeze3A_497, %shift_right_arithmetic3A_498 : i32
      %shift_left3A_500 = arith.constant 7 : i32
      %shift_left3A_501 = arith.shli %shift_right_arithmetic3A_499, %shift_left3A_500 : i32
      %multiple_of3A_502 = tpu.assume_multiple %shift_left3A_501, 128 : i32
      %dma_start3A_503 = arith.constant 11 : i32
      %dma_start3A_504 = arith.constant 0 : i32
      %dma_start3A_505 = arith.constant 0 : i32
      %dma_start3A_506 = tpu.memref_slice %arg11[%dma_start3A_503, %dma_start3A_504, %dma_start3A_505] : memref<16x32x128xf32, #tpu.memory_space<vmem>> -> memref<1x32x128xf32, #tpu.memory_space<vmem>>
      %dma_start3A_507 = tpu.memref_squeeze %dma_start3A_506 : memref<1x32x128xf32, #tpu.memory_space<vmem>> -> memref<32x128xf32, #tpu.memory_space<vmem>>
      %dma_start3A_508 = arith.constant 0 : i32
      %dma_start3A_509 = tpu.memref_slice %arg5[%dma_start3A_508, %multiple_of3A_502] : memref<32x1000000xf32, #tpu.memory_space<hbm>> -> memref<32x128xf32, #tpu.memory_space<hbm>>
      %dma_start3A_510 = arith.constant 0 : i32
      %dma_start3A_511 = arith.constant 0 : i32
      %dma_start3A_512 = tpu.memref_slice %arg11[%dma_start3A_503, %dma_start3A_510, %dma_start3A_511] : memref<16x32x128xf32, #tpu.memory_space<vmem>> -> memref<1x32x128xf32, #tpu.memory_space<vmem>>
      %dma_start3A_513 = tpu.memref_squeeze %dma_start3A_512 : memref<1x32x128xf32, #tpu.memory_space<vmem>> -> memref<32x128xf32, #tpu.memory_space<vmem>>
      %dma_start3A_514 = arith.constant 0 : i32
      %dma_start3A_515 = tpu.memref_slice %arg5[%dma_start3A_514, %multiple_of3A_502] : memref<32x1000000xf32, #tpu.memory_space<hbm>> -> memref<32x128xf32, #tpu.memory_space<hbm>>
      tpu.enqueue_dma source(%dma_start3A_515 : memref<32x128xf32, #tpu.memory_space<hbm>>) target(%dma_start3A_513 : memref<32x128xf32, #tpu.memory_space<vmem>>) target_semaphore(%arg16 : memref<!tpu.dma_semaphore, #tpu.memory_space<semaphore_mem>>)
      %mul3A_516 = arith.constant 16 : i32
      %mul3A_517 = arith.muli %scan3A_208, %mul3A_516 : i32
      %add3A_518 = arith.constant 12 : i32
      %add3A_519 = arith.addi %mul3A_517, %add3A_518 : i32
      %get3A_520 = arith.index_cast %add3A_519 : i32 to index
      %get3A_521 = tpu.vector_load %arg10[%get3A_520] {strides = array<i32>} : memref<528xi32, #tpu.memory_space<vmem>>, vector<16xi32>,
      %slice3A_522 = vector.extract_strided_slice %get3A_521 {offsets = [0], sizes = [1], strides = [1]} : vector<16xi32> to vector<1xi32>
      %squeeze3A_523 = vector.extract %slice3A_522[0] : i32 from vector<1xi32>
      %shift_right_arithmetic3A_524 = arith.constant 7 : i32
      %shift_right_arithmetic3A_525 = arith.shrsi %squeeze3A_523, %shift_right_arithmetic3A_524 : i32
      %shift_left3A_526 = arith.constant 7 : i32
      %shift_left3A_527 = arith.shli %shift_right_arithmetic3A_525, %shift_left3A_526 : i32
      %multiple_of3A_528 = tpu.assume_multiple %shift_left3A_527, 128 : i32
      %dma_start3A_529 = arith.constant 12 : i32
      %dma_start3A_530 = arith.constant 0 : i32
      %dma_start3A_531 = arith.constant 0 : i32
      %dma_start3A_532 = tpu.memref_slice %arg11[%dma_start3A_529, %dma_start3A_530, %dma_start3A_531] : memref<16x32x128xf32, #tpu.memory_space<vmem>> -> memref<1x32x128xf32, #tpu.memory_space<vmem>>
      %dma_start3A_533 = tpu.memref_squeeze %dma_start3A_532 : memref<1x32x128xf32, #tpu.memory_space<vmem>> -> memref<32x128xf32, #tpu.memory_space<vmem>>
      %dma_start3A_534 = arith.constant 0 : i32
      %dma_start3A_535 = tpu.memref_slice %arg5[%dma_start3A_534, %multiple_of3A_528] : memref<32x1000000xf32, #tpu.memory_space<hbm>> -> memref<32x128xf32, #tpu.memory_space<hbm>>
      %dma_start3A_536 = arith.constant 0 : i32
      %dma_start3A_537 = arith.constant 0 : i32
      %dma_start3A_538 = tpu.memref_slice %arg11[%dma_start3A_529, %dma_start3A_536, %dma_start3A_537] : memref<16x32x128xf32, #tpu.memory_space<vmem>> -> memref<1x32x128xf32, #tpu.memory_space<vmem>>
      %dma_start3A_539 = tpu.memref_squeeze %dma_start3A_538 : memref<1x32x128xf32, #tpu.memory_space<vmem>> -> memref<32x128xf32, #tpu.memory_space<vmem>>
      %dma_start3A_540 = arith.constant 0 : i32
      %dma_start3A_541 = tpu.memref_slice %arg5[%dma_start3A_540, %multiple_of3A_528] : memref<32x1000000xf32, #tpu.memory_space<hbm>> -> memref<32x128xf32, #tpu.memory_space<hbm>>
      tpu.enqueue_dma source(%dma_start3A_541 : memref<32x128xf32, #tpu.memory_space<hbm>>) target(%dma_start3A_539 : memref<32x128xf32, #tpu.memory_space<vmem>>) target_semaphore(%arg16 : memref<!tpu.dma_semaphore, #tpu.memory_space<semaphore_mem>>)
      %mul3A_542 = arith.constant 16 : i32
      %mul3A_543 = arith.muli %scan3A_208, %mul3A_542 : i32
      %add3A_544 = arith.constant 13 : i32
      %add3A_545 = arith.addi %mul3A_543, %add3A_544 : i32
      %get3A_546 = arith.index_cast %add3A_545 : i32 to index
      %get3A_547 = tpu.vector_load %arg10[%get3A_546] {strides = array<i32>} : memref<528xi32, #tpu.memory_space<vmem>>, vector<16xi32>,
      %slice3A_548 = vector.extract_strided_slice %get3A_547 {offsets = [0], sizes = [1], strides = [1]} : vector<16xi32> to vector<1xi32>
      %squeeze3A_549 = vector.extract %slice3A_548[0] : i32 from vector<1xi32>
      %shift_right_arithmetic3A_550 = arith.constant 7 : i32
      %shift_right_arithmetic3A_551 = arith.shrsi %squeeze3A_549, %shift_right_arithmetic3A_550 : i32
      %shift_left3A_552 = arith.constant 7 : i32
      %shift_left3A_553 = arith.shli %shift_right_arithmetic3A_551, %shift_left3A_552 : i32
      %multiple_of3A_554 = tpu.assume_multiple %shift_left3A_553, 128 : i32
      %dma_start3A_555 = arith.constant 13 : i32
      %dma_start3A_556 = arith.constant 0 : i32
      %dma_start3A_557 = arith.constant 0 : i32
      %dma_start3A_558 = tpu.memref_slice %arg11[%dma_start3A_555, %dma_start3A_556, %dma_start3A_557] : memref<16x32x128xf32, #tpu.memory_space<vmem>> -> memref<1x32x128xf32, #tpu.memory_space<vmem>>
      %dma_start3A_559 = tpu.memref_squeeze %dma_start3A_558 : memref<1x32x128xf32, #tpu.memory_space<vmem>> -> memref<32x128xf32, #tpu.memory_space<vmem>>
      %dma_start3A_560 = arith.constant 0 : i32
      %dma_start3A_561 = tpu.memref_slice %arg5[%dma_start3A_560, %multiple_of3A_554] : memref<32x1000000xf32, #tpu.memory_space<hbm>> -> memref<32x128xf32, #tpu.memory_space<hbm>>
      %dma_start3A_562 = arith.constant 0 : i32
      %dma_start3A_563 = arith.constant 0 : i32
      %dma_start3A_564 = tpu.memref_slice %arg11[%dma_start3A_555, %dma_start3A_562, %dma_start3A_563] : memref<16x32x128xf32, #tpu.memory_space<vmem>> -> memref<1x32x128xf32, #tpu.memory_space<vmem>>
      %dma_start3A_565 = tpu.memref_squeeze %dma_start3A_564 : memref<1x32x128xf32, #tpu.memory_space<vmem>> -> memref<32x128xf32, #tpu.memory_space<vmem>>
      %dma_start3A_566 = arith.constant 0 : i32
      %dma_start3A_567 = tpu.memref_slice %arg5[%dma_start3A_566, %multiple_of3A_554] : memref<32x1000000xf32, #tpu.memory_space<hbm>> -> memref<32x128xf32, #tpu.memory_space<hbm>>
      tpu.enqueue_dma source(%dma_start3A_567 : memref<32x128xf32, #tpu.memory_space<hbm>>) target(%dma_start3A_565 : memref<32x128xf32, #tpu.memory_space<vmem>>) target_semaphore(%arg16 : memref<!tpu.dma_semaphore, #tpu.memory_space<semaphore_mem>>)
      %mul3A_568 = arith.constant 16 : i32
      %mul3A_569 = arith.muli %scan3A_208, %mul3A_568 : i32
      %add3A_570 = arith.constant 14 : i32
      %add3A_571 = arith.addi %mul3A_569, %add3A_570 : i32
      %get3A_572 = arith.index_cast %add3A_571 : i32 to index
      %get3A_573 = tpu.vector_load %arg10[%get3A_572] {strides = array<i32>} : memref<528xi32, #tpu.memory_space<vmem>>, vector<16xi32>,
      %slice3A_574 = vector.extract_strided_slice %get3A_573 {offsets = [0], sizes = [1], strides = [1]} : vector<16xi32> to vector<1xi32>
      %squeeze3A_575 = vector.extract %slice3A_574[0] : i32 from vector<1xi32>
      %shift_right_arithmetic3A_576 = arith.constant 7 : i32
      %shift_right_arithmetic3A_577 = arith.shrsi %squeeze3A_575, %shift_right_arithmetic3A_576 : i32
      %shift_left3A_578 = arith.constant 7 : i32
      %shift_left3A_579 = arith.shli %shift_right_arithmetic3A_577, %shift_left3A_578 : i32
      %multiple_of3A_580 = tpu.assume_multiple %shift_left3A_579, 128 : i32
      %dma_start3A_581 = arith.constant 14 : i32
      %dma_start3A_582 = arith.constant 0 : i32
      %dma_start3A_583 = arith.constant 0 : i32
      %dma_start3A_584 = tpu.memref_slice %arg11[%dma_start3A_581, %dma_start3A_582, %dma_start3A_583] : memref<16x32x128xf32, #tpu.memory_space<vmem>> -> memref<1x32x128xf32, #tpu.memory_space<vmem>>
      %dma_start3A_585 = tpu.memref_squeeze %dma_start3A_584 : memref<1x32x128xf32, #tpu.memory_space<vmem>> -> memref<32x128xf32, #tpu.memory_space<vmem>>
      %dma_start3A_586 = arith.constant 0 : i32
      %dma_start3A_587 = tpu.memref_slice %arg5[%dma_start3A_586, %multiple_of3A_580] : memref<32x1000000xf32, #tpu.memory_space<hbm>> -> memref<32x128xf32, #tpu.memory_space<hbm>>
      %dma_start3A_588 = arith.constant 0 : i32
      %dma_start3A_589 = arith.constant 0 : i32
      %dma_start3A_590 = tpu.memref_slice %arg11[%dma_start3A_581, %dma_start3A_588, %dma_start3A_589] : memref<16x32x128xf32, #tpu.memory_space<vmem>> -> memref<1x32x128xf32, #tpu.memory_space<vmem>>
      %dma_start3A_591 = tpu.memref_squeeze %dma_start3A_590 : memref<1x32x128xf32, #tpu.memory_space<vmem>> -> memref<32x128xf32, #tpu.memory_space<vmem>>
      %dma_start3A_592 = arith.constant 0 : i32
      %dma_start3A_593 = tpu.memref_slice %arg5[%dma_start3A_592, %multiple_of3A_580] : memref<32x1000000xf32, #tpu.memory_space<hbm>> -> memref<32x128xf32, #tpu.memory_space<hbm>>
      tpu.enqueue_dma source(%dma_start3A_593 : memref<32x128xf32, #tpu.memory_space<hbm>>) target(%dma_start3A_591 : memref<32x128xf32, #tpu.memory_space<vmem>>) target_semaphore(%arg16 : memref<!tpu.dma_semaphore, #tpu.memory_space<semaphore_mem>>)
      %mul3A_594 = arith.constant 16 : i32
      %mul3A_595 = arith.muli %scan3A_208, %mul3A_594 : i32
      %add3A_596 = arith.constant 15 : i32
      %add3A_597 = arith.addi %mul3A_595, %add3A_596 : i32
      %get3A_598 = arith.index_cast %add3A_597 : i32 to index
      %get3A_599 = tpu.vector_load %arg10[%get3A_598] {strides = array<i32>} : memref<528xi32, #tpu.memory_space<vmem>>, vector<16xi32>,
      %slice3A_600 = vector.extract_strided_slice %get3A_599 {offsets = [0], sizes = [1], strides = [1]} : vector<16xi32> to vector<1xi32>
      %squeeze3A_601 = vector.extract %slice3A_600[0] : i32 from vector<1xi32>
      %shift_right_arithmetic3A_602 = arith.constant 7 : i32
      %shift_right_arithmetic3A_603 = arith.shrsi %squeeze3A_601, %shift_right_arithmetic3A_602 : i32
      %shift_left3A_604 = arith.constant 7 : i32
      %shift_left3A_605 = arith.shli %shift_right_arithmetic3A_603, %shift_left3A_604 : i32
      %multiple_of3A_606 = tpu.assume_multiple %shift_left3A_605, 128 : i32
      %dma_start3A_607 = arith.constant 15 : i32
      %dma_start3A_608 = arith.constant 0 : i32
      %dma_start3A_609 = arith.constant 0 : i32
      %dma_start3A_610 = tpu.memref_slice %arg11[%dma_start3A_607, %dma_start3A_608, %dma_start3A_609] : memref<16x32x128xf32, #tpu.memory_space<vmem>> -> memref<1x32x128xf32, #tpu.memory_space<vmem>>
      %dma_start3A_611 = tpu.memref_squeeze %dma_start3A_610 : memref<1x32x128xf32, #tpu.memory_space<vmem>> -> memref<32x128xf32, #tpu.memory_space<vmem>>
      %dma_start3A_612 = arith.constant 0 : i32
      %dma_start3A_613 = tpu.memref_slice %arg5[%dma_start3A_612, %multiple_of3A_606] : memref<32x1000000xf32, #tpu.memory_space<hbm>> -> memref<32x128xf32, #tpu.memory_space<hbm>>
      %dma_start3A_614 = arith.constant 0 : i32
      %dma_start3A_615 = arith.constant 0 : i32
      %dma_start3A_616 = tpu.memref_slice %arg11[%dma_start3A_607, %dma_start3A_614, %dma_start3A_615] : memref<16x32x128xf32, #tpu.memory_space<vmem>> -> memref<1x32x128xf32, #tpu.memory_space<vmem>>
      %dma_start3A_617 = tpu.memref_squeeze %dma_start3A_616 : memref<1x32x128xf32, #tpu.memory_space<vmem>> -> memref<32x128xf32, #tpu.memory_space<vmem>>
      %dma_start3A_618 = arith.constant 0 : i32
      %dma_start3A_619 = tpu.memref_slice %arg5[%dma_start3A_618, %multiple_of3A_606] : memref<32x1000000xf32, #tpu.memory_space<hbm>> -> memref<32x128xf32, #tpu.memory_space<hbm>>
      tpu.enqueue_dma source(%dma_start3A_619 : memref<32x128xf32, #tpu.memory_space<hbm>>) target(%dma_start3A_617 : memref<32x128xf32, #tpu.memory_space<vmem>>) target_semaphore(%arg16 : memref<!tpu.dma_semaphore, #tpu.memory_space<semaphore_mem>>)
      %dma_wait3A = arith.constant 0 : i32
      %dma_wait3A_620 = arith.constant 0 : i32
      %dma_wait3A_621 = arith.constant 0 : i32
      %dma_wait3A_622 = tpu.memref_slice %arg11[%dma_wait3A, %dma_wait3A_620, %dma_wait3A_621] : memref<16x32x128xf32, #tpu.memory_space<vmem>> -> memref<1x32x128xf32, #tpu.memory_space<vmem>>
      %dma_wait3A_623 = tpu.memref_squeeze %dma_wait3A_622 : memref<1x32x128xf32, #tpu.memory_space<vmem>> -> memref<32x128xf32, #tpu.memory_space<vmem>>
      %dma_wait3A_624 = arith.constant 0 : i32
      %dma_wait3A_625 = tpu.memref_slice %arg5[%dma_wait3A_624, %multiple_of3A] : memref<32x1000000xf32, #tpu.memory_space<hbm>> -> memref<32x128xf32, #tpu.memory_space<hbm>>
      %dma_wait3A_626 = arith.constant 0 : i32
      %dma_wait3A_627 = arith.constant 0 : i32
      %dma_wait3A_628 = tpu.memref_slice %arg11[%dma_wait3A, %dma_wait3A_626, %dma_wait3A_627] : memref<16x32x128xf32, #tpu.memory_space<vmem>> -> memref<1x32x128xf32, #tpu.memory_space<vmem>>
      %dma_wait3A_629 = tpu.memref_squeeze %dma_wait3A_628 : memref<1x32x128xf32, #tpu.memory_space<vmem>> -> memref<32x128xf32, #tpu.memory_space<vmem>>
      %dma_wait3A_630 = arith.constant 0 : i32
      %dma_wait3A_631 = tpu.memref_slice %arg5[%dma_wait3A_630, %multiple_of3A] : memref<32x1000000xf32, #tpu.memory_space<hbm>> -> memref<32x128xf32, #tpu.memory_space<hbm>>
      tpu.wait_dma2 semaphore(%arg16 : memref<!tpu.dma_semaphore, #tpu.memory_space<semaphore_mem>>) src(%dma_wait3A_631 : memref<32x128xf32, #tpu.memory_space<hbm>>) dst(%dma_wait3A_629 : memref<32x128xf32, #tpu.memory_space<vmem>>)
      %dma_wait3A_632 = arith.constant 1 : i32
      %dma_wait3A_633 = arith.constant 0 : i32
      %dma_wait3A_634 = arith.constant 0 : i32
      %dma_wait3A_635 = tpu.memref_slice %arg11[%dma_wait3A_632, %dma_wait3A_633, %dma_wait3A_634] : memref<16x32x128xf32, #tpu.memory_space<vmem>> -> memref<1x32x128xf32, #tpu.memory_space<vmem>>
      %dma_wait3A_636 = tpu.memref_squeeze %dma_wait3A_635 : memref<1x32x128xf32, #tpu.memory_space<vmem>> -> memref<32x128xf32, #tpu.memory_space<vmem>>
      %dma_wait3A_637 = arith.constant 0 : i32
      %dma_wait3A_638 = tpu.memref_slice %arg5[%dma_wait3A_637, %multiple_of3A_242] : memref<32x1000000xf32, #tpu.memory_space<hbm>> -> memref<32x128xf32, #tpu.memory_space<hbm>>
      %dma_wait3A_639 = arith.constant 0 : i32
      %dma_wait3A_640 = arith.constant 0 : i32
      %dma_wait3A_641 = tpu.memref_slice %arg11[%dma_wait3A_632, %dma_wait3A_639, %dma_wait3A_640] : memref<16x32x128xf32, #tpu.memory_space<vmem>> -> memref<1x32x128xf32, #tpu.memory_space<vmem>>
      %dma_wait3A_642 = tpu.memref_squeeze %dma_wait3A_641 : memref<1x32x128xf32, #tpu.memory_space<vmem>> -> memref<32x128xf32, #tpu.memory_space<vmem>>
      %dma_wait3A_643 = arith.constant 0 : i32
      %dma_wait3A_644 = tpu.memref_slice %arg5[%dma_wait3A_643, %multiple_of3A_242] : memref<32x1000000xf32, #tpu.memory_space<hbm>> -> memref<32x128xf32, #tpu.memory_space<hbm>>
      tpu.wait_dma2 semaphore(%arg16 : memref<!tpu.dma_semaphore, #tpu.memory_space<semaphore_mem>>) src(%dma_wait3A_644 : memref<32x128xf32, #tpu.memory_space<hbm>>) dst(%dma_wait3A_642 : memref<32x128xf32, #tpu.memory_space<vmem>>)
      %dma_wait3A_645 = arith.constant 2 : i32
      %dma_wait3A_646 = arith.constant 0 : i32
      %dma_wait3A_647 = arith.constant 0 : i32
      %dma_wait3A_648 = tpu.memref_slice %arg11[%dma_wait3A_645, %dma_wait3A_646, %dma_wait3A_647] : memref<16x32x128xf32, #tpu.memory_space<vmem>> -> memref<1x32x128xf32, #tpu.memory_space<vmem>>
      %dma_wait3A_649 = tpu.memref_squeeze %dma_wait3A_648 : memref<1x32x128xf32, #tpu.memory_space<vmem>> -> memref<32x128xf32, #tpu.memory_space<vmem>>
      %dma_wait3A_650 = arith.constant 0 : i32
      %dma_wait3A_651 = tpu.memref_slice %arg5[%dma_wait3A_650, %multiple_of3A_268] : memref<32x1000000xf32, #tpu.memory_space<hbm>> -> memref<32x128xf32, #tpu.memory_space<hbm>>
      %dma_wait3A_652 = arith.constant 0 : i32
      %dma_wait3A_653 = arith.constant 0 : i32
      %dma_wait3A_654 = tpu.memref_slice %arg11[%dma_wait3A_645, %dma_wait3A_652, %dma_wait3A_653] : memref<16x32x128xf32, #tpu.memory_space<vmem>> -> memref<1x32x128xf32, #tpu.memory_space<vmem>>
      %dma_wait3A_655 = tpu.memref_squeeze %dma_wait3A_654 : memref<1x32x128xf32, #tpu.memory_space<vmem>> -> memref<32x128xf32, #tpu.memory_space<vmem>>
      %dma_wait3A_656 = arith.constant 0 : i32
      %dma_wait3A_657 = tpu.memref_slice %arg5[%dma_wait3A_656, %multiple_of3A_268] : memref<32x1000000xf32, #tpu.memory_space<hbm>> -> memref<32x128xf32, #tpu.memory_space<hbm>>
      tpu.wait_dma2 semaphore(%arg16 : memref<!tpu.dma_semaphore, #tpu.memory_space<semaphore_mem>>) src(%dma_wait3A_657 : memref<32x128xf32, #tpu.memory_space<hbm>>) dst(%dma_wait3A_655 : memref<32x128xf32, #tpu.memory_space<vmem>>)
      %dma_wait3A_658 = arith.constant 3 : i32
      %dma_wait3A_659 = arith.constant 0 : i32
      %dma_wait3A_660 = arith.constant 0 : i32
      %dma_wait3A_661 = tpu.memref_slice %arg11[%dma_wait3A_658, %dma_wait3A_659, %dma_wait3A_660] : memref<16x32x128xf32, #tpu.memory_space<vmem>> -> memref<1x32x128xf32, #tpu.memory_space<vmem>>
      %dma_wait3A_662 = tpu.memref_squeeze %dma_wait3A_661 : memref<1x32x128xf32, #tpu.memory_space<vmem>> -> memref<32x128xf32, #tpu.memory_space<vmem>>
      %dma_wait3A_663 = arith.constant 0 : i32
      %dma_wait3A_664 = tpu.memref_slice %arg5[%dma_wait3A_663, %multiple_of3A_294] : memref<32x1000000xf32, #tpu.memory_space<hbm>> -> memref<32x128xf32, #tpu.memory_space<hbm>>
      %dma_wait3A_665 = arith.constant 0 : i32
      %dma_wait3A_666 = arith.constant 0 : i32
      %dma_wait3A_667 = tpu.memref_slice %arg11[%dma_wait3A_658, %dma_wait3A_665, %dma_wait3A_666] : memref<16x32x128xf32, #tpu.memory_space<vmem>> -> memref<1x32x128xf32, #tpu.memory_space<vmem>>
      %dma_wait3A_668 = tpu.memref_squeeze %dma_wait3A_667 : memref<1x32x128xf32, #tpu.memory_space<vmem>> -> memref<32x128xf32, #tpu.memory_space<vmem>>
      %dma_wait3A_669 = arith.constant 0 : i32
      %dma_wait3A_670 = tpu.memref_slice %arg5[%dma_wait3A_669, %multiple_of3A_294] : memref<32x1000000xf32, #tpu.memory_space<hbm>> -> memref<32x128xf32, #tpu.memory_space<hbm>>
      tpu.wait_dma2 semaphore(%arg16 : memref<!tpu.dma_semaphore, #tpu.memory_space<semaphore_mem>>) src(%dma_wait3A_670 : memref<32x128xf32, #tpu.memory_space<hbm>>) dst(%dma_wait3A_668 : memref<32x128xf32, #tpu.memory_space<vmem>>)
      %dma_wait3A_671 = arith.constant 4 : i32
      %dma_wait3A_672 = arith.constant 0 : i32
      %dma_wait3A_673 = arith.constant 0 : i32
      %dma_wait3A_674 = tpu.memref_slice %arg11[%dma_wait3A_671, %dma_wait3A_672, %dma_wait3A_673] : memref<16x32x128xf32, #tpu.memory_space<vmem>> -> memref<1x32x128xf32, #tpu.memory_space<vmem>>
      %dma_wait3A_675 = tpu.memref_squeeze %dma_wait3A_674 : memref<1x32x128xf32, #tpu.memory_space<vmem>> -> memref<32x128xf32, #tpu.memory_space<vmem>>
      %dma_wait3A_676 = arith.constant 0 : i32
      %dma_wait3A_677 = tpu.memref_slice %arg5[%dma_wait3A_676, %multiple_of3A_320] : memref<32x1000000xf32, #tpu.memory_space<hbm>> -> memref<32x128xf32, #tpu.memory_space<hbm>>
      %dma_wait3A_678 = arith.constant 0 : i32
      %dma_wait3A_679 = arith.constant 0 : i32
      %dma_wait3A_680 = tpu.memref_slice %arg11[%dma_wait3A_671, %dma_wait3A_678, %dma_wait3A_679] : memref<16x32x128xf32, #tpu.memory_space<vmem>> -> memref<1x32x128xf32, #tpu.memory_space<vmem>>
      %dma_wait3A_681 = tpu.memref_squeeze %dma_wait3A_680 : memref<1x32x128xf32, #tpu.memory_space<vmem>> -> memref<32x128xf32, #tpu.memory_space<vmem>>
      %dma_wait3A_682 = arith.constant 0 : i32
      %dma_wait3A_683 = tpu.memref_slice %arg5[%dma_wait3A_682, %multiple_of3A_320] : memref<32x1000000xf32, #tpu.memory_space<hbm>> -> memref<32x128xf32, #tpu.memory_space<hbm>>
      tpu.wait_dma2 semaphore(%arg16 : memref<!tpu.dma_semaphore, #tpu.memory_space<semaphore_mem>>) src(%dma_wait3A_683 : memref<32x128xf32, #tpu.memory_space<hbm>>) dst(%dma_wait3A_681 : memref<32x128xf32, #tpu.memory_space<vmem>>)
      %dma_wait3A_684 = arith.constant 5 : i32
      %dma_wait3A_685 = arith.constant 0 : i32
      %dma_wait3A_686 = arith.constant 0 : i32
      %dma_wait3A_687 = tpu.memref_slice %arg11[%dma_wait3A_684, %dma_wait3A_685, %dma_wait3A_686] : memref<16x32x128xf32, #tpu.memory_space<vmem>> -> memref<1x32x128xf32, #tpu.memory_space<vmem>>
      %dma_wait3A_688 = tpu.memref_squeeze %dma_wait3A_687 : memref<1x32x128xf32, #tpu.memory_space<vmem>> -> memref<32x128xf32, #tpu.memory_space<vmem>>
      %dma_wait3A_689 = arith.constant 0 : i32
      %dma_wait3A_690 = tpu.memref_slice %arg5[%dma_wait3A_689, %multiple_of3A_346] : memref<32x1000000xf32, #tpu.memory_space<hbm>> -> memref<32x128xf32, #tpu.memory_space<hbm>>
      %dma_wait3A_691 = arith.constant 0 : i32
      %dma_wait3A_692 = arith.constant 0 : i32
      %dma_wait3A_693 = tpu.memref_slice %arg11[%dma_wait3A_684, %dma_wait3A_691, %dma_wait3A_692] : memref<16x32x128xf32, #tpu.memory_space<vmem>> -> memref<1x32x128xf32, #tpu.memory_space<vmem>>
      %dma_wait3A_694 = tpu.memref_squeeze %dma_wait3A_693 : memref<1x32x128xf32, #tpu.memory_space<vmem>> -> memref<32x128xf32, #tpu.memory_space<vmem>>
      %dma_wait3A_695 = arith.constant 0 : i32
      %dma_wait3A_696 = tpu.memref_slice %arg5[%dma_wait3A_695, %multiple_of3A_346] : memref<32x1000000xf32, #tpu.memory_space<hbm>> -> memref<32x128xf32, #tpu.memory_space<hbm>>
      tpu.wait_dma2 semaphore(%arg16 : memref<!tpu.dma_semaphore, #tpu.memory_space<semaphore_mem>>) src(%dma_wait3A_696 : memref<32x128xf32, #tpu.memory_space<hbm>>) dst(%dma_wait3A_694 : memref<32x128xf32, #tpu.memory_space<vmem>>)
      %dma_wait3A_697 = arith.constant 6 : i32
      %dma_wait3A_698 = arith.constant 0 : i32
      %dma_wait3A_699 = arith.constant 0 : i32
      %dma_wait3A_700 = tpu.memref_slice %arg11[%dma_wait3A_697, %dma_wait3A_698, %dma_wait3A_699] : memref<16x32x128xf32, #tpu.memory_space<vmem>> -> memref<1x32x128xf32, #tpu.memory_space<vmem>>
      %dma_wait3A_701 = tpu.memref_squeeze %dma_wait3A_700 : memref<1x32x128xf32, #tpu.memory_space<vmem>> -> memref<32x128xf32, #tpu.memory_space<vmem>>
      %dma_wait3A_702 = arith.constant 0 : i32
      %dma_wait3A_703 = tpu.memref_slice %arg5[%dma_wait3A_702, %multiple_of3A_372] : memref<32x1000000xf32, #tpu.memory_space<hbm>> -> memref<32x128xf32, #tpu.memory_space<hbm>>
      %dma_wait3A_704 = arith.constant 0 : i32
      %dma_wait3A_705 = arith.constant 0 : i32
      %dma_wait3A_706 = tpu.memref_slice %arg11[%dma_wait3A_697, %dma_wait3A_704, %dma_wait3A_705] : memref<16x32x128xf32, #tpu.memory_space<vmem>> -> memref<1x32x128xf32, #tpu.memory_space<vmem>>
      %dma_wait3A_707 = tpu.memref_squeeze %dma_wait3A_706 : memref<1x32x128xf32, #tpu.memory_space<vmem>> -> memref<32x128xf32, #tpu.memory_space<vmem>>
      %dma_wait3A_708 = arith.constant 0 : i32
      %dma_wait3A_709 = tpu.memref_slice %arg5[%dma_wait3A_708, %multiple_of3A_372] : memref<32x1000000xf32, #tpu.memory_space<hbm>> -> memref<32x128xf32, #tpu.memory_space<hbm>>
      tpu.wait_dma2 semaphore(%arg16 : memref<!tpu.dma_semaphore, #tpu.memory_space<semaphore_mem>>) src(%dma_wait3A_709 : memref<32x128xf32, #tpu.memory_space<hbm>>) dst(%dma_wait3A_707 : memref<32x128xf32, #tpu.memory_space<vmem>>)
      %dma_wait3A_710 = arith.constant 7 : i32
      %dma_wait3A_711 = arith.constant 0 : i32
      %dma_wait3A_712 = arith.constant 0 : i32
      %dma_wait3A_713 = tpu.memref_slice %arg11[%dma_wait3A_710, %dma_wait3A_711, %dma_wait3A_712] : memref<16x32x128xf32, #tpu.memory_space<vmem>> -> memref<1x32x128xf32, #tpu.memory_space<vmem>>
      %dma_wait3A_714 = tpu.memref_squeeze %dma_wait3A_713 : memref<1x32x128xf32, #tpu.memory_space<vmem>> -> memref<32x128xf32, #tpu.memory_space<vmem>>
      %dma_wait3A_715 = arith.constant 0 : i32
      %dma_wait3A_716 = tpu.memref_slice %arg5[%dma_wait3A_715, %multiple_of3A_398] : memref<32x1000000xf32, #tpu.memory_space<hbm>> -> memref<32x128xf32, #tpu.memory_space<hbm>>
      %dma_wait3A_717 = arith.constant 0 : i32
      %dma_wait3A_718 = arith.constant 0 : i32
      %dma_wait3A_719 = tpu.memref_slice %arg11[%dma_wait3A_710, %dma_wait3A_717, %dma_wait3A_718] : memref<16x32x128xf32, #tpu.memory_space<vmem>> -> memref<1x32x128xf32, #tpu.memory_space<vmem>>
      %dma_wait3A_720 = tpu.memref_squeeze %dma_wait3A_719 : memref<1x32x128xf32, #tpu.memory_space<vmem>> -> memref<32x128xf32, #tpu.memory_space<vmem>>
      %dma_wait3A_721 = arith.constant 0 : i32
      %dma_wait3A_722 = tpu.memref_slice %arg5[%dma_wait3A_721, %multiple_of3A_398] : memref<32x1000000xf32, #tpu.memory_space<hbm>> -> memref<32x128xf32, #tpu.memory_space<hbm>>
      tpu.wait_dma2 semaphore(%arg16 : memref<!tpu.dma_semaphore, #tpu.memory_space<semaphore_mem>>) src(%dma_wait3A_722 : memref<32x128xf32, #tpu.memory_space<hbm>>) dst(%dma_wait3A_720 : memref<32x128xf32, #tpu.memory_space<vmem>>)
      %dma_wait3A_723 = arith.constant 8 : i32
      %dma_wait3A_724 = arith.constant 0 : i32
      %dma_wait3A_725 = arith.constant 0 : i32
      %dma_wait3A_726 = tpu.memref_slice %arg11[%dma_wait3A_723, %dma_wait3A_724, %dma_wait3A_725] : memref<16x32x128xf32, #tpu.memory_space<vmem>> -> memref<1x32x128xf32, #tpu.memory_space<vmem>>
      %dma_wait3A_727 = tpu.memref_squeeze %dma_wait3A_726 : memref<1x32x128xf32, #tpu.memory_space<vmem>> -> memref<32x128xf32, #tpu.memory_space<vmem>>
      %dma_wait3A_728 = arith.constant 0 : i32
      %dma_wait3A_729 = tpu.memref_slice %arg5[%dma_wait3A_728, %multiple_of3A_424] : memref<32x1000000xf32, #tpu.memory_space<hbm>> -> memref<32x128xf32, #tpu.memory_space<hbm>>
      %dma_wait3A_730 = arith.constant 0 : i32
      %dma_wait3A_731 = arith.constant 0 : i32
      %dma_wait3A_732 = tpu.memref_slice %arg11[%dma_wait3A_723, %dma_wait3A_730, %dma_wait3A_731] : memref<16x32x128xf32, #tpu.memory_space<vmem>> -> memref<1x32x128xf32, #tpu.memory_space<vmem>>
      %dma_wait3A_733 = tpu.memref_squeeze %dma_wait3A_732 : memref<1x32x128xf32, #tpu.memory_space<vmem>> -> memref<32x128xf32, #tpu.memory_space<vmem>>
      %dma_wait3A_734 = arith.constant 0 : i32
      %dma_wait3A_735 = tpu.memref_slice %arg5[%dma_wait3A_734, %multiple_of3A_424] : memref<32x1000000xf32, #tpu.memory_space<hbm>> -> memref<32x128xf32, #tpu.memory_space<hbm>>
      tpu.wait_dma2 semaphore(%arg16 : memref<!tpu.dma_semaphore, #tpu.memory_space<semaphore_mem>>) src(%dma_wait3A_735 : memref<32x128xf32, #tpu.memory_space<hbm>>) dst(%dma_wait3A_733 : memref<32x128xf32, #tpu.memory_space<vmem>>)
      %dma_wait3A_736 = arith.constant 9 : i32
      %dma_wait3A_737 = arith.constant 0 : i32
      %dma_wait3A_738 = arith.constant 0 : i32
      %dma_wait3A_739 = tpu.memref_slice %arg11[%dma_wait3A_736, %dma_wait3A_737, %dma_wait3A_738] : memref<16x32x128xf32, #tpu.memory_space<vmem>> -> memref<1x32x128xf32, #tpu.memory_space<vmem>>
      %dma_wait3A_740 = tpu.memref_squeeze %dma_wait3A_739 : memref<1x32x128xf32, #tpu.memory_space<vmem>> -> memref<32x128xf32, #tpu.memory_space<vmem>>
      %dma_wait3A_741 = arith.constant 0 : i32
      %dma_wait3A_742 = tpu.memref_slice %arg5[%dma_wait3A_741, %multiple_of3A_450] : memref<32x1000000xf32, #tpu.memory_space<hbm>> -> memref<32x128xf32, #tpu.memory_space<hbm>>
      %dma_wait3A_743 = arith.constant 0 : i32
      %dma_wait3A_744 = arith.constant 0 : i32
      %dma_wait3A_745 = tpu.memref_slice %arg11[%dma_wait3A_736, %dma_wait3A_743, %dma_wait3A_744] : memref<16x32x128xf32, #tpu.memory_space<vmem>> -> memref<1x32x128xf32, #tpu.memory_space<vmem>>
      %dma_wait3A_746 = tpu.memref_squeeze %dma_wait3A_745 : memref<1x32x128xf32, #tpu.memory_space<vmem>> -> memref<32x128xf32, #tpu.memory_space<vmem>>
      %dma_wait3A_747 = arith.constant 0 : i32
      %dma_wait3A_748 = tpu.memref_slice %arg5[%dma_wait3A_747, %multiple_of3A_450] : memref<32x1000000xf32, #tpu.memory_space<hbm>> -> memref<32x128xf32, #tpu.memory_space<hbm>>
      tpu.wait_dma2 semaphore(%arg16 : memref<!tpu.dma_semaphore, #tpu.memory_space<semaphore_mem>>) src(%dma_wait3A_748 : memref<32x128xf32, #tpu.memory_space<hbm>>) dst(%dma_wait3A_746 : memref<32x128xf32, #tpu.memory_space<vmem>>)
      %dma_wait3A_749 = arith.constant 10 : i32
      %dma_wait3A_750 = arith.constant 0 : i32
      %dma_wait3A_751 = arith.constant 0 : i32
      %dma_wait3A_752 = tpu.memref_slice %arg11[%dma_wait3A_749, %dma_wait3A_750, %dma_wait3A_751] : memref<16x32x128xf32, #tpu.memory_space<vmem>> -> memref<1x32x128xf32, #tpu.memory_space<vmem>>
      %dma_wait3A_753 = tpu.memref_squeeze %dma_wait3A_752 : memref<1x32x128xf32, #tpu.memory_space<vmem>> -> memref<32x128xf32, #tpu.memory_space<vmem>>
      %dma_wait3A_754 = arith.constant 0 : i32
      %dma_wait3A_755 = tpu.memref_slice %arg5[%dma_wait3A_754, %multiple_of3A_476] : memref<32x1000000xf32, #tpu.memory_space<hbm>> -> memref<32x128xf32, #tpu.memory_space<hbm>>
      %dma_wait3A_756 = arith.constant 0 : i32
      %dma_wait3A_757 = arith.constant 0 : i32
      %dma_wait3A_758 = tpu.memref_slice %arg11[%dma_wait3A_749, %dma_wait3A_756, %dma_wait3A_757] : memref<16x32x128xf32, #tpu.memory_space<vmem>> -> memref<1x32x128xf32, #tpu.memory_space<vmem>>
      %dma_wait3A_759 = tpu.memref_squeeze %dma_wait3A_758 : memref<1x32x128xf32, #tpu.memory_space<vmem>> -> memref<32x128xf32, #tpu.memory_space<vmem>>
      %dma_wait3A_760 = arith.constant 0 : i32
      %dma_wait3A_761 = tpu.memref_slice %arg5[%dma_wait3A_760, %multiple_of3A_476] : memref<32x1000000xf32, #tpu.memory_space<hbm>> -> memref<32x128xf32, #tpu.memory_space<hbm>>
      tpu.wait_dma2 semaphore(%arg16 : memref<!tpu.dma_semaphore, #tpu.memory_space<semaphore_mem>>) src(%dma_wait3A_761 : memref<32x128xf32, #tpu.memory_space<hbm>>) dst(%dma_wait3A_759 : memref<32x128xf32, #tpu.memory_space<vmem>>)
      %dma_wait3A_762 = arith.constant 11 : i32
      %dma_wait3A_763 = arith.constant 0 : i32
      %dma_wait3A_764 = arith.constant 0 : i32
      %dma_wait3A_765 = tpu.memref_slice %arg11[%dma_wait3A_762, %dma_wait3A_763, %dma_wait3A_764] : memref<16x32x128xf32, #tpu.memory_space<vmem>> -> memref<1x32x128xf32, #tpu.memory_space<vmem>>
      %dma_wait3A_766 = tpu.memref_squeeze %dma_wait3A_765 : memref<1x32x128xf32, #tpu.memory_space<vmem>> -> memref<32x128xf32, #tpu.memory_space<vmem>>
      %dma_wait3A_767 = arith.constant 0 : i32
      %dma_wait3A_768 = tpu.memref_slice %arg5[%dma_wait3A_767, %multiple_of3A_502] : memref<32x1000000xf32, #tpu.memory_space<hbm>> -> memref<32x128xf32, #tpu.memory_space<hbm>>
      %dma_wait3A_769 = arith.constant 0 : i32
      %dma_wait3A_770 = arith.constant 0 : i32
      %dma_wait3A_771 = tpu.memref_slice %arg11[%dma_wait3A_762, %dma_wait3A_769, %dma_wait3A_770] : memref<16x32x128xf32, #tpu.memory_space<vmem>> -> memref<1x32x128xf32, #tpu.memory_space<vmem>>
      %dma_wait3A_772 = tpu.memref_squeeze %dma_wait3A_771 : memref<1x32x128xf32, #tpu.memory_space<vmem>> -> memref<32x128xf32, #tpu.memory_space<vmem>>
      %dma_wait3A_773 = arith.constant 0 : i32
      %dma_wait3A_774 = tpu.memref_slice %arg5[%dma_wait3A_773, %multiple_of3A_502] : memref<32x1000000xf32, #tpu.memory_space<hbm>> -> memref<32x128xf32, #tpu.memory_space<hbm>>
      tpu.wait_dma2 semaphore(%arg16 : memref<!tpu.dma_semaphore, #tpu.memory_space<semaphore_mem>>) src(%dma_wait3A_774 : memref<32x128xf32, #tpu.memory_space<hbm>>) dst(%dma_wait3A_772 : memref<32x128xf32, #tpu.memory_space<vmem>>)
      %dma_wait3A_775 = arith.constant 12 : i32
      %dma_wait3A_776 = arith.constant 0 : i32
      %dma_wait3A_777 = arith.constant 0 : i32
      %dma_wait3A_778 = tpu.memref_slice %arg11[%dma_wait3A_775, %dma_wait3A_776, %dma_wait3A_777] : memref<16x32x128xf32, #tpu.memory_space<vmem>> -> memref<1x32x128xf32, #tpu.memory_space<vmem>>
      %dma_wait3A_779 = tpu.memref_squeeze %dma_wait3A_778 : memref<1x32x128xf32, #tpu.memory_space<vmem>> -> memref<32x128xf32, #tpu.memory_space<vmem>>
      %dma_wait3A_780 = arith.constant 0 : i32
      %dma_wait3A_781 = tpu.memref_slice %arg5[%dma_wait3A_780, %multiple_of3A_528] : memref<32x1000000xf32, #tpu.memory_space<hbm>> -> memref<32x128xf32, #tpu.memory_space<hbm>>
      %dma_wait3A_782 = arith.constant 0 : i32
      %dma_wait3A_783 = arith.constant 0 : i32
      %dma_wait3A_784 = tpu.memref_slice %arg11[%dma_wait3A_775, %dma_wait3A_782, %dma_wait3A_783] : memref<16x32x128xf32, #tpu.memory_space<vmem>> -> memref<1x32x128xf32, #tpu.memory_space<vmem>>
      %dma_wait3A_785 = tpu.memref_squeeze %dma_wait3A_784 : memref<1x32x128xf32, #tpu.memory_space<vmem>> -> memref<32x128xf32, #tpu.memory_space<vmem>>
      %dma_wait3A_786 = arith.constant 0 : i32
      %dma_wait3A_787 = tpu.memref_slice %arg5[%dma_wait3A_786, %multiple_of3A_528] : memref<32x1000000xf32, #tpu.memory_space<hbm>> -> memref<32x128xf32, #tpu.memory_space<hbm>>
      tpu.wait_dma2 semaphore(%arg16 : memref<!tpu.dma_semaphore, #tpu.memory_space<semaphore_mem>>) src(%dma_wait3A_787 : memref<32x128xf32, #tpu.memory_space<hbm>>) dst(%dma_wait3A_785 : memref<32x128xf32, #tpu.memory_space<vmem>>)
      %dma_wait3A_788 = arith.constant 13 : i32
      %dma_wait3A_789 = arith.constant 0 : i32
      %dma_wait3A_790 = arith.constant 0 : i32
      %dma_wait3A_791 = tpu.memref_slice %arg11[%dma_wait3A_788, %dma_wait3A_789, %dma_wait3A_790] : memref<16x32x128xf32, #tpu.memory_space<vmem>> -> memref<1x32x128xf32, #tpu.memory_space<vmem>>
      %dma_wait3A_792 = tpu.memref_squeeze %dma_wait3A_791 : memref<1x32x128xf32, #tpu.memory_space<vmem>> -> memref<32x128xf32, #tpu.memory_space<vmem>>
      %dma_wait3A_793 = arith.constant 0 : i32
      %dma_wait3A_794 = tpu.memref_slice %arg5[%dma_wait3A_793, %multiple_of3A_554] : memref<32x1000000xf32, #tpu.memory_space<hbm>> -> memref<32x128xf32, #tpu.memory_space<hbm>>
      %dma_wait3A_795 = arith.constant 0 : i32
      %dma_wait3A_796 = arith.constant 0 : i32
      %dma_wait3A_797 = tpu.memref_slice %arg11[%dma_wait3A_788, %dma_wait3A_795, %dma_wait3A_796] : memref<16x32x128xf32, #tpu.memory_space<vmem>> -> memref<1x32x128xf32, #tpu.memory_space<vmem>>
      %dma_wait3A_798 = tpu.memref_squeeze %dma_wait3A_797 : memref<1x32x128xf32, #tpu.memory_space<vmem>> -> memref<32x128xf32, #tpu.memory_space<vmem>>
      %dma_wait3A_799 = arith.constant 0 : i32
      %dma_wait3A_800 = tpu.memref_slice %arg5[%dma_wait3A_799, %multiple_of3A_554] : memref<32x1000000xf32, #tpu.memory_space<hbm>> -> memref<32x128xf32, #tpu.memory_space<hbm>>
      tpu.wait_dma2 semaphore(%arg16 : memref<!tpu.dma_semaphore, #tpu.memory_space<semaphore_mem>>) src(%dma_wait3A_800 : memref<32x128xf32, #tpu.memory_space<hbm>>) dst(%dma_wait3A_798 : memref<32x128xf32, #tpu.memory_space<vmem>>)
      %dma_wait3A_801 = arith.constant 14 : i32
      %dma_wait3A_802 = arith.constant 0 : i32
      %dma_wait3A_803 = arith.constant 0 : i32
      %dma_wait3A_804 = tpu.memref_slice %arg11[%dma_wait3A_801, %dma_wait3A_802, %dma_wait3A_803] : memref<16x32x128xf32, #tpu.memory_space<vmem>> -> memref<1x32x128xf32, #tpu.memory_space<vmem>>
      %dma_wait3A_805 = tpu.memref_squeeze %dma_wait3A_804 : memref<1x32x128xf32, #tpu.memory_space<vmem>> -> memref<32x128xf32, #tpu.memory_space<vmem>>
      %dma_wait3A_806 = arith.constant 0 : i32
      %dma_wait3A_807 = tpu.memref_slice %arg5[%dma_wait3A_806, %multiple_of3A_580] : memref<32x1000000xf32, #tpu.memory_space<hbm>> -> memref<32x128xf32, #tpu.memory_space<hbm>>
      %dma_wait3A_808 = arith.constant 0 : i32
      %dma_wait3A_809 = arith.constant 0 : i32
      %dma_wait3A_810 = tpu.memref_slice %arg11[%dma_wait3A_801, %dma_wait3A_808, %dma_wait3A_809] : memref<16x32x128xf32, #tpu.memory_space<vmem>> -> memref<1x32x128xf32, #tpu.memory_space<vmem>>
      %dma_wait3A_811 = tpu.memref_squeeze %dma_wait3A_810 : memref<1x32x128xf32, #tpu.memory_space<vmem>> -> memref<32x128xf32, #tpu.memory_space<vmem>>
      %dma_wait3A_812 = arith.constant 0 : i32
      %dma_wait3A_813 = tpu.memref_slice %arg5[%dma_wait3A_812, %multiple_of3A_580] : memref<32x1000000xf32, #tpu.memory_space<hbm>> -> memref<32x128xf32, #tpu.memory_space<hbm>>
      tpu.wait_dma2 semaphore(%arg16 : memref<!tpu.dma_semaphore, #tpu.memory_space<semaphore_mem>>) src(%dma_wait3A_813 : memref<32x128xf32, #tpu.memory_space<hbm>>) dst(%dma_wait3A_811 : memref<32x128xf32, #tpu.memory_space<vmem>>)
      %dma_wait3A_814 = arith.constant 15 : i32
      %dma_wait3A_815 = arith.constant 0 : i32
      %dma_wait3A_816 = arith.constant 0 : i32
      %dma_wait3A_817 = tpu.memref_slice %arg11[%dma_wait3A_814, %dma_wait3A_815, %dma_wait3A_816] : memref<16x32x128xf32, #tpu.memory_space<vmem>> -> memref<1x32x128xf32, #tpu.memory_space<vmem>>
      %dma_wait3A_818 = tpu.memref_squeeze %dma_wait3A_817 : memref<1x32x128xf32, #tpu.memory_space<vmem>> -> memref<32x128xf32, #tpu.memory_space<vmem>>
      %dma_wait3A_819 = arith.constant 0 : i32
      %dma_wait3A_820 = tpu.memref_slice %arg5[%dma_wait3A_819, %multiple_of3A_606] : memref<32x1000000xf32, #tpu.memory_space<hbm>> -> memref<32x128xf32, #tpu.memory_space<hbm>>
      %dma_wait3A_821 = arith.constant 0 : i32
      %dma_wait3A_822 = arith.constant 0 : i32
      %dma_wait3A_823 = tpu.memref_slice %arg11[%dma_wait3A_814, %dma_wait3A_821, %dma_wait3A_822] : memref<16x32x128xf32, #tpu.memory_space<vmem>> -> memref<1x32x128xf32, #tpu.memory_space<vmem>>
      %dma_wait3A_824 = tpu.memref_squeeze %dma_wait3A_823 : memref<1x32x128xf32, #tpu.memory_space<vmem>> -> memref<32x128xf32, #tpu.memory_space<vmem>>
      %dma_wait3A_825 = arith.constant 0 : i32
      %dma_wait3A_826 = tpu.memref_slice %arg5[%dma_wait3A_825, %multiple_of3A_606] : memref<32x1000000xf32, #tpu.memory_space<hbm>> -> memref<32x128xf32, #tpu.memory_space<hbm>>
      tpu.wait_dma2 semaphore(%arg16 : memref<!tpu.dma_semaphore, #tpu.memory_space<semaphore_mem>>) src(%dma_wait3A_826 : memref<32x128xf32, #tpu.memory_space<hbm>>) dst(%dma_wait3A_824 : memref<32x128xf32, #tpu.memory_space<vmem>>)
      %mul3A_827 = arith.constant 16 : i32
      %mul3A_828 = arith.muli %scan3A_208, %mul3A_827 : i32
      %get3A_829 = arith.index_cast %mul3A_828 : i32 to index
      %get3A_830 = tpu.vector_load %arg10[%get3A_829] {strides = array<i32>} : memref<528xi32, #tpu.memory_space<vmem>>, vector<16xi32>,
      %and3A = arith.constant 127 : i32
      %and3A_831 = vector.broadcast %and3A : i32 to vector<16xi32>
      %and3A_832 = arith.andi %get3A_830, %and3A_831 : vector<16xi32>
      %broadcast_in_dim3A_833 = arith.constant 0.000000e+00 : f32
      %broadcast_in_dim3A_834 = vector.broadcast %broadcast_in_dim3A_833 : f32 to vector<16xf32>
      %gather3A = tpu.vector_load_idx %arg11[%iota3A, %broadcast_in_dim3A_3, %and3A_832] : memref<16x32x128xf32, #tpu.memory_space<vmem>>[vector<16xi32>, vector<16xi32>, vector<16xi32>], vector<16xf32>,
      %mul3A_835 = arith.constant 16 : i32
      %mul3A_836 = arith.muli %scan3A_208, %mul3A_835 : i32
      %get3A_837 = arith.constant 0 : i32
      %get3A_838 = arith.index_cast %get3A_837 : i32 to index
      %get3A_839 = arith.index_cast %mul3A_836 : i32 to index
      %get3A_840 = tpu.vector_load %arg12[%get3A_838, %get3A_839] {strides = array<i32>} : memref<32x512xf32, #tpu.memory_space<vmem>>, vector<16xf32>,
      %mul3A_841 = arith.mulf %get3A_840, %gather3A : vector<16xf32>
      %mul3A_842 = arith.mulf %mul3A_841, %get3A_68 : vector<16xf32>
      %add3A_843 = arith.addf %broadcast_in_dim3A_834, %mul3A_842 : vector<16xf32>
      %gather3A_844 = tpu.vector_load_idx %arg11[%iota3A, %broadcast_in_dim3A_5, %and3A_832] : memref<16x32x128xf32, #tpu.memory_space<vmem>>[vector<16xi32>, vector<16xi32>, vector<16xi32>], vector<16xf32>,
      %mul3A_845 = arith.constant 16 : i32
      %mul3A_846 = arith.muli %scan3A_208, %mul3A_845 : i32
      %get3A_847 = arith.constant 1 : i32
      %get3A_848 = arith.index_cast %get3A_847 : i32 to index
      %get3A_849 = arith.index_cast %mul3A_846 : i32 to index
      %get3A_850 = tpu.vector_load %arg12[%get3A_848, %get3A_849] {strides = array<i32>} : memref<32x512xf32, #tpu.memory_space<vmem>>, vector<16xf32>,
      %mul3A_851 = arith.mulf %get3A_850, %gather3A_844 : vector<16xf32>
      %mul3A_852 = arith.mulf %mul3A_851, %get3A_72 : vector<16xf32>
      %add3A_853 = arith.addf %add3A_843, %mul3A_852 : vector<16xf32>
      %gather3A_854 = tpu.vector_load_idx %arg11[%iota3A, %broadcast_in_dim3A_7, %and3A_832] : memref<16x32x128xf32, #tpu.memory_space<vmem>>[vector<16xi32>, vector<16xi32>, vector<16xi32>], vector<16xf32>,
      %mul3A_855 = arith.constant 16 : i32
      %mul3A_856 = arith.muli %scan3A_208, %mul3A_855 : i32
      %get3A_857 = arith.constant 2 : i32
      %get3A_858 = arith.index_cast %get3A_857 : i32 to index
      %get3A_859 = arith.index_cast %mul3A_856 : i32 to index
      %get3A_860 = tpu.vector_load %arg12[%get3A_858, %get3A_859] {strides = array<i32>} : memref<32x512xf32, #tpu.memory_space<vmem>>, vector<16xf32>,
      %mul3A_861 = arith.mulf %get3A_860, %gather3A_854 : vector<16xf32>
      %mul3A_862 = arith.mulf %mul3A_861, %get3A_76 : vector<16xf32>
      %add3A_863 = arith.addf %add3A_853, %mul3A_862 : vector<16xf32>
      %gather3A_864 = tpu.vector_load_idx %arg11[%iota3A, %broadcast_in_dim3A_9, %and3A_832] : memref<16x32x128xf32, #tpu.memory_space<vmem>>[vector<16xi32>, vector<16xi32>, vector<16xi32>], vector<16xf32>,
      %mul3A_865 = arith.constant 16 : i32
      %mul3A_866 = arith.muli %scan3A_208, %mul3A_865 : i32
      %get3A_867 = arith.constant 3 : i32
      %get3A_868 = arith.index_cast %get3A_867 : i32 to index
      %get3A_869 = arith.index_cast %mul3A_866 : i32 to index
      %get3A_870 = tpu.vector_load %arg12[%get3A_868, %get3A_869] {strides = array<i32>} : memref<32x512xf32, #tpu.memory_space<vmem>>, vector<16xf32>,
      %mul3A_871 = arith.mulf %get3A_870, %gather3A_864 : vector<16xf32>
      %mul3A_872 = arith.mulf %mul3A_871, %get3A_80 : vector<16xf32>
      %add3A_873 = arith.addf %add3A_863, %mul3A_872 : vector<16xf32>
      %gather3A_874 = tpu.vector_load_idx %arg11[%iota3A, %broadcast_in_dim3A_11, %and3A_832] : memref<16x32x128xf32, #tpu.memory_space<vmem>>[vector<16xi32>, vector<16xi32>, vector<16xi32>], vector<16xf32>,
      %mul3A_875 = arith.constant 16 : i32
      %mul3A_876 = arith.muli %scan3A_208, %mul3A_875 : i32
      %get3A_877 = arith.constant 4 : i32
      %get3A_878 = arith.index_cast %get3A_877 : i32 to index
      %get3A_879 = arith.index_cast %mul3A_876 : i32 to index
      %get3A_880 = tpu.vector_load %arg12[%get3A_878, %get3A_879] {strides = array<i32>} : memref<32x512xf32, #tpu.memory_space<vmem>>, vector<16xf32>,
      %mul3A_881 = arith.mulf %get3A_880, %gather3A_874 : vector<16xf32>
      %mul3A_882 = arith.mulf %mul3A_881, %get3A_84 : vector<16xf32>
      %add3A_883 = arith.addf %add3A_873, %mul3A_882 : vector<16xf32>
      %gather3A_884 = tpu.vector_load_idx %arg11[%iota3A, %broadcast_in_dim3A_13, %and3A_832] : memref<16x32x128xf32, #tpu.memory_space<vmem>>[vector<16xi32>, vector<16xi32>, vector<16xi32>], vector<16xf32>,
      %mul3A_885 = arith.constant 16 : i32
      %mul3A_886 = arith.muli %scan3A_208, %mul3A_885 : i32
      %get3A_887 = arith.constant 5 : i32
      %get3A_888 = arith.index_cast %get3A_887 : i32 to index
      %get3A_889 = arith.index_cast %mul3A_886 : i32 to index
      %get3A_890 = tpu.vector_load %arg12[%get3A_888, %get3A_889] {strides = array<i32>} : memref<32x512xf32, #tpu.memory_space<vmem>>, vector<16xf32>,
      %mul3A_891 = arith.mulf %get3A_890, %gather3A_884 : vector<16xf32>
      %mul3A_892 = arith.mulf %mul3A_891, %get3A_88 : vector<16xf32>
      %add3A_893 = arith.addf %add3A_883, %mul3A_892 : vector<16xf32>
      %gather3A_894 = tpu.vector_load_idx %arg11[%iota3A, %broadcast_in_dim3A_15, %and3A_832] : memref<16x32x128xf32, #tpu.memory_space<vmem>>[vector<16xi32>, vector<16xi32>, vector<16xi32>], vector<16xf32>,
      %mul3A_895 = arith.constant 16 : i32
      %mul3A_896 = arith.muli %scan3A_208, %mul3A_895 : i32
      %get3A_897 = arith.constant 6 : i32
      %get3A_898 = arith.index_cast %get3A_897 : i32 to index
      %get3A_899 = arith.index_cast %mul3A_896 : i32 to index
      %get3A_900 = tpu.vector_load %arg12[%get3A_898, %get3A_899] {strides = array<i32>} : memref<32x512xf32, #tpu.memory_space<vmem>>, vector<16xf32>,
      %mul3A_901 = arith.mulf %get3A_900, %gather3A_894 : vector<16xf32>
      %mul3A_902 = arith.mulf %mul3A_901, %get3A_92 : vector<16xf32>
      %add3A_903 = arith.addf %add3A_893, %mul3A_902 : vector<16xf32>
      %gather3A_904 = tpu.vector_load_idx %arg11[%iota3A, %broadcast_in_dim3A_17, %and3A_832] : memref<16x32x128xf32, #tpu.memory_space<vmem>>[vector<16xi32>, vector<16xi32>, vector<16xi32>], vector<16xf32>,
      %mul3A_905 = arith.constant 16 : i32
      %mul3A_906 = arith.muli %scan3A_208, %mul3A_905 : i32
      %get3A_907 = arith.constant 7 : i32
      %get3A_908 = arith.index_cast %get3A_907 : i32 to index
      %get3A_909 = arith.index_cast %mul3A_906 : i32 to index
      %get3A_910 = tpu.vector_load %arg12[%get3A_908, %get3A_909] {strides = array<i32>} : memref<32x512xf32, #tpu.memory_space<vmem>>, vector<16xf32>,
      %mul3A_911 = arith.mulf %get3A_910, %gather3A_904 : vector<16xf32>
      %mul3A_912 = arith.mulf %mul3A_911, %get3A_96 : vector<16xf32>
      %add3A_913 = arith.addf %add3A_903, %mul3A_912 : vector<16xf32>
      %gather3A_914 = tpu.vector_load_idx %arg11[%iota3A, %broadcast_in_dim3A_19, %and3A_832] : memref<16x32x128xf32, #tpu.memory_space<vmem>>[vector<16xi32>, vector<16xi32>, vector<16xi32>], vector<16xf32>,
      %mul3A_915 = arith.constant 16 : i32
      %mul3A_916 = arith.muli %scan3A_208, %mul3A_915 : i32
      %get3A_917 = arith.constant 8 : i32
      %get3A_918 = arith.index_cast %get3A_917 : i32 to index
      %get3A_919 = arith.index_cast %mul3A_916 : i32 to index
      %get3A_920 = tpu.vector_load %arg12[%get3A_918, %get3A_919] {strides = array<i32>} : memref<32x512xf32, #tpu.memory_space<vmem>>, vector<16xf32>,
      %mul3A_921 = arith.mulf %get3A_920, %gather3A_914 : vector<16xf32>
      %mul3A_922 = arith.mulf %mul3A_921, %get3A_100 : vector<16xf32>
      %add3A_923 = arith.addf %add3A_913, %mul3A_922 : vector<16xf32>
      %gather3A_924 = tpu.vector_load_idx %arg11[%iota3A, %broadcast_in_dim3A_21, %and3A_832] : memref<16x32x128xf32, #tpu.memory_space<vmem>>[vector<16xi32>, vector<16xi32>, vector<16xi32>], vector<16xf32>,
      %mul3A_925 = arith.constant 16 : i32
      %mul3A_926 = arith.muli %scan3A_208, %mul3A_925 : i32
      %get3A_927 = arith.constant 9 : i32
      %get3A_928 = arith.index_cast %get3A_927 : i32 to index
      %get3A_929 = arith.index_cast %mul3A_926 : i32 to index
      %get3A_930 = tpu.vector_load %arg12[%get3A_928, %get3A_929] {strides = array<i32>} : memref<32x512xf32, #tpu.memory_space<vmem>>, vector<16xf32>,
      %mul3A_931 = arith.mulf %get3A_930, %gather3A_924 : vector<16xf32>
      %mul3A_932 = arith.mulf %mul3A_931, %get3A_104 : vector<16xf32>
      %add3A_933 = arith.addf %add3A_923, %mul3A_932 : vector<16xf32>
      %gather3A_934 = tpu.vector_load_idx %arg11[%iota3A, %broadcast_in_dim3A_23, %and3A_832] : memref<16x32x128xf32, #tpu.memory_space<vmem>>[vector<16xi32>, vector<16xi32>, vector<16xi32>], vector<16xf32>,
      %mul3A_935 = arith.constant 16 : i32
      %mul3A_936 = arith.muli %scan3A_208, %mul3A_935 : i32
      %get3A_937 = arith.constant 10 : i32
      %get3A_938 = arith.index_cast %get3A_937 : i32 to index
      %get3A_939 = arith.index_cast %mul3A_936 : i32 to index
      %get3A_940 = tpu.vector_load %arg12[%get3A_938, %get3A_939] {strides = array<i32>} : memref<32x512xf32, #tpu.memory_space<vmem>>, vector<16xf32>,
      %mul3A_941 = arith.mulf %get3A_940, %gather3A_934 : vector<16xf32>
      %mul3A_942 = arith.mulf %mul3A_941, %get3A_108 : vector<16xf32>
      %add3A_943 = arith.addf %add3A_933, %mul3A_942 : vector<16xf32>
      %gather3A_944 = tpu.vector_load_idx %arg11[%iota3A, %broadcast_in_dim3A_25, %and3A_832] : memref<16x32x128xf32, #tpu.memory_space<vmem>>[vector<16xi32>, vector<16xi32>, vector<16xi32>], vector<16xf32>,
      %mul3A_945 = arith.constant 16 : i32
      %mul3A_946 = arith.muli %scan3A_208, %mul3A_945 : i32
      %get3A_947 = arith.constant 11 : i32
      %get3A_948 = arith.index_cast %get3A_947 : i32 to index
      %get3A_949 = arith.index_cast %mul3A_946 : i32 to index
      %get3A_950 = tpu.vector_load %arg12[%get3A_948, %get3A_949] {strides = array<i32>} : memref<32x512xf32, #tpu.memory_space<vmem>>, vector<16xf32>,
      %mul3A_951 = arith.mulf %get3A_950, %gather3A_944 : vector<16xf32>
      %mul3A_952 = arith.mulf %mul3A_951, %get3A_112 : vector<16xf32>
      %add3A_953 = arith.addf %add3A_943, %mul3A_952 : vector<16xf32>
      %gather3A_954 = tpu.vector_load_idx %arg11[%iota3A, %broadcast_in_dim3A_27, %and3A_832] : memref<16x32x128xf32, #tpu.memory_space<vmem>>[vector<16xi32>, vector<16xi32>, vector<16xi32>], vector<16xf32>,
      %mul3A_955 = arith.constant 16 : i32
      %mul3A_956 = arith.muli %scan3A_208, %mul3A_955 : i32
      %get3A_957 = arith.constant 12 : i32
      %get3A_958 = arith.index_cast %get3A_957 : i32 to index
      %get3A_959 = arith.index_cast %mul3A_956 : i32 to index
      %get3A_960 = tpu.vector_load %arg12[%get3A_958, %get3A_959] {strides = array<i32>} : memref<32x512xf32, #tpu.memory_space<vmem>>, vector<16xf32>,
      %mul3A_961 = arith.mulf %get3A_960, %gather3A_954 : vector<16xf32>
      %mul3A_962 = arith.mulf %mul3A_961, %get3A_116 : vector<16xf32>
      %add3A_963 = arith.addf %add3A_953, %mul3A_962 : vector<16xf32>
      %gather3A_964 = tpu.vector_load_idx %arg11[%iota3A, %broadcast_in_dim3A_29, %and3A_832] : memref<16x32x128xf32, #tpu.memory_space<vmem>>[vector<16xi32>, vector<16xi32>, vector<16xi32>], vector<16xf32>,
      %mul3A_965 = arith.constant 16 : i32
      %mul3A_966 = arith.muli %scan3A_208, %mul3A_965 : i32
      %get3A_967 = arith.constant 13 : i32
      %get3A_968 = arith.index_cast %get3A_967 : i32 to index
      %get3A_969 = arith.index_cast %mul3A_966 : i32 to index
      %get3A_970 = tpu.vector_load %arg12[%get3A_968, %get3A_969] {strides = array<i32>} : memref<32x512xf32, #tpu.memory_space<vmem>>, vector<16xf32>,
      %mul3A_971 = arith.mulf %get3A_970, %gather3A_964 : vector<16xf32>
      %mul3A_972 = arith.mulf %mul3A_971, %get3A_120 : vector<16xf32>
      %add3A_973 = arith.addf %add3A_963, %mul3A_972 : vector<16xf32>
      %gather3A_974 = tpu.vector_load_idx %arg11[%iota3A, %broadcast_in_dim3A_31, %and3A_832] : memref<16x32x128xf32, #tpu.memory_space<vmem>>[vector<16xi32>, vector<16xi32>, vector<16xi32>], vector<16xf32>,
      %mul3A_975 = arith.constant 16 : i32
      %mul3A_976 = arith.muli %scan3A_208, %mul3A_975 : i32
      %get3A_977 = arith.constant 14 : i32
      %get3A_978 = arith.index_cast %get3A_977 : i32 to index
      %get3A_979 = arith.index_cast %mul3A_976 : i32 to index
      %get3A_980 = tpu.vector_load %arg12[%get3A_978, %get3A_979] {strides = array<i32>} : memref<32x512xf32, #tpu.memory_space<vmem>>, vector<16xf32>,
      %mul3A_981 = arith.mulf %get3A_980, %gather3A_974 : vector<16xf32>
      %mul3A_982 = arith.mulf %mul3A_981, %get3A_124 : vector<16xf32>
      %add3A_983 = arith.addf %add3A_973, %mul3A_982 : vector<16xf32>
      %gather3A_984 = tpu.vector_load_idx %arg11[%iota3A, %broadcast_in_dim3A_33, %and3A_832] : memref<16x32x128xf32, #tpu.memory_space<vmem>>[vector<16xi32>, vector<16xi32>, vector<16xi32>], vector<16xf32>,
      %mul3A_985 = arith.constant 16 : i32
      %mul3A_986 = arith.muli %scan3A_208, %mul3A_985 : i32
      %get3A_987 = arith.constant 15 : i32
      %get3A_988 = arith.index_cast %get3A_987 : i32 to index
      %get3A_989 = arith.index_cast %mul3A_986 : i32 to index
      %get3A_990 = tpu.vector_load %arg12[%get3A_988, %get3A_989] {strides = array<i32>} : memref<32x512xf32, #tpu.memory_space<vmem>>, vector<16xf32>,
      %mul3A_991 = arith.mulf %get3A_990, %gather3A_984 : vector<16xf32>
      %mul3A_992 = arith.mulf %mul3A_991, %get3A_128 : vector<16xf32>
      %add3A_993 = arith.addf %add3A_983, %mul3A_992 : vector<16xf32>
      %gather3A_994 = tpu.vector_load_idx %arg11[%iota3A, %broadcast_in_dim3A_35, %and3A_832] : memref<16x32x128xf32, #tpu.memory_space<vmem>>[vector<16xi32>, vector<16xi32>, vector<16xi32>], vector<16xf32>,
      %mul3A_995 = arith.constant 16 : i32
      %mul3A_996 = arith.muli %scan3A_208, %mul3A_995 : i32
      %get3A_997 = arith.constant 16 : i32
      %get3A_998 = arith.index_cast %get3A_997 : i32 to index
      %get3A_999 = arith.index_cast %mul3A_996 : i32 to index
      %get3A_1000 = tpu.vector_load %arg12[%get3A_998, %get3A_999] {strides = array<i32>} : memref<32x512xf32, #tpu.memory_space<vmem>>, vector<16xf32>,
      %mul3A_1001 = arith.mulf %get3A_1000, %gather3A_994 : vector<16xf32>
      %mul3A_1002 = arith.mulf %mul3A_1001, %get3A_132 : vector<16xf32>
      %add3A_1003 = arith.addf %add3A_993, %mul3A_1002 : vector<16xf32>
      %gather3A_1004 = tpu.vector_load_idx %arg11[%iota3A, %broadcast_in_dim3A_37, %and3A_832] : memref<16x32x128xf32, #tpu.memory_space<vmem>>[vector<16xi32>, vector<16xi32>, vector<16xi32>], vector<16xf32>,
      %mul3A_1005 = arith.constant 16 : i32
      %mul3A_1006 = arith.muli %scan3A_208, %mul3A_1005 : i32
      %get3A_1007 = arith.constant 17 : i32
      %get3A_1008 = arith.index_cast %get3A_1007 : i32 to index
      %get3A_1009 = arith.index_cast %mul3A_1006 : i32 to index
      %get3A_1010 = tpu.vector_load %arg12[%get3A_1008, %get3A_1009] {strides = array<i32>} : memref<32x512xf32, #tpu.memory_space<vmem>>, vector<16xf32>,
      %mul3A_1011 = arith.mulf %get3A_1010, %gather3A_1004 : vector<16xf32>
      %mul3A_1012 = arith.mulf %mul3A_1011, %get3A_136 : vector<16xf32>
      %add3A_1013 = arith.addf %add3A_1003, %mul3A_1012 : vector<16xf32>
      %gather3A_1014 = tpu.vector_load_idx %arg11[%iota3A, %broadcast_in_dim3A_39, %and3A_832] : memref<16x32x128xf32, #tpu.memory_space<vmem>>[vector<16xi32>, vector<16xi32>, vector<16xi32>], vector<16xf32>,
      %mul3A_1015 = arith.constant 16 : i32
      %mul3A_1016 = arith.muli %scan3A_208, %mul3A_1015 : i32
      %get3A_1017 = arith.constant 18 : i32
      %get3A_1018 = arith.index_cast %get3A_1017 : i32 to index
      %get3A_1019 = arith.index_cast %mul3A_1016 : i32 to index
      %get3A_1020 = tpu.vector_load %arg12[%get3A_1018, %get3A_1019] {strides = array<i32>} : memref<32x512xf32, #tpu.memory_space<vmem>>, vector<16xf32>,
      %mul3A_1021 = arith.mulf %get3A_1020, %gather3A_1014 : vector<16xf32>
      %mul3A_1022 = arith.mulf %mul3A_1021, %get3A_140 : vector<16xf32>
      %add3A_1023 = arith.addf %add3A_1013, %mul3A_1022 : vector<16xf32>
      %gather3A_1024 = tpu.vector_load_idx %arg11[%iota3A, %broadcast_in_dim3A_41, %and3A_832] : memref<16x32x128xf32, #tpu.memory_space<vmem>>[vector<16xi32>, vector<16xi32>, vector<16xi32>], vector<16xf32>,
      %mul3A_1025 = arith.constant 16 : i32
      %mul3A_1026 = arith.muli %scan3A_208, %mul3A_1025 : i32
      %get3A_1027 = arith.constant 19 : i32
      %get3A_1028 = arith.index_cast %get3A_1027 : i32 to index
      %get3A_1029 = arith.index_cast %mul3A_1026 : i32 to index
      %get3A_1030 = tpu.vector_load %arg12[%get3A_1028, %get3A_1029] {strides = array<i32>} : memref<32x512xf32, #tpu.memory_space<vmem>>, vector<16xf32>,
      %mul3A_1031 = arith.mulf %get3A_1030, %gather3A_1024 : vector<16xf32>
      %mul3A_1032 = arith.mulf %mul3A_1031, %get3A_144 : vector<16xf32>
      %add3A_1033 = arith.addf %add3A_1023, %mul3A_1032 : vector<16xf32>
      %gather3A_1034 = tpu.vector_load_idx %arg11[%iota3A, %broadcast_in_dim3A_43, %and3A_832] : memref<16x32x128xf32, #tpu.memory_space<vmem>>[vector<16xi32>, vector<16xi32>, vector<16xi32>], vector<16xf32>,
      %mul3A_1035 = arith.constant 16 : i32
      %mul3A_1036 = arith.muli %scan3A_208, %mul3A_1035 : i32
      %get3A_1037 = arith.constant 20 : i32
      %get3A_1038 = arith.index_cast %get3A_1037 : i32 to index
      %get3A_1039 = arith.index_cast %mul3A_1036 : i32 to index
      %get3A_1040 = tpu.vector_load %arg12[%get3A_1038, %get3A_1039] {strides = array<i32>} : memref<32x512xf32, #tpu.memory_space<vmem>>, vector<16xf32>,
      %mul3A_1041 = arith.mulf %get3A_1040, %gather3A_1034 : vector<16xf32>
      %mul3A_1042 = arith.mulf %mul3A_1041, %get3A_148 : vector<16xf32>
      %add3A_1043 = arith.addf %add3A_1033, %mul3A_1042 : vector<16xf32>
      %gather3A_1044 = tpu.vector_load_idx %arg11[%iota3A, %broadcast_in_dim3A_45, %and3A_832] : memref<16x32x128xf32, #tpu.memory_space<vmem>>[vector<16xi32>, vector<16xi32>, vector<16xi32>], vector<16xf32>,
      %mul3A_1045 = arith.constant 16 : i32
      %mul3A_1046 = arith.muli %scan3A_208, %mul3A_1045 : i32
      %get3A_1047 = arith.constant 21 : i32
      %get3A_1048 = arith.index_cast %get3A_1047 : i32 to index
      %get3A_1049 = arith.index_cast %mul3A_1046 : i32 to index
      %get3A_1050 = tpu.vector_load %arg12[%get3A_1048, %get3A_1049] {strides = array<i32>} : memref<32x512xf32, #tpu.memory_space<vmem>>, vector<16xf32>,
      %mul3A_1051 = arith.mulf %get3A_1050, %gather3A_1044 : vector<16xf32>
      %mul3A_1052 = arith.mulf %mul3A_1051, %get3A_152 : vector<16xf32>
      %add3A_1053 = arith.addf %add3A_1043, %mul3A_1052 : vector<16xf32>
      %gather3A_1054 = tpu.vector_load_idx %arg11[%iota3A, %broadcast_in_dim3A_47, %and3A_832] : memref<16x32x128xf32, #tpu.memory_space<vmem>>[vector<16xi32>, vector<16xi32>, vector<16xi32>], vector<16xf32>,
      %mul3A_1055 = arith.constant 16 : i32
      %mul3A_1056 = arith.muli %scan3A_208, %mul3A_1055 : i32
      %get3A_1057 = arith.constant 22 : i32
      %get3A_1058 = arith.index_cast %get3A_1057 : i32 to index
      %get3A_1059 = arith.index_cast %mul3A_1056 : i32 to index
      %get3A_1060 = tpu.vector_load %arg12[%get3A_1058, %get3A_1059] {strides = array<i32>} : memref<32x512xf32, #tpu.memory_space<vmem>>, vector<16xf32>,
      %mul3A_1061 = arith.mulf %get3A_1060, %gather3A_1054 : vector<16xf32>
      %mul3A_1062 = arith.mulf %mul3A_1061, %get3A_156 : vector<16xf32>
      %add3A_1063 = arith.addf %add3A_1053, %mul3A_1062 : vector<16xf32>
      %gather3A_1064 = tpu.vector_load_idx %arg11[%iota3A, %broadcast_in_dim3A_49, %and3A_832] : memref<16x32x128xf32, #tpu.memory_space<vmem>>[vector<16xi32>, vector<16xi32>, vector<16xi32>], vector<16xf32>,
      %mul3A_1065 = arith.constant 16 : i32
      %mul3A_1066 = arith.muli %scan3A_208, %mul3A_1065 : i32
      %get3A_1067 = arith.constant 23 : i32
      %get3A_1068 = arith.index_cast %get3A_1067 : i32 to index
      %get3A_1069 = arith.index_cast %mul3A_1066 : i32 to index
      %get3A_1070 = tpu.vector_load %arg12[%get3A_1068, %get3A_1069] {strides = array<i32>} : memref<32x512xf32, #tpu.memory_space<vmem>>, vector<16xf32>,
      %mul3A_1071 = arith.mulf %get3A_1070, %gather3A_1064 : vector<16xf32>
      %mul3A_1072 = arith.mulf %mul3A_1071, %get3A_160 : vector<16xf32>
      %add3A_1073 = arith.addf %add3A_1063, %mul3A_1072 : vector<16xf32>
      %gather3A_1074 = tpu.vector_load_idx %arg11[%iota3A, %broadcast_in_dim3A_51, %and3A_832] : memref<16x32x128xf32, #tpu.memory_space<vmem>>[vector<16xi32>, vector<16xi32>, vector<16xi32>], vector<16xf32>,
      %mul3A_1075 = arith.constant 16 : i32
      %mul3A_1076 = arith.muli %scan3A_208, %mul3A_1075 : i32
      %get3A_1077 = arith.constant 24 : i32
      %get3A_1078 = arith.index_cast %get3A_1077 : i32 to index
      %get3A_1079 = arith.index_cast %mul3A_1076 : i32 to index
      %get3A_1080 = tpu.vector_load %arg12[%get3A_1078, %get3A_1079] {strides = array<i32>} : memref<32x512xf32, #tpu.memory_space<vmem>>, vector<16xf32>,
      %mul3A_1081 = arith.mulf %get3A_1080, %gather3A_1074 : vector<16xf32>
      %mul3A_1082 = arith.mulf %mul3A_1081, %get3A_164 : vector<16xf32>
      %add3A_1083 = arith.addf %add3A_1073, %mul3A_1082 : vector<16xf32>
      %gather3A_1084 = tpu.vector_load_idx %arg11[%iota3A, %broadcast_in_dim3A_53, %and3A_832] : memref<16x32x128xf32, #tpu.memory_space<vmem>>[vector<16xi32>, vector<16xi32>, vector<16xi32>], vector<16xf32>,
      %mul3A_1085 = arith.constant 16 : i32
      %mul3A_1086 = arith.muli %scan3A_208, %mul3A_1085 : i32
      %get3A_1087 = arith.constant 25 : i32
      %get3A_1088 = arith.index_cast %get3A_1087 : i32 to index
      %get3A_1089 = arith.index_cast %mul3A_1086 : i32 to index
      %get3A_1090 = tpu.vector_load %arg12[%get3A_1088, %get3A_1089] {strides = array<i32>} : memref<32x512xf32, #tpu.memory_space<vmem>>, vector<16xf32>,
      %mul3A_1091 = arith.mulf %get3A_1090, %gather3A_1084 : vector<16xf32>
      %mul3A_1092 = arith.mulf %mul3A_1091, %get3A_168 : vector<16xf32>
      %add3A_1093 = arith.addf %add3A_1083, %mul3A_1092 : vector<16xf32>
      %gather3A_1094 = tpu.vector_load_idx %arg11[%iota3A, %broadcast_in_dim3A_55, %and3A_832] : memref<16x32x128xf32, #tpu.memory_space<vmem>>[vector<16xi32>, vector<16xi32>, vector<16xi32>], vector<16xf32>,
      %mul3A_1095 = arith.constant 16 : i32
      %mul3A_1096 = arith.muli %scan3A_208, %mul3A_1095 : i32
      %get3A_1097 = arith.constant 26 : i32
      %get3A_1098 = arith.index_cast %get3A_1097 : i32 to index
      %get3A_1099 = arith.index_cast %mul3A_1096 : i32 to index
      %get3A_1100 = tpu.vector_load %arg12[%get3A_1098, %get3A_1099] {strides = array<i32>} : memref<32x512xf32, #tpu.memory_space<vmem>>, vector<16xf32>,
      %mul3A_1101 = arith.mulf %get3A_1100, %gather3A_1094 : vector<16xf32>
      %mul3A_1102 = arith.mulf %mul3A_1101, %get3A_172 : vector<16xf32>
      %add3A_1103 = arith.addf %add3A_1093, %mul3A_1102 : vector<16xf32>
      %gather3A_1104 = tpu.vector_load_idx %arg11[%iota3A, %broadcast_in_dim3A_57, %and3A_832] : memref<16x32x128xf32, #tpu.memory_space<vmem>>[vector<16xi32>, vector<16xi32>, vector<16xi32>], vector<16xf32>,
      %mul3A_1105 = arith.constant 16 : i32
      %mul3A_1106 = arith.muli %scan3A_208, %mul3A_1105 : i32
      %get3A_1107 = arith.constant 27 : i32
      %get3A_1108 = arith.index_cast %get3A_1107 : i32 to index
      %get3A_1109 = arith.index_cast %mul3A_1106 : i32 to index
      %get3A_1110 = tpu.vector_load %arg12[%get3A_1108, %get3A_1109] {strides = array<i32>} : memref<32x512xf32, #tpu.memory_space<vmem>>, vector<16xf32>,
      %mul3A_1111 = arith.mulf %get3A_1110, %gather3A_1104 : vector<16xf32>
      %mul3A_1112 = arith.mulf %mul3A_1111, %get3A_176 : vector<16xf32>
      %add3A_1113 = arith.addf %add3A_1103, %mul3A_1112 : vector<16xf32>
      %gather3A_1114 = tpu.vector_load_idx %arg11[%iota3A, %broadcast_in_dim3A_59, %and3A_832] : memref<16x32x128xf32, #tpu.memory_space<vmem>>[vector<16xi32>, vector<16xi32>, vector<16xi32>], vector<16xf32>,
      %mul3A_1115 = arith.constant 16 : i32
      %mul3A_1116 = arith.muli %scan3A_208, %mul3A_1115 : i32
      %get3A_1117 = arith.constant 28 : i32
      %get3A_1118 = arith.index_cast %get3A_1117 : i32 to index
      %get3A_1119 = arith.index_cast %mul3A_1116 : i32 to index
      %get3A_1120 = tpu.vector_load %arg12[%get3A_1118, %get3A_1119] {strides = array<i32>} : memref<32x512xf32, #tpu.memory_space<vmem>>, vector<16xf32>,
      %mul3A_1121 = arith.mulf %get3A_1120, %gather3A_1114 : vector<16xf32>
      %mul3A_1122 = arith.mulf %mul3A_1121, %get3A_180 : vector<16xf32>
      %add3A_1123 = arith.addf %add3A_1113, %mul3A_1122 : vector<16xf32>
      %gather3A_1124 = tpu.vector_load_idx %arg11[%iota3A, %broadcast_in_dim3A_61, %and3A_832] : memref<16x32x128xf32, #tpu.memory_space<vmem>>[vector<16xi32>, vector<16xi32>, vector<16xi32>], vector<16xf32>,
      %mul3A_1125 = arith.constant 16 : i32
      %mul3A_1126 = arith.muli %scan3A_208, %mul3A_1125 : i32
      %get3A_1127 = arith.constant 29 : i32
      %get3A_1128 = arith.index_cast %get3A_1127 : i32 to index
      %get3A_1129 = arith.index_cast %mul3A_1126 : i32 to index
      %get3A_1130 = tpu.vector_load %arg12[%get3A_1128, %get3A_1129] {strides = array<i32>} : memref<32x512xf32, #tpu.memory_space<vmem>>, vector<16xf32>,
      %mul3A_1131 = arith.mulf %get3A_1130, %gather3A_1124 : vector<16xf32>
      %mul3A_1132 = arith.mulf %mul3A_1131, %get3A_184 : vector<16xf32>
      %add3A_1133 = arith.addf %add3A_1123, %mul3A_1132 : vector<16xf32>
      %gather3A_1134 = tpu.vector_load_idx %arg11[%iota3A, %broadcast_in_dim3A_63, %and3A_832] : memref<16x32x128xf32, #tpu.memory_space<vmem>>[vector<16xi32>, vector<16xi32>, vector<16xi32>], vector<16xf32>,
      %mul3A_1135 = arith.constant 16 : i32
      %mul3A_1136 = arith.muli %scan3A_208, %mul3A_1135 : i32
      %get3A_1137 = arith.constant 30 : i32
      %get3A_1138 = arith.index_cast %get3A_1137 : i32 to index
      %get3A_1139 = arith.index_cast %mul3A_1136 : i32 to index
      %get3A_1140 = tpu.vector_load %arg12[%get3A_1138, %get3A_1139] {strides = array<i32>} : memref<32x512xf32, #tpu.memory_space<vmem>>, vector<16xf32>,
      %mul3A_1141 = arith.mulf %get3A_1140, %gather3A_1134 : vector<16xf32>
      %mul3A_1142 = arith.mulf %mul3A_1141, %get3A_188 : vector<16xf32>
      %add3A_1143 = arith.addf %add3A_1133, %mul3A_1142 : vector<16xf32>
      %gather3A_1144 = tpu.vector_load_idx %arg11[%iota3A, %broadcast_in_dim3A_65, %and3A_832] : memref<16x32x128xf32, #tpu.memory_space<vmem>>[vector<16xi32>, vector<16xi32>, vector<16xi32>], vector<16xf32>,
      %mul3A_1145 = arith.constant 16 : i32
      %mul3A_1146 = arith.muli %scan3A_208, %mul3A_1145 : i32
      %get3A_1147 = arith.constant 31 : i32
      %get3A_1148 = arith.index_cast %get3A_1147 : i32 to index
      %get3A_1149 = arith.index_cast %mul3A_1146 : i32 to index
      %get3A_1150 = tpu.vector_load %arg12[%get3A_1148, %get3A_1149] {strides = array<i32>} : memref<32x512xf32, #tpu.memory_space<vmem>>, vector<16xf32>,
      %mul3A_1151 = arith.mulf %get3A_1150, %gather3A_1144 : vector<16xf32>
      %mul3A_1152 = arith.mulf %mul3A_1151, %get3A_192 : vector<16xf32>
      %add3A_1153 = arith.addf %add3A_1143, %mul3A_1152 : vector<16xf32>
      %add3A_1154 = arith.addf %add3A_1153, %get3A_194 : vector<16xf32>
      %neg3A = arith.constant 0.000000e+00 : f32
      %neg3A_1155 = vector.broadcast %neg3A : f32 to vector<16xf32>
      %neg3A_1156 = arith.subf %neg3A_1155, %add3A_1154 : vector<16xf32>
      %exp3A = math.exp %neg3A_1156 : vector<16xf32>
      %add3A_1157 = arith.constant 1.000000e+00 : f32
      %add3A_1158 = vector.broadcast %add3A_1157 : f32 to vector<16xf32>
      %add3A_1159 = arith.addf %add3A_1158, %exp3A : vector<16xf32>
      %div3A = arith.constant 1.000000e+00 : f32
      %div3A_1160 = vector.broadcast %div3A : f32 to vector<16xf32>
      %div3A_1161 = arith.divf %div3A_1160, %add3A_1159 : vector<16xf32>
      %mul3A_1162 = arith.constant 16 : i32
      %mul3A_1163 = arith.muli %scan3A_208, %mul3A_1162 : i32
      %swap3A = arith.index_cast %mul3A_1163 : i32 to index
      %swap3A_1164 = tpu.vector_load %arg15[%swap3A] {strides = array<i32>} : memref<512xf32, #tpu.memory_space<vmem>>, vector<16xf32>,
      tpu.vector_store %arg15[%swap3A], %div3A_1161 {strides = array<i32>} : memref<512xf32, #tpu.memory_space<vmem>>, vector<16xf32>,
      %scan3A_1165 = arith.constant 0 : i32
      scf.yield %scan3A_1165 : i32
    }
    %scan3A_207 = arith.constant 32 : i32
    "tpu.region"() ({
      %run_scoped3A = tpu.sem_alloc : memref<!tpu.dma_semaphore, #tpu.memory_space<semaphore_mem>>
      %dma_start3A = tpu.memref_slice %arg8[%mul3A_2] : memref<16384xf32, #tpu.memory_space<hbm>> -> memref<512xf32, #tpu.memory_space<hbm>>
      %dma_start3A_208 = tpu.memref_slice %arg8[%mul3A_2] : memref<16384xf32, #tpu.memory_space<hbm>> -> memref<512xf32, #tpu.memory_space<hbm>>
      tpu.enqueue_dma source(%arg15 : memref<512xf32, #tpu.memory_space<vmem>>) target(%dma_start3A_208 : memref<512xf32, #tpu.memory_space<hbm>>) target_semaphore(%run_scoped3A : memref<!tpu.dma_semaphore, #tpu.memory_space<semaphore_mem>>)
      %dma_wait3A = tpu.memref_slice %arg8[%mul3A_2] : memref<16384xf32, #tpu.memory_space<hbm>> -> memref<512xf32, #tpu.memory_space<hbm>>
      %dma_wait3A_209 = tpu.memref_slice %arg8[%mul3A_2] : memref<16384xf32, #tpu.memory_space<hbm>> -> memref<512xf32, #tpu.memory_space<hbm>>
      tpu.wait_dma2 semaphore(%run_scoped3A : memref<!tpu.dma_semaphore, #tpu.memory_space<semaphore_mem>>) src(%arg15 : memref<512xf32, #tpu.memory_space<vmem>>) dst(%dma_wait3A_209 : memref<512xf32, #tpu.memory_space<hbm>>)
      tpu.yield
    }) : () -> ()
    return
  }
}

</mosaic_0001>

<sc_bundles>
// kernel: kernel.3.cloned.1.call-start
scs
__scs_entry_jumppad:
0x0: {  	(pc) =	sbr.rel $0x88, $3  }
0x1: {  	(tag) =	ssettag $0x0;
	lr =	simm.s32 $0x1  }
0x2: {  	[smem:$0x3F9B] =	sst lr;
	_ =	strace $0xD0000000  }
0x3: {  	_ = 	snop  }
0x4: {  	_ = 	snop  }
0x5: {  	_ = 	snop  }
0x6: {  	_ = 	snop  }
0x7: {  	_ = 	snop  }
__scs_overlays_trampoline_lowered:
0x8: {  	[smem:$0x3FAA] =	sst s0  }
0x9: {  	[smem:$0x3FAB] =	sst s1  }
0xa: {  	[smem:$0x3FAC] =	sst s2  }
0xb: {  	[smem:$0x3FAD] =	sst s3  }
0xc: {  	[smem:$0x3FAE] =	sst s4  }
0xd: {  	[smem:$0x3FAF] =	sst s5  }
0xe: {  	[smem:$0x3FB0] =	sst s6  }
0xf: {  	[smem:$0x3FB1] =	sst s7  }
0x10: {  	[smem:$0x3FB2] =	sst s8  }
0x11: {  	[smem:$0x3FB3] =	sst s9;
	s0 =	simm.s32 @!p0 $0x0  }
0x12: {  	s1 =	sld [smem:$0x3F99];
	s0 =	simm.s32 @p0 $0x1  }
0x13: {  	[smem:$0x3FB4] =	sst s0;
	s0 =	simm.s32 @!p1 $0x0  }
0x14: {  	s2 =	sld [smem:$0x3F98];
	s0 =	simm.s32 @p1 $0x1  }
0x15: {  	[smem:$0x3FB5] =	sst s0;
	s0 =	simm.s32 @!p2 $0x0  }
0x16: {  	s3 =	sld [smem:$0x3FDB];
	s0 =	simm.s32 @p2 $0x1  }
0x17: {  	s4 =	simm.s32 $0x1BF5;
	[smem:$0x3FB7] =	sst s0  }
0x18: {  	s0 =	sld [smem:$0x3F9A];
	_ =	swait.ge [sflag:s4], $0x0  }
0x19: {  	s7 =	sld [smem:$0x3F9B]  }
0x1a: {  	s8 =	sadd.s32 $0xFFFFE003, lr  }
0x1b: {  	s9 =	sadd.s32 $0xFFFFFEF7, lr;
	s5 =	simm.s32 $0xFFFFFFFF;
	p2 =	slt.u32 s8, $0xFFFFF086  }
0x1c: {  	p1 =	slt.u32 s9, $0xF7A;
	s5 =	simm.s32 @!p2 $0x0  }
0x1d: {  	s5 =	simm.s32 @p1 $0x1;
	p0 =	seq.s32 s7, s2  }
0x1e: {  	s7 =	smul.u32 @!p0 $0xF7A, s2;
	p2 =	seq.s32 @!p0 s5, $0x0  }
0x1f: {  	s9 =	smul.u32 $0xF7A, s1;
	s8 =	simm.s32 @!p0 $0x1BF5;
	p2 =	por !p2, p0  }
0x20: {  	[sflag:s8] =	ssyncset.s32 @!p0 $0xFFFFF086;
	s6 =	sadd.s32 @!p0 s3, s7;
	s7 =	simm.s32 @!p0 $0x108  }
0x21: {  	s3 =	sadd.s32 s3, s9;
	s6 =	sadd.s32 @!p0 $0x88, s6;
	s7 =	simm.s32 @p2 $0x1082  }
0x22: {  	[simem:s7], [sflag:s8] =	dma.local @!p0 [hbm:s6], $0xF7A  }
0x23: {  	s9 =	sor.u32 $0xD0000000, s2;
	s6 =	simm.s32 $0x108;
	_ =	swait.ge @!p0 [sflag:s8], $0x0  }
0x24: {  	s3 =	sadd.s32 $0x88, s3;
	s6 =	simm.s32 @!p1 $0x1082;
	[sflag:s4] =	ssyncset.s32 $0xFFFFF086  }
0x25: {  	[simem:s6], [sflag:s4] =	dma.local [hbm:s3], $0xF7A  }
0x26: {  	[smem:$0x3F9B] =	sst s1;
	(tag) =	ssettag s2;
	_ =	strace s9  }
0x27: {  	s1 =	sld [smem:$0x3FAB]  }
0x28: {  	s2 =	sld [smem:$0x3FAC]  }
0x29: {  	s4 =	sld [smem:$0x3FAE]  }
0x2a: {  	p0 =	seq.s32 s5, $0x0;
	s5 =	sld [smem:$0x3FAF]  }
0x2b: {  	s6 =	sld [smem:$0x3FB0]  }
0x2c: {  	s7 =	sld [smem:$0x3FB1]  }
0x2d: {  	s3 =	simm.s32 $0x108;
	s8 =	sld [smem:$0x3FB2]  }
0x2e: {  	s3 =	simm.s32 @!p0 $0x1082;
	s9 =	sld [smem:$0x3FB3]  }
0x2f: {  	lr =	sadd.s32 s0, s3;
	s0 =	sld [smem:$0x3FAA]  }
0x30: {  	s3 =	sld [smem:$0x3FAD]  }
0x31: {  	[smem:$0x3FB6] =	sst s10  }
0x32: {  	s10 =	sld [smem:$0x3FB4];
	_ =	sdelay $0x3  }
0x33: {  	p0 =	seq.s32 s10, $0x1;
	s10 =	sld [smem:$0x3FB6];
	_ =	sdelay $0x3  }
0x34: {  	[smem:$0x3FB6] =	sst s10  }
0x35: {  	s10 =	sld [smem:$0x3FB5];
	_ =	sdelay $0x3  }
0x36: {  	p1 =	seq.s32 s10, $0x1;
	s10 =	sld [smem:$0x3FB6];
	_ =	sdelay $0x3  }
0x37: {  	[smem:$0x3FB6] =	sst s10  }
0x38: {  	s10 =	sld [smem:$0x3FB7]  }
0x39: {  	_ = 	snop;
	(pc) =	sbr.ind lr, $3  }
0x3a: {  	_ = 	snop  }
0x3b: {  	_ = 	snop  }
0x3c: {  	p2 =	seq.s32 s10, $0x1;
	s10 =	sld [smem:$0x3FB6]  }
0x3d: {  	_ =	shalt  }
0x3e: {  	_ =	shalt  }
0x3f: {  	_ =	shalt  }
0x40: {  	_ =	shalt  }
0x41: {  	_ =	shalt  }
0x42: {  	_ =	shalt  }
0x43: {  	_ =	shalt  }
0x44: {  	_ =	shalt  }
0x45: {  	_ =	shalt  }
0x46: {  	_ =	shalt  }
0x47: {  	_ =	shalt  }
0x48: {  	_ =	shalt  }
0x49: {  	_ =	shalt  }
0x4a: {  	_ =	shalt  }
0x4b: {  	_ =	shalt  }
0x4c: {  	_ =	shalt  }
0x4d: {  	_ =	shalt  }
0x4e: {  	_ =	shalt  }
0x4f: {  	_ =	shalt  }
0x50: {  	_ =	shalt  }
0x51: {  	_ =	shalt  }
0x52: {  	_ =	shalt  }
0x53: {  	_ =	shalt  }
0x54: {  	_ =	shalt  }
0x55: {  	_ =	shalt  }
0x56: {  	_ =	shalt  }
0x57: {  	_ =	shalt  }
0x58: {  	_ =	shalt  }
0x59: {  	_ =	shalt  }
0x5a: {  	_ =	shalt  }
0x5b: {  	_ =	shalt  }
0x5c: {  	_ =	shalt  }
0x5d: {  	_ =	shalt  }
0x5e: {  	_ =	shalt  }
0x5f: {  	_ =	shalt  }
0x60: {  	_ =	shalt  }
0x61: {  	_ =	shalt  }
0x62: {  	_ =	shalt  }
0x63: {  	_ =	shalt  }
0x64: {  	_ =	shalt  }
0x65: {  	_ =	shalt  }
0x66: {  	_ =	shalt  }
0x67: {  	_ =	shalt  }
0x68: {  	_ =	shalt  }
0x69: {  	_ =	shalt  }
0x6a: {  	_ =	shalt  }
0x6b: {  	_ =	shalt  }
0x6c: {  	_ =	shalt  }
0x6d: {  	_ =	shalt  }
0x6e: {  	_ =	shalt  }
0x6f: {  	_ =	shalt  }
0x70: {  	_ =	shalt  }
0x71: {  	_ =	shalt  }
0x72: {  	_ =	shalt  }
0x73: {  	_ =	shalt  }
0x74: {  	_ =	shalt  }
0x75: {  	_ =	shalt  }
0x76: {  	_ =	shalt  }
0x77: {  	_ =	shalt  }
0x78: {  	_ =	shalt  }
0x79: {  	_ =	shalt  }
0x7a: {  	_ =	shalt  }
0x7b: {  	_ =	shalt  }
0x7c: {  	_ =	shalt  }
0x7d: {  	_ =	shalt  }
0x7e: {  	_ =	shalt  }
0x7f: {  	_ =	shalt  }
0x80: {  	_ =	shalt  }
0x81: {  	_ =	shalt  }
0x82: {  	_ =	shalt  }
0x83: {  	_ =	shalt  }
0x84: {  	_ =	shalt  }
0x85: {  	_ =	shalt  }
0x86: {  	_ =	shalt  }
0x87: {  	_ =	shalt  }
.Lfunc_end0:
.L_simem_size_0:
called_computation_lowered:
.L_overlay_start_0:
0x88: {  	s2 =	sld [smem:$0x3FD9]  }
0x89: {  	s3 =	sld [smem:$0x3FFE];
	_ =	sdelay $0x1  }
0x8a: {  	s1 =	srdreg.scid  }
0x8b: {  	s0 =	sand.u32 $0x1, s1  }
0x8c: {  	s17 =	sshll.u32 s0, $0xA;
	s2 =	sadd.s32 s3, s2  }
0x8d: {  	s2 =	sadd.s32 s2, s17  }
0x8e: {  	[smem:$0x3FC2] =	sst s2  }
0x8f: {  	_ = 	snop  }
0x90: {  	s2 =	sld [smem:$0x3FC9]  }
0x91: {  	s18 =	sld [smem:$0x3FC8]  }
0x92: {  	s4 =	sld [smem:$0x3FC7]  }
0x93: {  	s5 =	sld [smem:$0x3FC6]  }
0x94: {  	s6 =	sld [smem:$0x3FD0];
	(tm) =	ssettm $0x1  }
0x95: {  	s7 =	sld [smem:$0x3FFB];
	_ =	sdelay $0x3  }
0x96: {  	_ =	strace s7  }
0x97: {  	s7 =	sld [smem:$0x3FFC];
	_ =	sdelay $0x3  }
0x98: {  	_ =	strace s7  }
0x99: {  	s7 =	sld [smem:$0x3FFD];
	_ =	sdelay $0x3  }
0x9a: {  	_ =	strace s7  }
0x9b: {  	_ =	strace $0x8FFFFFFF  }
0x9c: {  	s19 =	sld [smem:$0x3FDB];
	_ =	sdelay $0x1  }
0x9d: {  	s8 =	simm.s32 $_scs_section_size  }
0x9e: {  	s9 =	simm.s32 $_size__tile_overlayer_lowered;
	s10 =	simm.s32 $_tile_overlayer_lowered  }
0x9f: {  	s22 =	simm.s32 $0x1BFF;
	s21 =	sshll.u32 s10, $0x1;
	s7 =	sadd.s32 s8, s19  }
0xa0: {  	s11 =	simm.s32 $0x0;
	s20 =	sshll.u32 s9, $0x1;
	s9 =	sadd.s32 s21, s7  }
0xa1: {  	[timem:s11], [sflag:s22] =	dma.local [hbm:s9], s20  }
0xa2: {  	_ =	swait.ge [sflag:s22], s20  }
0xa3: {  	s8 =	ssub.s32 $0x0, s20;
	[sflag:s22] =	ssyncset.done $0x0  }
0xa4: {  	[sflag:s22] =	ssyncadd.s32 s8;
	_ =	sdelay $0x1  }
0xa5: {  	s23 =	simm.s32 $0x1B8B  }
0xa6: {  	_ =	swait.ge [sflag:s23], $0x1  }
0xa7: {  	[sflag:s23] =	ssyncset.done $0x0  }
0xa8: {  	s25 =	simm.s32 $0x1B8E;
	s24 =	sld [smem:$0x3FFE];
	[sflag:s23] =	ssyncadd.s32 $0xFFFFFFFF  }
0xa9: {  	s26 =	simm.s32 $execute0_lowered;
	[smem:$0x3FD2] =	sst s25  }
0xaa: {  	s9 =	sshll.u32 s26, $0x1;
	_ =	strace $0x80000046;
	[dreg:$0x1] =	wrdreg $0xFFFFFFFF  }
0xab: {  	s28 =	simm.s32 $_size_execute0_lowered;
	s7 =	sadd.s32 s7, s9;
	[dreg:$0x0] =	wrdreg $0x0  }
0xac: {  	s9 =	sshll.u32 s28, $0x1;
	[dreg:$0x2] =	wrdreg s7  }
0xad: {  	[dreg:$0x3] =	wrdreg s9  }
0xae: {  	[dreg:$0x4] =	wrdreg $0xC0  }
0xaf: {  	_ =	task [dreg:s11], $0x5FFFF  }
0xb0: {  	[dreg:$0x1] =	wrdreg $0xFFFFFFFF  }
0xb1: {  	[dreg:$0x0] =	wrdreg $0x60  }
0xb2: {  	[dreg:$0x2] =	wrdreg s2  }
0xb3: {  	[dreg:$0x3] =	wrdreg s18  }
0xb4: {  	[dreg:$0x4] =	wrdreg s4  }
0xb5: {  	[dreg:$0x5] =	wrdreg s5  }
0xb6: {  	[dreg:$0x6] =	wrdreg s24  }
0xb7: {  	[dreg:$0x7] =	wrdreg s6  }
0xb8: {  	[dreg:$0x8] =	wrdreg $0x9  }
0xb9: {  	_ =	task.clear_ibuf [dreg:s11], $0x9FFFF;
	_ =	strace $0x90000046  }
0xba: {  	s29 =	simm.s32 $0x9;
	_ =	strace $0x80000048  }
0xbb: {  	_ =	swait.ge [sflag:s29], $0x1  }
0xbc: {  	[sflag:s29] =	ssyncadd.s32 $0xFFFFFFFF  }
0xbd: {  	_ =	strace $0x90000048  }
0xbe: {  	_ =	sfence  }
0xbf: {  	s30 =	sld [smem:$0x0];
	_ =	sdelay $0x2  }
0xc0: {  	s31 =	sshll.u32 s1, $0xD;
	s1 =	sshrl.u32 s1, $0x2  }
0xc1: {  	s3 =	sand.u32 $0x4000, s31;
	s1 =	sadd.s32 s1, s30  }
0xc2: {  	s0 =	sor.u32 s3, s0;
	s1 =	sshll.u32 s1, $0x11  }
0xc3: {  	s0 =	sor.u32 s1, s0  }
0xc4: {  	s0 =	sadd.s32 $0x8F2B, s0  }
0xc5: {  	[sflag:s0] =	ssyncadd.remote.s32 $0x1  }
0xc6: {  	_ =	sfence.sel $0xFFFF  }
0xc7: {  	[dreg:$0x0] =	wrdreg $0xFFFFFFFF;
	(pc) =	sbr.abs _section_cstart, $3  }
0xc8: {  	[dreg:$0x1] =	wrdreg $0xFFFFFFFF  }
0xc9: {  	_ =	task.clear_ibuf [dreg:s11], $0x2FFFF;
	_ =	strace $0x9FFFFFFF  }
0xca: {  	(tm) =	ssettm $0x7FFFFFFF  }
0xcb: {  	_ =	shalt  }
tec
execute0_lowered:
.L_overlay_start_1:
0x0: {  	(tag) =	ssettag $0x1  }
0x1: {  	s0 =	rddreg [dreg:$0x0]  }
0x2: {  	s4 =	rddreg [dreg:$0x1]  }
0x3: {  	s1 =	rddreg [dreg:$0x2]  }
0x4: {  	s2 =	rddreg [dreg:$0x3]  }
0x5: {  	s5 =	rddreg [dreg:$0x4]  }
0x6: {  	s6 =	rddreg [dreg:$0x5];
	s3 =	simm.s32 $0x0;
	s7 =	srdreg.scid  }
0x7: {  	s9 =	stileid.u32;
	v0 =	vlaneseq.u32;
	s11 =	simm.s32 $0x2;
	s15 =	simm.s32 $0x400  }
0x8: {  	s16 =	simm.s32 $0x7A1400;
	s17 =	simm.s32 $0x500;
	s18 =	simm.s32 $0x1500;
	v0 =	vmul.u32 $0x1000, v0  }
0x9: {  	s19 =	simm.s32 $0x2500;
	s20 =	simm.s32 $0x3500;
	s21 =	simm.s32 $0x4500  }
0xa: {  	s22 =	simm.s32 $0x5500;
	s28 =	simm.s32 $0xA500;
	s29 =	simm.s32 $0xB500;
	v34 =	vor.u32 $0x80, v0  }
0xb: {  	s30 =	simm.s32 $0xC500;
	s31 =	simm.s32 $0xD500;
	s12 =	simm.s32 $0x1;
	v35 =	vor.u32 $0x100, v0;
	v37 =	vor.u32 $0x180, v0;
	v39 =	vor.u32 $0x200, v0  }
0xc: {  	s14 =	simm.s32 $0x0;
	[smem:$0x7FF] =	sst s3;
	s8 =	sadd.s32 $0x600, s5;
	v41 =	vor.u32 $0x280, v0;
	v42 =	vor.u32 $0x300, v0;
	v46 =	vor.u32 $0x380, v0  }
0xd: {  	s7 =	sand.u32 $0x1, s7;
	s9 =	sshll.u32 s9, $0x7;
	s5 =	sadd.s32 $0x400, s5;
	v2 =	vor.u32 $0x400, v0;
	v3 =	vor.u32 $0x480, v0;
	v11 =	vor.u32 $0x500, v0  }
0xe: {  	_ =	strace $0x80000047;
	s23 =	ssub.s32 $0x2, s7;
	s7 =	sshll.u32 s7, $0x6;
	v12 =	vor.u32 $0x580, v0;
	v13 =	vor.u32 $0x600, v0;
	v14 =	vor.u32 $0x680, v0  }
0xf: {  	[dreg:$0x7] =	wrdreg s8;
	s24 =	sshrl.u32 s23, $0x1;
	s7 =	sor.u32 s7, s9;
	v15 =	vor.u32 $0x700, v0;
	v16 =	vor.u32 $0x780, v0;
	v1 =	vor.u32 $0x800, v0  }
0x10: {  	[dreg:$0x8] =	wrdreg s5;
	v60 =	vor.u32 $0x900, v0;
	v19 =	vor.u32 $0x980, v0;
	v20 =	vor.u32 $0xA00, v0;
	s5 =	ssub.s32 s23, s24;
	s0 =	sadd.s32 s0, s7  }
0x11: {  	v21 =	vor.u32 $0xA80, v0;
	v22 =	vor.u32 $0xB00, v0;
	v23 =	vor.u32 $0xB80, v0;
	s25 =	sadd.s32 s4, s7;
	s26 =	sadd.s32 s6, s7;
	[dreg:$0x9] =	wrdreg s0  }
0x12: {  	v24 =	vor.u32 $0xC00, v0;
	v25 =	vor.u32 $0xC80, v0;
	v26 =	vor.u32 $0xD00, v0;
	s23 =	simm.s32 $0x6500;
	s24 =	simm.s32 $0x7500;
	[dreg:$0xa] =	wrdreg s25  }
0x13: {  	v27 =	vor.u32 $0xD80, v0;
	v28 =	vor.u32 $0xE00, v0;
	[tilespmem:$0x1FFE0] =	vst v1;
	v1 =	vor.u32 $0x880, v0;
	s4 =	simm.s32 $0xF500;
	[dreg:$0xb] =	wrdreg s26;
	s10 =	smax.u32 s5, $0x1  }
0x14: {  	v29 =	vor.u32 $0xE80, v0;
	v30 =	vor.u32 $0xF00, v0;
	[tilespmem:$0x1FFF0] =	vst v1;
	s25 =	simm.s32 $0x8500;
	s26 =	simm.s32 $0x9500;
	s0 =	simm.s32 $0xE500  }
.LBB2_1:
0x15: {  	s5 =	rddreg [dreg:$0x9]  }
0x16: {  	[tilespmem:s3], [sflag:$0x2] =	stream.linear.gather [hbm4b:s5+s3], $0x200, $0x38;
	[tilespmem:$0x15780] =	vst v63  }
0x17: {  	_ =	swait.ge [sflag:s11], $0x200  }
0x18: {  	[sflag:s11] =	ssyncset.done $0x0  }
0x19: {  	s6 =	simm.s32 $0x280;
	s13 =	rddreg [dreg:$0xa];
	[sflag:s11] =	ssyncadd.s32 $0xFFFFFE00  }
0x1a: {  	[tilespmem:s6], [sflag:$0x2] =	stream.linear.gather [hbm4b:s13+s3], $0x200, $0x38;
	[tilespmem:$0x15780] =	vst v63  }
0x1b: {  	_ =	swait.ge [sflag:s11], $0x200  }
0x1c: {  	[sflag:s11] =	ssyncset.done $0x0  }
0x1d: {  	s8 =	simm.s32 $0x14500;
	s7 =	rddreg [dreg:$0x7];
	[sflag:s11] =	ssyncadd.s32 $0xFFFFFE00  }
0x1e: {  	[tilespmem:s8], [sflag:$0x2] =	stream.linear.gather [hbm4b:s7+s3], $0x1000, $0x38;
	[tilespmem:$0x15780] =	vst v63  }
0x1f: {  	_ =	swait.ge [sflag:s11], $0x1000  }
0x20: {  	[sflag:s11] =	ssyncset.done $0x0  }
0x21: {  	s13 =	simm.s32 $0x15500;
	s9 =	rddreg [dreg:$0x8];
	[sflag:s11] =	ssyncadd.s32 $0xFFFFF000  }
0x22: {  	[tilespmem:s13], [sflag:$0x2] =	stream.linear.gather [hbm4b:s9+s3], $0x80, $0x38;
	[tilespmem:$0x15780] =	vst v63  }
0x23: {  	_ =	swait.ge [sflag:s11], $0x80  }
0x24: {  	[sflag:s11] =	ssyncset.done $0x0;
	v17 =	vld [tilespmem:$0x1FFE0]  }
0x25: {  	v18 =	vld [tilespmem:$0x1FFF0];
	[sflag:s11] =	ssyncadd.s32 $0xFFFFFF80  }
0x26: {  	v43 =	vld [tilespmem:$0x14500]  }
0x27: {  	v44 =	vld [tilespmem:$0x14580]  }
0x28: {  	v1 =	vld [tilespmem:$0x14600]  }
0x29: {  	v7 =	vld [tilespmem:$0x14780]  }
0x2a: {  	v8 =	vld [tilespmem:$0x14800]  }
0x2b: {  	v9 =	vld [tilespmem:$0x14880]  }
0x2c: {  	v10 =	vld [tilespmem:$0x14900]  }
0x2d: {  	v36 =	vld [tilespmem:$0x14980]  }
0x2e: {  	v38 =	vld [tilespmem:$0x14A00]  }
0x2f: {  	v54 =	vld [tilespmem:$0x14A80]  }
0x30: {  	v56 =	vld [tilespmem:$0x14B00]  }
0x31: {  	v4 =	vld [tilespmem:$0x14B80]  }
0x32: {  	v5 =	vld [tilespmem:$0x14C00]  }
0x33: {  	v6 =	vld [tilespmem:$0x14C80]  }
0x34: {  	v61 =	vld [tilespmem:$0x14D00]  }
0x35: {  	v62 =	vld [tilespmem:$0x14D80]  }
0x36: {  	v63 =	vld [tilespmem:$0x14E00]  }
0x37: {  	v47 =	vld [tilespmem:$0x14F00]  }
0x38: {  	v48 =	vld [tilespmem:$0x14F80]  }
0x39: {  	v49 =	vld [tilespmem:$0x15000]  }
0x3a: {  	v50 =	vld [tilespmem:$0x15080]  }
0x3b: {  	v51 =	vld [tilespmem:$0x15100]  }
0x3c: {  	[tilespmem:$0x1FFB0] =	vst v1;
	v1 =	vld [tilespmem:$0x14680]  }
0x3d: {  	v45 =	vld [tilespmem:$0x15180]  }
0x3e: {  	v52 =	vld [tilespmem:$0x15200]  }
0x3f: {  	v53 =	vld [tilespmem:$0x15280]  }
0x40: {  	v40 =	vld [tilespmem:$0x15300]  }
0x41: {  	[tilespmem:$0x1FFC0] =	vst v1;
	v1 =	vld [tilespmem:$0x14700]  }
0x42: {  	v55 =	vld [tilespmem:$0x15380]  }
0x43: {  	v57 =	vld [tilespmem:$0x15400]  }
0x44: {  	v58 =	vld [tilespmem:$0x15480]  }
0x45: {  	v59 =	vld [tilespmem:$0x15500]  }
0x46: {  	s5 =	simm.s32 $0x8;
	s6 =	simm.s32 $0x0;
	s7 =	simm.s32 $0x0;
	[tilespmem:$0x1FFD0] =	vst v1;
	v1 =	vld [tilespmem:$0x14E80]  }
.LBB2_2:
0x47: {  	v31 =	vld [tilespmem:s5+$0xFFFFFFF8];
	_ =	sdelay $0x4  }
0x48: {  	(v2sf) =	vpush v31, $0x0;
	_ =	sdelay $0xe  }
0x49: {  	s8 =	spop (v2sf)  }
0x4a: {  	s8 =	sand.u32 $0xFFFFF80, s8  }
0x4b: {  	s8 =	sadd.s32 s1, s8  }
0x4c: {  	[tilespmem:s17], [sflag:$0x1] =	stream.strided.gather [hbm4b:s8+s15], $0x1000, s16, s15, $0x38;
	[tilespmem:$0x15780] =	vst v63  }
0x4d: {  	v31 =	vld [tilespmem:s5+$0xFFFFFFF9];
	_ =	sdelay $0x4  }
0x4e: {  	(v2sf) =	vpush v31, $0x0;
	_ =	sdelay $0xe  }
0x4f: {  	s13 =	spop (v2sf)  }
0x50: {  	s8 =	sand.u32 $0xFFFFF80, s13  }
0x51: {  	s8 =	sadd.s32 s1, s8  }
0x52: {  	[tilespmem:s18], [sflag:$0x1] =	stream.strided.gather [hbm4b:s8+s15], $0x1000, s16, s15, $0x38;
	[tilespmem:$0x15780] =	vst v63  }
0x53: {  	v31 =	vld [tilespmem:s5+$0xFFFFFFFA];
	_ =	sdelay $0x4  }
0x54: {  	(v2sf) =	vpush v31, $0x0;
	_ =	sdelay $0xe  }
0x55: {  	s9 =	spop (v2sf)  }
0x56: {  	s8 =	sand.u32 $0xFFFFF80, s9  }
0x57: {  	s8 =	sadd.s32 s1, s8  }
0x58: {  	[tilespmem:s19], [sflag:$0x1] =	stream.strided.gather [hbm4b:s8+s15], $0x1000, s16, s15, $0x38;
	[tilespmem:$0x15780] =	vst v63  }
0x59: {  	v31 =	vld [tilespmem:s5+$0xFFFFFFFB];
	_ =	sdelay $0x4  }
0x5a: {  	(v2sf) =	vpush v31, $0x0;
	_ =	sdelay $0xe  }
0x5b: {  	s13 =	spop (v2sf)  }
0x5c: {  	s8 =	sand.u32 $0xFFFFF80, s13  }
0x5d: {  	s8 =	sadd.s32 s1, s8  }
0x5e: {  	[tilespmem:s20], [sflag:$0x1] =	stream.strided.gather [hbm4b:s8+s15], $0x1000, s16, s15, $0x38;
	[tilespmem:$0x15780] =	vst v63  }
0x5f: {  	v31 =	vld [tilespmem:s5+$0xFFFFFFFC];
	_ =	sdelay $0x4  }
0x60: {  	(v2sf) =	vpush v31, $0x0;
	_ =	sdelay $0xe  }
0x61: {  	s9 =	spop (v2sf)  }
0x62: {  	s8 =	sand.u32 $0xFFFFF80, s9  }
0x63: {  	s8 =	sadd.s32 s1, s8  }
0x64: {  	[tilespmem:s21], [sflag:$0x1] =	stream.strided.gather [hbm4b:s8+s15], $0x1000, s16, s15, $0x38;
	[tilespmem:$0x15780] =	vst v63  }
0x65: {  	v31 =	vld [tilespmem:s5+$0xFFFFFFFD];
	_ =	sdelay $0x4  }
0x66: {  	(v2sf) =	vpush v31, $0x0;
	_ =	sdelay $0xe  }
0x67: {  	s13 =	spop (v2sf)  }
0x68: {  	s8 =	sand.u32 $0xFFFFF80, s13  }
0x69: {  	s8 =	sadd.s32 s1, s8  }
0x6a: {  	[tilespmem:s22], [sflag:$0x1] =	stream.strided.gather [hbm4b:s8+s15], $0x1000, s16, s15, $0x38;
	[tilespmem:$0x15780] =	vst v63  }
0x6b: {  	v31 =	vld [tilespmem:s5+$0xFFFFFFFE];
	_ =	sdelay $0x4  }
0x6c: {  	(v2sf) =	vpush v31, $0x0;
	_ =	sdelay $0xe  }
0x6d: {  	s9 =	spop (v2sf)  }
0x6e: {  	s8 =	sand.u32 $0xFFFFF80, s9  }
0x6f: {  	s8 =	sadd.s32 s1, s8  }
0x70: {  	[tilespmem:s23], [sflag:$0x1] =	stream.strided.gather [hbm4b:s8+s15], $0x1000, s16, s15, $0x38;
	[tilespmem:$0x15780] =	vst v63  }
0x71: {  	v31 =	vld [tilespmem:s5+$0xFFFFFFFF];
	_ =	sdelay $0x4  }
0x72: {  	(v2sf) =	vpush v31, $0x0;
	_ =	sdelay $0xe  }
0x73: {  	s13 =	spop (v2sf)  }
0x74: {  	s8 =	sand.u32 $0xFFFFF80, s13  }
0x75: {  	s8 =	sadd.s32 s1, s8  }
0x76: {  	[tilespmem:s24], [sflag:$0x1] =	stream.strided.gather [hbm4b:s8+s15], $0x1000, s16, s15, $0x38;
	[tilespmem:$0x15780] =	vst v63  }
0x77: {  	v31 =	vld [tilespmem:s5+$0x0];
	_ =	sdelay $0x4  }
0x78: {  	(v2sf) =	vpush v31, $0x0;
	_ =	sdelay $0xe  }
0x79: {  	s9 =	spop (v2sf)  }
0x7a: {  	s8 =	sand.u32 $0xFFFFF80, s9  }
0x7b: {  	s8 =	sadd.s32 s1, s8  }
0x7c: {  	[tilespmem:s25], [sflag:$0x1] =	stream.strided.gather [hbm4b:s8+s15], $0x1000, s16, s15, $0x38;
	[tilespmem:$0x15780] =	vst v63  }
0x7d: {  	v31 =	vld [tilespmem:s5+$0x1];
	_ =	sdelay $0x4  }
0x7e: {  	(v2sf) =	vpush v31, $0x0;
	_ =	sdelay $0xe  }
0x7f: {  	s13 =	spop (v2sf)  }
0x80: {  	s8 =	sand.u32 $0xFFFFF80, s13  }
0x81: {  	s8 =	sadd.s32 s1, s8  }
0x82: {  	[tilespmem:s26], [sflag:$0x1] =	stream.strided.gather [hbm4b:s8+s15], $0x1000, s16, s15, $0x38;
	[tilespmem:$0x15780] =	vst v63  }
0x83: {  	v31 =	vld [tilespmem:s5+$0x2];
	_ =	sdelay $0x4  }
0x84: {  	(v2sf) =	vpush v31, $0x0;
	_ =	sdelay $0xe  }
0x85: {  	s9 =	spop (v2sf)  }
0x86: {  	s8 =	sand.u32 $0xFFFFF80, s9  }
0x87: {  	s8 =	sadd.s32 s1, s8  }
0x88: {  	[tilespmem:s28], [sflag:$0x1] =	stream.strided.gather [hbm4b:s8+s15], $0x1000, s16, s15, $0x38;
	[tilespmem:$0x15780] =	vst v63  }
0x89: {  	v31 =	vld [tilespmem:s5+$0x3];
	_ =	sdelay $0x4  }
0x8a: {  	(v2sf) =	vpush v31, $0x0;
	_ =	sdelay $0xe  }
0x8b: {  	s13 =	spop (v2sf)  }
0x8c: {  	s8 =	sand.u32 $0xFFFFF80, s13  }
0x8d: {  	s8 =	sadd.s32 s1, s8  }
0x8e: {  	[tilespmem:s29], [sflag:$0x1] =	stream.strided.gather [hbm4b:s8+s15], $0x1000, s16, s15, $0x38;
	[tilespmem:$0x15780] =	vst v63  }
0x8f: {  	v31 =	vld [tilespmem:s5+$0x4];
	_ =	sdelay $0x4  }
0x90: {  	(v2sf) =	vpush v31, $0x0;
	_ =	sdelay $0xe  }
0x91: {  	s9 =	spop (v2sf)  }
0x92: {  	s8 =	sand.u32 $0xFFFFF80, s9  }
0x93: {  	s8 =	sadd.s32 s1, s8  }
0x94: {  	[tilespmem:s30], [sflag:$0x1] =	stream.strided.gather [hbm4b:s8+s15], $0x1000, s16, s15, $0x38;
	[tilespmem:$0x15780] =	vst v63  }
0x95: {  	v31 =	vld [tilespmem:s5+$0x5];
	_ =	sdelay $0x4  }
0x96: {  	(v2sf) =	vpush v31, $0x0;
	_ =	sdelay $0xe  }
0x97: {  	s13 =	spop (v2sf)  }
0x98: {  	s8 =	sand.u32 $0xFFFFF80, s13  }
0x99: {  	s8 =	sadd.s32 s1, s8  }
0x9a: {  	[tilespmem:s31], [sflag:$0x1] =	stream.strided.gather [hbm4b:s8+s15], $0x1000, s16, s15, $0x38;
	[tilespmem:$0x15780] =	vst v63  }
0x9b: {  	v31 =	vld [tilespmem:s5+$0x6];
	_ =	sdelay $0x4  }
0x9c: {  	(v2sf) =	vpush v31, $0x0;
	_ =	sdelay $0xe  }
0x9d: {  	s9 =	spop (v2sf)  }
0x9e: {  	s8 =	sand.u32 $0xFFFFF80, s9  }
0x9f: {  	s8 =	sadd.s32 s1, s8  }
0xa0: {  	[tilespmem:s0], [sflag:$0x1] =	stream.strided.gather [hbm4b:s8+s15], $0x1000, s16, s15, $0x38;
	[tilespmem:$0x15780] =	vst v63  }
0xa1: {  	v31 =	vld [tilespmem:s5+$0x7];
	_ =	sdelay $0x4  }
0xa2: {  	(v2sf) =	vpush v31, $0x0;
	_ =	sdelay $0xe  }
0xa3: {  	s13 =	spop (v2sf)  }
0xa4: {  	s8 =	sand.u32 $0xFFFFF80, s13  }
0xa5: {  	s8 =	sadd.s32 s1, s8  }
0xa6: {  	[tilespmem:s4], [sflag:$0x1] =	stream.strided.gather [hbm4b:s8+s15], $0x1000, s16, s15, $0x38;
	[tilespmem:$0x15780] =	vst v63  }
0xa7: {  	_ =	swait.ge [sflag:s12], $0x1000  }
0xa8: {  	[sflag:s12] =	ssyncset.done $0x0  }
0xa9: {  	[sflag:s12] =	ssyncadd.s32 $0xFFFFF000  }
0xaa: {  	_ =	swait.ge [sflag:s12], $0x1000  }
0xab: {  	[sflag:s12] =	ssyncset.done $0x0  }
0xac: {  	[sflag:s12] =	ssyncadd.s32 $0xFFFFF000  }
0xad: {  	_ =	swait.ge [sflag:s12], $0x1000  }
0xae: {  	[sflag:s12] =	ssyncset.done $0x0  }
0xaf: {  	[sflag:s12] =	ssyncadd.s32 $0xFFFFF000  }
0xb0: {  	_ =	swait.ge [sflag:s12], $0x1000  }
0xb1: {  	[sflag:s12] =	ssyncset.done $0x0  }
0xb2: {  	[sflag:s12] =	ssyncadd.s32 $0xFFFFF000  }
0xb3: {  	_ =	swait.ge [sflag:s12], $0x1000  }
0xb4: {  	[sflag:s12] =	ssyncset.done $0x0  }
0xb5: {  	[sflag:s12] =	ssyncadd.s32 $0xFFFFF000  }
0xb6: {  	_ =	swait.ge [sflag:s12], $0x1000  }
0xb7: {  	[sflag:s12] =	ssyncset.done $0x0  }
0xb8: {  	[sflag:s12] =	ssyncadd.s32 $0xFFFFF000  }
0xb9: {  	_ =	swait.ge [sflag:s12], $0x1000  }
0xba: {  	[sflag:s12] =	ssyncset.done $0x0  }
0xbb: {  	[sflag:s12] =	ssyncadd.s32 $0xFFFFF000  }
0xbc: {  	_ =	swait.ge [sflag:s12], $0x1000  }
0xbd: {  	[sflag:s12] =	ssyncset.done $0x0  }
0xbe: {  	[sflag:s12] =	ssyncadd.s32 $0xFFFFF000  }
0xbf: {  	_ =	swait.ge [sflag:s12], $0x1000  }
0xc0: {  	[sflag:s12] =	ssyncset.done $0x0  }
0xc1: {  	[sflag:s12] =	ssyncadd.s32 $0xFFFFF000  }
0xc2: {  	_ =	swait.ge [sflag:s12], $0x1000  }
0xc3: {  	[sflag:s12] =	ssyncset.done $0x0  }
0xc4: {  	[sflag:s12] =	ssyncadd.s32 $0xFFFFF000  }
0xc5: {  	_ =	swait.ge [sflag:s12], $0x1000  }
0xc6: {  	[sflag:s12] =	ssyncset.done $0x0  }
0xc7: {  	[sflag:s12] =	ssyncadd.s32 $0xFFFFF000  }
0xc8: {  	_ =	swait.ge [sflag:s12], $0x1000  }
0xc9: {  	[sflag:s12] =	ssyncset.done $0x0  }
0xca: {  	[sflag:s12] =	ssyncadd.s32 $0xFFFFF000  }
0xcb: {  	_ =	swait.ge [sflag:s12], $0x1000  }
0xcc: {  	[sflag:s12] =	ssyncset.done $0x0  }
0xcd: {  	[sflag:s12] =	ssyncadd.s32 $0xFFFFF000  }
0xce: {  	_ =	swait.ge [sflag:s12], $0x1000  }
0xcf: {  	[sflag:s12] =	ssyncset.done $0x0  }
0xd0: {  	[sflag:s12] =	ssyncadd.s32 $0xFFFFF000  }
0xd1: {  	_ =	swait.ge [sflag:s12], $0x1000  }
0xd2: {  	[sflag:s12] =	ssyncset.done $0x0  }
0xd3: {  	[sflag:s12] =	ssyncadd.s32 $0xFFFFF000  }
0xd4: {  	_ =	swait.ge [sflag:s12], $0x1000  }
0xd5: {  	[sflag:s12] =	ssyncset.done $0x0  }
0xd6: {  	[sflag:s12] =	ssyncadd.s32 $0xFFFFF000  }
0xd7: {  	v31 =	vld [tilespmem:s5+$0xFFFFFFF8];
	_ =	sdelay $0x4  }
0xd8: {  	v32 =	vand.u32 $0x7F, v31  }
0xd9: {  	v31 =	vor.u32 v0, v32;
	_ =	sdelay $0x4  }
0xda: {  	v31 =	vld.idx.msk [tilespmem:v31+s17+$0x0], $0xffff  }
0xdb: {  	v33 =	vor.u32 v34, v32;
	_ =	sdelay $0x1  }
0xdc: {  	s9 =	sand.u32 $0x70, s7;
	s13 =	sand.u32 $0xC00, s6  }
0xdd: {  	s8 =	sor.u32 s9, s13  }
0xde: {  	[tilespmem:s8+$0x10500] =	vst v31  }
0xdf: {  	v31 =	vld.idx.msk [tilespmem:v33+s17+$0x0], $0xffff  }
0xe0: {  	v33 =	vor.u32 v35, v32;
	_ =	sdelay $0x2  }
0xe1: {  	s13 =	sadd.s32 $0x10500, s8  }
0xe2: {  	[tilespmem:s13+$0x80] =	vst v31  }
0xe3: {  	v31 =	vld.idx.msk [tilespmem:v33+s17+$0x0], $0xffff  }
0xe4: {  	v33 =	vor.u32 v37, v32;
	_ =	sdelay $0x3  }
0xe5: {  	[tilespmem:s13+$0x100] =	vst v31  }
0xe6: {  	v31 =	vld.idx.msk [tilespmem:v33+s17+$0x0], $0xffff  }
0xe7: {  	v33 =	vor.u32 v39, v32;
	_ =	sdelay $0x3  }
0xe8: {  	[tilespmem:s13+$0x180] =	vst v31  }
0xe9: {  	v31 =	vld.idx.msk [tilespmem:v33+s17+$0x0], $0xffff  }
0xea: {  	v33 =	vor.u32 v41, v32;
	_ =	sdelay $0x3  }
0xeb: {  	[tilespmem:s13+$0x200] =	vst v31  }
0xec: {  	v31 =	vld.idx.msk [tilespmem:v33+s17+$0x0], $0xffff  }
0xed: {  	v33 =	vor.u32 v42, v32;
	_ =	sdelay $0x3  }
0xee: {  	[tilespmem:s13+$0x280] =	vst v31  }
0xef: {  	v31 =	vld.idx.msk [tilespmem:v33+s17+$0x0], $0xffff  }
0xf0: {  	v33 =	vor.u32 v46, v32;
	_ =	sdelay $0x3  }
0xf1: {  	[tilespmem:s13+$0x300] =	vst v31  }
0xf2: {  	v31 =	vld.idx.msk [tilespmem:v33+s17+$0x0], $0xffff  }
0xf3: {  	v33 =	vor.u32 v2, v32;
	_ =	sdelay $0x1  }
0xf4: {  	s9 =	sor.u32 s6, s7  }
0xf5: {  	s13 =	sor.u32 $0x380, s9  }
0xf6: {  	[tilespmem:s13+$0x10500] =	vst v31  }
0xf7: {  	v31 =	vld.idx.msk [tilespmem:v33+s17+$0x0], $0xffff  }
0xf8: {  	v33 =	vor.u32 v3, v32;
	_ =	sdelay $0x3  }
0xf9: {  	[tilespmem:s8+$0x11500] =	vst v31  }
0xfa: {  	v31 =	vld.idx.msk [tilespmem:v33+s17+$0x0], $0xffff  }
0xfb: {  	v33 =	vor.u32 v11, v32;
	_ =	sdelay $0x3  }
0xfc: {  	[tilespmem:s8+$0x11580] =	vst v31  }
0xfd: {  	v31 =	vld.idx.msk [tilespmem:v33+s17+$0x0], $0xffff  }
0xfe: {  	v33 =	vor.u32 v12, v32;
	_ =	sdelay $0x3  }
0xff: {  	[tilespmem:s8+$0x11600] =	vst v31  }
0x100: {  	v31 =	vld.idx.msk [tilespmem:v33+s17+$0x0], $0xffff  }
0x101: {  	v33 =	vor.u32 v13, v32;
	_ =	sdelay $0x3  }
0x102: {  	[tilespmem:s8+$0x11680] =	vst v31  }
0x103: {  	v31 =	vld.idx.msk [tilespmem:v33+s17+$0x0], $0xffff  }
0x104: {  	v33 =	vor.u32 v14, v32;
	_ =	sdelay $0x3  }
0x105: {  	[tilespmem:s8+$0x11700] =	vst v31  }
0x106: {  	v31 =	vld.idx.msk [tilespmem:v33+s17+$0x0], $0xffff  }
0x107: {  	v33 =	vor.u32 v15, v32;
	_ =	sdelay $0x3  }
0x108: {  	[tilespmem:s8+$0x11780] =	vst v31  }
0x109: {  	v31 =	vld.idx.msk [tilespmem:v33+s17+$0x0], $0xffff  }
0x10a: {  	v33 =	vor.u32 v16, v32;
	_ =	sdelay $0x3  }
0x10b: {  	[tilespmem:s8+$0x11800] =	vst v31  }
0x10c: {  	v31 =	vld.idx.msk [tilespmem:v33+s17+$0x0], $0xffff  }
0x10d: {  	v33 =	vor.u32 v17, v32;
	_ =	sdelay $0x3  }
0x10e: {  	[tilespmem:s8+$0x11880] =	vst v31  }
0x10f: {  	v31 =	vld.idx.msk [tilespmem:v33+s17+$0x0], $0xffff  }
0x110: {  	v33 =	vor.u32 v18, v32;
	_ =	sdelay $0x3  }
0x111: {  	[tilespmem:s8+$0x12500] =	vst v31  }
0x112: {  	v31 =	vld.idx.msk [tilespmem:v33+s17+$0x0], $0xffff  }
0x113: {  	v33 =	vor.u32 v60, v32;
	_ =	sdelay $0x3  }
0x114: {  	[tilespmem:s8+$0x12580] =	vst v31  }
0x115: {  	v31 =	vld.idx.msk [tilespmem:v33+s17+$0x0], $0xffff  }
0x116: {  	v33 =	vor.u32 v19, v32;
	_ =	sdelay $0x3  }
0x117: {  	[tilespmem:s8+$0x12600] =	vst v31  }
0x118: {  	v31 =	vld.idx.msk [tilespmem:v33+s17+$0x0], $0xffff  }
0x119: {  	v33 =	vor.u32 v20, v32;
	_ =	sdelay $0x3  }
0x11a: {  	[tilespmem:s8+$0x12680] =	vst v31  }
0x11b: {  	v31 =	vld.idx.msk [tilespmem:v33+s17+$0x0], $0xffff  }
0x11c: {  	v33 =	vor.u32 v21, v32;
	_ =	sdelay $0x3  }
0x11d: {  	[tilespmem:s8+$0x12700] =	vst v31  }
0x11e: {  	v31 =	vld.idx.msk [tilespmem:v33+s17+$0x0], $0xffff  }
0x11f: {  	v33 =	vor.u32 v22, v32;
	_ =	sdelay $0x3  }
0x120: {  	[tilespmem:s8+$0x12780] =	vst v31  }
0x121: {  	v31 =	vld.idx.msk [tilespmem:v33+s17+$0x0], $0xffff  }
0x122: {  	v33 =	vor.u32 v23, v32;
	_ =	sdelay $0x3  }
0x123: {  	[tilespmem:s8+$0x12800] =	vst v31  }
0x124: {  	v31 =	vld.idx.msk [tilespmem:v33+s17+$0x0], $0xffff  }
0x125: {  	v33 =	vor.u32 v24, v32;
	_ =	sdelay $0x3  }
0x126: {  	[tilespmem:s8+$0x12880] =	vst v31  }
0x127: {  	v31 =	vld.idx.msk [tilespmem:v33+s17+$0x0], $0xffff  }
0x128: {  	v33 =	vor.u32 v25, v32;
	_ =	sdelay $0x3  }
0x129: {  	[tilespmem:s8+$0x13500] =	vst v31  }
0x12a: {  	v31 =	vld.idx.msk [tilespmem:v33+s17+$0x0], $0xffff  }
0x12b: {  	v33 =	vor.u32 v26, v32;
	_ =	sdelay $0x3  }
0x12c: {  	[tilespmem:s8+$0x13580] =	vst v31  }
0x12d: {  	v31 =	vld.idx.msk [tilespmem:v33+s17+$0x0], $0xffff  }
0x12e: {  	v33 =	vor.u32 v27, v32;
	_ =	sdelay $0x3  }
0x12f: {  	[tilespmem:s8+$0x13600] =	vst v31  }
0x130: {  	v31 =	vld.idx.msk [tilespmem:v33+s17+$0x0], $0xffff  }
0x131: {  	v33 =	vor.u32 v28, v32;
	_ =	sdelay $0x3  }
0x132: {  	[tilespmem:s8+$0x13680] =	vst v31  }
0x133: {  	v31 =	vld.idx.msk [tilespmem:v33+s17+$0x0], $0xffff  }
0x134: {  	v33 =	vor.u32 v29, v32;
	_ =	sdelay $0x3  }
0x135: {  	[tilespmem:s8+$0x13700] =	vst v31  }
0x136: {  	v31 =	vld.idx.msk [tilespmem:v33+s17+$0x0], $0xffff  }
0x137: {  	v33 =	vor.u32 v30, v32;
	_ =	sdelay $0x3  }
0x138: {  	[tilespmem:s8+$0x13780] =	vst v31  }
0x139: {  	v31 =	vor.u32 $0xF80, v0;
	v33 =	vld.idx.msk [tilespmem:v33+s17+$0x0], $0xffff  }
0x13a: {  	v32 =	vor.u32 v31, v32;
	_ =	sdelay $0x3  }
0x13b: {  	[tilespmem:s8+$0x13800] =	vst v33  }
0x13c: {  	p0 =	sne.s32 s7, $0x1F0;
	v32 =	vld.idx.msk [tilespmem:v32+s17+$0x0], $0xffff  }
.Ltmp0:
0x13d: {  	_ = 	snop;
	(pc) =	sbr.rel @p0 .LBB2_2-.Ltmp0, $2  }
0x13e: {  	_ =	sdelay $0x2  }
0x13f: {  	s6 =	sadd.s32 $0x80, s6;
	s7 =	sadd.s32 $0x10, s7;
	s5 =	sadd.s32 $0x10, s5;
	[tilespmem:s8+$0x13880] =	vst v32  }
0x140: {  	[tilespmem:$0x1FF00] =	vst v7  }
0x141: {  	[tilespmem:$0x1FF10] =	vst v8  }
0x142: {  	[tilespmem:$0x1FF20] =	vst v9  }
0x143: {  	[tilespmem:$0x1FF30] =	vst v10  }
0x144: {  	[tilespmem:$0x1FF40] =	vst v36  }
0x145: {  	[tilespmem:$0x1FF50] =	vst v38  }
0x146: {  	[tilespmem:$0x1FF60] =	vst v54  }
0x147: {  	[tilespmem:$0x1FF70] =	vst v56  }
0x148: {  	[tilespmem:$0x1FF80] =	vst v4  }
0x149: {  	s13 =	simm.s32 $0x0;
	[tilespmem:$0x1FF90] =	vst v5  }
0x14a: {  	s5 =	simm.s32 $0x15580;
	s6 =	simm.s32 $0x288;
	s7 =	simm.s32 $0x0;
	[tilespmem:$0x1FFA0] =	vst v6;
	v9 =	vmov v2;
	v10 =	vmov v3  }
.LBB2_4:
0x14b: {  	v32 =	vld [tilespmem:s6+$0xFFFFFFF8];
	_ =	sdelay $0x4  }
0x14c: {  	(v2sf) =	vpush v32, $0x0;
	_ =	sdelay $0xe  }
0x14d: {  	s8 =	spop (v2sf)  }
0x14e: {  	s8 =	sand.u32 $0xFFFFF80, s8  }
0x14f: {  	s8 =	sadd.s32 s2, s8  }
0x150: {  	[tilespmem:s17], [sflag:$0x1] =	stream.strided.gather [hbm4b:s8+s15], $0x1000, s16, s15, $0x38;
	[tilespmem:$0x15780] =	vst v63  }
0x151: {  	v54 =	vld [tilespmem:s6+$0xFFFFFFF9];
	_ =	sdelay $0x4  }
0x152: {  	(v2sf) =	vpush v54, $0x0;
	_ =	sdelay $0xe  }
0x153: {  	s9 =	spop (v2sf)  }
0x154: {  	s8 =	sand.u32 $0xFFFFF80, s9  }
0x155: {  	s8 =	sadd.s32 s2, s8  }
0x156: {  	[tilespmem:s18], [sflag:$0x1] =	stream.strided.gather [hbm4b:s8+s15], $0x1000, s16, s15, $0x38;
	[tilespmem:$0x15780] =	vst v63  }
0x157: {  	v56 =	vld [tilespmem:s6+$0xFFFFFFFA];
	_ =	sdelay $0x4  }
0x158: {  	(v2sf) =	vpush v56, $0x0;
	_ =	sdelay $0xe  }
0x159: {  	s9 =	spop (v2sf)  }
0x15a: {  	s8 =	sand.u32 $0xFFFFF80, s9  }
0x15b: {  	s8 =	sadd.s32 s2, s8  }
0x15c: {  	[tilespmem:s19], [sflag:$0x1] =	stream.strided.gather [hbm4b:s8+s15], $0x1000, s16, s15, $0x38;
	[tilespmem:$0x15780] =	vst v63  }
0x15d: {  	v4 =	vld [tilespmem:s6+$0xFFFFFFFB];
	_ =	sdelay $0x4  }
0x15e: {  	(v2sf) =	vpush v4, $0x0;
	_ =	sdelay $0xe  }
0x15f: {  	s9 =	spop (v2sf)  }
0x160: {  	s8 =	sand.u32 $0xFFFFF80, s9  }
0x161: {  	s8 =	sadd.s32 s2, s8  }
0x162: {  	[tilespmem:s20], [sflag:$0x1] =	stream.strided.gather [hbm4b:s8+s15], $0x1000, s16, s15, $0x38;
	[tilespmem:$0x15780] =	vst v63  }
0x163: {  	v5 =	vld [tilespmem:s6+$0xFFFFFFFC];
	_ =	sdelay $0x4  }
0x164: {  	(v2sf) =	vpush v5, $0x0;
	_ =	sdelay $0xe  }
0x165: {  	s9 =	spop (v2sf)  }
0x166: {  	s8 =	sand.u32 $0xFFFFF80, s9  }
0x167: {  	s8 =	sadd.s32 s2, s8  }
0x168: {  	[tilespmem:s21], [sflag:$0x1] =	stream.strided.gather [hbm4b:s8+s15], $0x1000, s16, s15, $0x38;
	[tilespmem:$0x15780] =	vst v63  }
0x169: {  	v6 =	vld [tilespmem:s6+$0xFFFFFFFD];
	_ =	sdelay $0x4  }
0x16a: {  	(v2sf) =	vpush v6, $0x0;
	_ =	sdelay $0xe  }
0x16b: {  	s9 =	spop (v2sf)  }
0x16c: {  	s8 =	sand.u32 $0xFFFFF80, s9  }
0x16d: {  	s8 =	sadd.s32 s2, s8  }
0x16e: {  	[tilespmem:s22], [sflag:$0x1] =	stream.strided.gather [hbm4b:s8+s15], $0x1000, s16, s15, $0x38;
	[tilespmem:$0x15780] =	vst v63  }
0x16f: {  	v7 =	vld [tilespmem:s6+$0xFFFFFFFE];
	_ =	sdelay $0x4  }
0x170: {  	(v2sf) =	vpush v7, $0x0;
	_ =	sdelay $0xe  }
0x171: {  	s9 =	spop (v2sf)  }
0x172: {  	s8 =	sand.u32 $0xFFFFF80, s9  }
0x173: {  	s8 =	sadd.s32 s2, s8  }
0x174: {  	[tilespmem:s23], [sflag:$0x1] =	stream.strided.gather [hbm4b:s8+s15], $0x1000, s16, s15, $0x38;
	[tilespmem:$0x15780] =	vst v63  }
0x175: {  	v36 =	vld [tilespmem:s6+$0xFFFFFFFF];
	_ =	sdelay $0x4  }
0x176: {  	(v2sf) =	vpush v36, $0x0;
	_ =	sdelay $0xe  }
0x177: {  	s9 =	spop (v2sf)  }
0x178: {  	s8 =	sand.u32 $0xFFFFF80, s9  }
0x179: {  	s8 =	sadd.s32 s2, s8  }
0x17a: {  	[tilespmem:s24], [sflag:$0x1] =	stream.strided.gather [hbm4b:s8+s15], $0x1000, s16, s15, $0x38;
	[tilespmem:$0x15780] =	vst v63  }
0x17b: {  	v38 =	vld [tilespmem:s6+$0x0];
	_ =	sdelay $0x4  }
0x17c: {  	(v2sf) =	vpush v38, $0x0;
	_ =	sdelay $0xe  }
0x17d: {  	s9 =	spop (v2sf)  }
0x17e: {  	s8 =	sand.u32 $0xFFFFF80, s9  }
0x17f: {  	s8 =	sadd.s32 s2, s8  }
0x180: {  	[tilespmem:s25], [sflag:$0x1] =	stream.strided.gather [hbm4b:s8+s15], $0x1000, s16, s15, $0x38;
	[tilespmem:$0x15780] =	vst v63  }
0x181: {  	v54 =	vld [tilespmem:s6+$0x1];
	_ =	sdelay $0x4  }
0x182: {  	(v2sf) =	vpush v54, $0x0;
	_ =	sdelay $0xe  }
0x183: {  	s9 =	spop (v2sf)  }
0x184: {  	s8 =	sand.u32 $0xFFFFF80, s9  }
0x185: {  	s8 =	sadd.s32 s2, s8  }
0x186: {  	[tilespmem:s26], [sflag:$0x1] =	stream.strided.gather [hbm4b:s8+s15], $0x1000, s16, s15, $0x38;
	[tilespmem:$0x15780] =	vst v63  }
0x187: {  	v56 =	vld [tilespmem:s6+$0x2];
	_ =	sdelay $0x4  }
0x188: {  	(v2sf) =	vpush v56, $0x0;
	_ =	sdelay $0xe  }
0x189: {  	s9 =	spop (v2sf)  }
0x18a: {  	s8 =	sand.u32 $0xFFFFF80, s9  }
0x18b: {  	s8 =	sadd.s32 s2, s8  }
0x18c: {  	[tilespmem:s28], [sflag:$0x1] =	stream.strided.gather [hbm4b:s8+s15], $0x1000, s16, s15, $0x38;
	[tilespmem:$0x15780] =	vst v63  }
0x18d: {  	v4 =	vld [tilespmem:s6+$0x3];
	_ =	sdelay $0x4  }
0x18e: {  	(v2sf) =	vpush v4, $0x0;
	_ =	sdelay $0xe  }
0x18f: {  	s9 =	spop (v2sf)  }
0x190: {  	s8 =	sand.u32 $0xFFFFF80, s9  }
0x191: {  	s8 =	sadd.s32 s2, s8  }
0x192: {  	[tilespmem:s29], [sflag:$0x1] =	stream.strided.gather [hbm4b:s8+s15], $0x1000, s16, s15, $0x38;
	[tilespmem:$0x15780] =	vst v63  }
0x193: {  	v5 =	vld [tilespmem:s6+$0x4];
	_ =	sdelay $0x4  }
0x194: {  	(v2sf) =	vpush v5, $0x0;
	_ =	sdelay $0xe  }
0x195: {  	s9 =	spop (v2sf)  }
0x196: {  	s8 =	sand.u32 $0xFFFFF80, s9  }
0x197: {  	s8 =	sadd.s32 s2, s8  }
0x198: {  	[tilespmem:s30], [sflag:$0x1] =	stream.strided.gather [hbm4b:s8+s15], $0x1000, s16, s15, $0x38;
	[tilespmem:$0x15780] =	vst v63  }
0x199: {  	v6 =	vld [tilespmem:s6+$0x5];
	_ =	sdelay $0x4  }
0x19a: {  	(v2sf) =	vpush v6, $0x0;
	_ =	sdelay $0xe  }
0x19b: {  	s9 =	spop (v2sf)  }
0x19c: {  	s8 =	sand.u32 $0xFFFFF80, s9  }
0x19d: {  	s8 =	sadd.s32 s2, s8  }
0x19e: {  	[tilespmem:s31], [sflag:$0x1] =	stream.strided.gather [hbm4b:s8+s15], $0x1000, s16, s15, $0x38;
	[tilespmem:$0x15780] =	vst v63  }
0x19f: {  	v7 =	vld [tilespmem:s6+$0x6];
	_ =	sdelay $0x4  }
0x1a0: {  	(v2sf) =	vpush v7, $0x0;
	_ =	sdelay $0xe  }
0x1a1: {  	s9 =	spop (v2sf)  }
0x1a2: {  	s8 =	sand.u32 $0xFFFFF80, s9  }
0x1a3: {  	s8 =	sadd.s32 s2, s8  }
0x1a4: {  	[tilespmem:s0], [sflag:$0x1] =	stream.strided.gather [hbm4b:s8+s15], $0x1000, s16, s15, $0x38;
	[tilespmem:$0x15780] =	vst v63  }
0x1a5: {  	v36 =	vld [tilespmem:s6+$0x7];
	_ =	sdelay $0x4  }
0x1a6: {  	(v2sf) =	vpush v36, $0x0;
	_ =	sdelay $0xe  }
0x1a7: {  	s9 =	spop (v2sf)  }
0x1a8: {  	s8 =	sand.u32 $0xFFFFF80, s9  }
0x1a9: {  	s8 =	sadd.s32 s2, s8  }
0x1aa: {  	[tilespmem:s4], [sflag:$0x1] =	stream.strided.gather [hbm4b:s8+s15], $0x1000, s16, s15, $0x38;
	[tilespmem:$0x15780] =	vst v63  }
0x1ab: {  	_ =	swait.ge [sflag:s12], $0x1000  }
0x1ac: {  	[sflag:s12] =	ssyncset.done $0x0  }
0x1ad: {  	[sflag:s12] =	ssyncadd.s32 $0xFFFFF000  }
0x1ae: {  	_ =	swait.ge [sflag:s12], $0x1000  }
0x1af: {  	[sflag:s12] =	ssyncset.done $0x0  }
0x1b0: {  	[sflag:s12] =	ssyncadd.s32 $0xFFFFF000  }
0x1b1: {  	_ =	swait.ge [sflag:s12], $0x1000  }
0x1b2: {  	[sflag:s12] =	ssyncset.done $0x0  }
0x1b3: {  	[sflag:s12] =	ssyncadd.s32 $0xFFFFF000  }
0x1b4: {  	_ =	swait.ge [sflag:s12], $0x1000  }
0x1b5: {  	[sflag:s12] =	ssyncset.done $0x0  }
0x1b6: {  	[sflag:s12] =	ssyncadd.s32 $0xFFFFF000  }
0x1b7: {  	_ =	swait.ge [sflag:s12], $0x1000  }
0x1b8: {  	[sflag:s12] =	ssyncset.done $0x0  }
0x1b9: {  	[sflag:s12] =	ssyncadd.s32 $0xFFFFF000  }
0x1ba: {  	_ =	swait.ge [sflag:s12], $0x1000  }
0x1bb: {  	[sflag:s12] =	ssyncset.done $0x0  }
0x1bc: {  	[sflag:s12] =	ssyncadd.s32 $0xFFFFF000  }
0x1bd: {  	_ =	swait.ge [sflag:s12], $0x1000  }
0x1be: {  	[sflag:s12] =	ssyncset.done $0x0  }
0x1bf: {  	[sflag:s12] =	ssyncadd.s32 $0xFFFFF000  }
0x1c0: {  	_ =	swait.ge [sflag:s12], $0x1000  }
0x1c1: {  	[sflag:s12] =	ssyncset.done $0x0  }
0x1c2: {  	[sflag:s12] =	ssyncadd.s32 $0xFFFFF000  }
0x1c3: {  	_ =	swait.ge [sflag:s12], $0x1000  }
0x1c4: {  	[sflag:s12] =	ssyncset.done $0x0  }
0x1c5: {  	[sflag:s12] =	ssyncadd.s32 $0xFFFFF000  }
0x1c6: {  	_ =	swait.ge [sflag:s12], $0x1000  }
0x1c7: {  	[sflag:s12] =	ssyncset.done $0x0  }
0x1c8: {  	[sflag:s12] =	ssyncadd.s32 $0xFFFFF000  }
0x1c9: {  	_ =	swait.ge [sflag:s12], $0x1000  }
0x1ca: {  	[sflag:s12] =	ssyncset.done $0x0  }
0x1cb: {  	[sflag:s12] =	ssyncadd.s32 $0xFFFFF000  }
0x1cc: {  	_ =	swait.ge [sflag:s12], $0x1000  }
0x1cd: {  	[sflag:s12] =	ssyncset.done $0x0  }
0x1ce: {  	[sflag:s12] =	ssyncadd.s32 $0xFFFFF000  }
0x1cf: {  	_ =	swait.ge [sflag:s12], $0x1000  }
0x1d0: {  	[sflag:s12] =	ssyncset.done $0x0  }
0x1d1: {  	[sflag:s12] =	ssyncadd.s32 $0xFFFFF000  }
0x1d2: {  	_ =	swait.ge [sflag:s12], $0x1000  }
0x1d3: {  	[sflag:s12] =	ssyncset.done $0x0  }
0x1d4: {  	[sflag:s12] =	ssyncadd.s32 $0xFFFFF000  }
0x1d5: {  	_ =	swait.ge [sflag:s12], $0x1000  }
0x1d6: {  	[sflag:s12] =	ssyncset.done $0x0  }
0x1d7: {  	[sflag:s12] =	ssyncadd.s32 $0xFFFFF000  }
0x1d8: {  	_ =	swait.ge [sflag:s12], $0x1000  }
0x1d9: {  	[sflag:s12] =	ssyncset.done $0x0  }
0x1da: {  	[sflag:s12] =	ssyncadd.s32 $0xFFFFF000  }
0x1db: {  	v38 =	vld [tilespmem:s6+$0xFFFFFFF8];
	_ =	sdelay $0x4  }
0x1dc: {  	v32 =	vand.u32 $0x7F, v38  }
0x1dd: {  	v33 =	vor.u32 v0, v32;
	_ =	sdelay $0x1  }
0x1de: {  	s9 =	sand.u32 $0xC00, s13;
	s8 =	sand.u32 $0x70, s7;
	v54 =	vor.u32 v34, v32  }
0x1df: {  	s8 =	sor.u32 s8, s9  }
0x1e0: {  	v36 =	vld [tilespmem:s8+$0x10500]  }
0x1e1: {  	s9 =	sadd.s32 $0x10500, s8;
	v33 =	vld.idx.msk [tilespmem:v33+s17+$0x0], $0xffff  }
0x1e2: {  	v38 =	vld [tilespmem:s9+$0x80]  }
0x1e3: {  	v2 =	vmov v34;
	v34 =	vld.idx.msk [tilespmem:v54+s17+$0x0], $0xffff  }
0x1e4: {  	v56 =	vor.u32 v35, v32;
	_ =	sdelay $0x1  }
0x1e5: {  	v33 =	vmul.f32 v36, v33;
	_ =	sdelay $0x1  }
0x1e6: {  	v34 =	vmul.f32 v38, v34;
	v33 =	vmul.f32 v33, v43  }
0x1e7: {  	v3 =	vmov v35;
	v35 =	vld.idx.msk [tilespmem:v56+s17+$0x0], $0xffff  }
0x1e8: {  	v56 =	vmovc v55;
	v55 =	vmov v40;
	v40 =	vld [tilespmem:s9+$0x100];
	v34 =	vmul.f32 v34, v44;
	v33 =	vadd.f32 $0.0e+00, v33  }
0x1e9: {  	v4 =	vmov v37;
	v37 =	vor.u32 v37, v32  }
0x1ea: {  	v33 =	vadd.f32 v34, v33;
	v34 =	vld [tilespmem:$0x1FFB0];
	_ =	sdelay $0x2  }
0x1eb: {  	v35 =	vmul.f32 v40, v35  }
0x1ec: {  	v36 =	vld.idx.msk [tilespmem:v37+s17+$0x0], $0xffff  }
0x1ed: {  	v37 =	vld [tilespmem:s9+$0x180];
	v34 =	vmul.f32 v35, v34  }
0x1ee: {  	v5 =	vmov v39;
	v39 =	vor.u32 v39, v32  }
0x1ef: {  	v33 =	vadd.f32 v34, v33;
	v34 =	vld [tilespmem:$0x1FFC0];
	_ =	sdelay $0x2  }
0x1f0: {  	v35 =	vmul.f32 v37, v36  }
0x1f1: {  	v38 =	vld.idx.msk [tilespmem:v39+s17+$0x0], $0xffff  }
0x1f2: {  	v39 =	vld [tilespmem:s9+$0x200];
	v34 =	vmul.f32 v35, v34  }
0x1f3: {  	v6 =	vmov v41;
	v41 =	vor.u32 v41, v32  }
0x1f4: {  	v33 =	vadd.f32 v34, v33;
	v34 =	vld [tilespmem:$0x1FFD0];
	_ =	sdelay $0x2  }
0x1f5: {  	v35 =	vmul.f32 v39, v38  }
0x1f6: {  	v40 =	vld.idx.msk [tilespmem:v41+s17+$0x0], $0xffff  }
0x1f7: {  	v41 =	vld [tilespmem:s9+$0x280];
	v34 =	vmul.f32 v35, v34  }
0x1f8: {  	v7 =	vmov v42;
	v42 =	vor.u32 v42, v32  }
0x1f9: {  	v33 =	vadd.f32 v34, v33;
	v34 =	vld [tilespmem:$0x1FF00];
	_ =	sdelay $0x2  }
0x1fa: {  	v35 =	vmul.f32 v41, v40  }
0x1fb: {  	v36 =	vld.idx.msk [tilespmem:v42+s17+$0x0], $0xffff  }
0x1fc: {  	v37 =	vld [tilespmem:s9+$0x300];
	v34 =	vmul.f32 v35, v34  }
0x1fd: {  	v54 =	vmovc v53;
	v53 =	vmovc v52;
	v52 =	vmov v45;
	v45 =	vmov v43;
	v43 =	vor.u32 v46, v32  }
0x1fe: {  	v33 =	vadd.f32 v34, v33;
	v34 =	vld [tilespmem:$0x1FF10];
	_ =	sdelay $0x2  }
0x1ff: {  	s9 =	sor.u32 s13, s7;
	v35 =	vmul.f32 v37, v36  }
0x200: {  	s9 =	sor.u32 $0x380, s9;
	v38 =	vld.idx.msk [tilespmem:v43+s17+$0x0], $0xffff  }
0x201: {  	v39 =	vld [tilespmem:s9+$0x10500];
	v34 =	vmul.f32 v35, v34  }
0x202: {  	v8 =	vmov v46;
	v46 =	vmov v44;
	v44 =	vor.u32 v9, v32  }
0x203: {  	v33 =	vadd.f32 v34, v33;
	v34 =	vld [tilespmem:$0x1FF20];
	_ =	sdelay $0x2  }
0x204: {  	v35 =	vmul.f32 v39, v38  }
0x205: {  	v40 =	vld.idx.msk [tilespmem:v44+s17+$0x0], $0xffff  }
0x206: {  	v41 =	vld [tilespmem:s8+$0x11500];
	v34 =	vmul.f32 v35, v34  }
0x207: {  	v42 =	vor.u32 v10, v32  }
0x208: {  	v33 =	vadd.f32 v34, v33;
	v34 =	vld [tilespmem:$0x1FF30];
	_ =	sdelay $0x2  }
0x209: {  	v35 =	vmul.f32 v41, v40  }
0x20a: {  	v36 =	vld.idx.msk [tilespmem:v42+s17+$0x0], $0xffff  }
0x20b: {  	v37 =	vld [tilespmem:s8+$0x11580];
	v34 =	vmul.f32 v35, v34  }
0x20c: {  	v43 =	vor.u32 v11, v32  }
0x20d: {  	v33 =	vadd.f32 v34, v33;
	v34 =	vld [tilespmem:$0x1FF40];
	_ =	sdelay $0x2  }
0x20e: {  	v35 =	vmul.f32 v37, v36  }
0x20f: {  	v38 =	vld.idx.msk [tilespmem:v43+s17+$0x0], $0xffff  }
0x210: {  	v39 =	vld [tilespmem:s8+$0x11600];
	v34 =	vmul.f32 v35, v34  }
0x211: {  	v44 =	vor.u32 v12, v32  }
0x212: {  	v33 =	vadd.f32 v34, v33;
	v34 =	vld [tilespmem:$0x1FF50];
	_ =	sdelay $0x2  }
0x213: {  	v35 =	vmul.f32 v39, v38  }
0x214: {  	v40 =	vld.idx.msk [tilespmem:v44+s17+$0x0], $0xffff  }
0x215: {  	v41 =	vld [tilespmem:s8+$0x11680];
	v34 =	vmul.f32 v35, v34  }
0x216: {  	v42 =	vor.u32 v13, v32  }
0x217: {  	v33 =	vadd.f32 v34, v33;
	v34 =	vld [tilespmem:$0x1FF60];
	_ =	sdelay $0x2  }
0x218: {  	v35 =	vmul.f32 v41, v40  }
0x219: {  	v36 =	vld.idx.msk [tilespmem:v42+s17+$0x0], $0xffff  }
0x21a: {  	v37 =	vld [tilespmem:s8+$0x11700];
	v34 =	vmul.f32 v35, v34  }
0x21b: {  	v43 =	vor.u32 v14, v32  }
0x21c: {  	v33 =	vadd.f32 v34, v33;
	v34 =	vld [tilespmem:$0x1FF70];
	_ =	sdelay $0x2  }
0x21d: {  	v35 =	vmul.f32 v37, v36  }
0x21e: {  	v38 =	vld.idx.msk [tilespmem:v43+s17+$0x0], $0xffff  }
0x21f: {  	v39 =	vld [tilespmem:s8+$0x11780];
	v34 =	vmul.f32 v35, v34  }
0x220: {  	v44 =	vor.u32 v15, v32  }
0x221: {  	v33 =	vadd.f32 v34, v33;
	v34 =	vld [tilespmem:$0x1FF80];
	_ =	sdelay $0x2  }
0x222: {  	v35 =	vmul.f32 v39, v38  }
0x223: {  	v40 =	vld.idx.msk [tilespmem:v44+s17+$0x0], $0xffff  }
0x224: {  	v42 =	vor.u32 v16, v32;
	v41 =	vld [tilespmem:s8+$0x11800];
	v34 =	vmul.f32 v35, v34;
	_ =	sdelay $0x1  }
0x225: {  	v43 =	vor.u32 v17, v32;
	v33 =	vadd.f32 v34, v33;
	v34 =	vld [tilespmem:$0x1FF90];
	_ =	sdelay $0x2  }
0x226: {  	v44 =	vor.u32 v18, v32;
	v36 =	vld.idx.msk [tilespmem:v42+s17+$0x0], $0xffff;
	v35 =	vmul.f32 v41, v40  }
0x227: {  	v37 =	vld [tilespmem:s8+$0x11880]  }
0x228: {  	v42 =	vor.u32 v60, v32;
	v38 =	vld.idx.msk [tilespmem:v43+s17+$0x0], $0xffff;
	v34 =	vmul.f32 v35, v34  }
0x229: {  	v39 =	vld [tilespmem:s8+$0x12500]  }
0x22a: {  	v43 =	vor.u32 v19, v32;
	v33 =	vadd.f32 v34, v33;
	v34 =	vld [tilespmem:$0x1FFA0]  }
0x22b: {  	v40 =	vld.idx.msk [tilespmem:v44+s17+$0x0], $0xffff  }
0x22c: {  	v41 =	vld [tilespmem:s8+$0x12580];
	v44 =	vor.u32 v20, v32  }
0x22d: {  	v35 =	vmul.f32 v37, v36;
	v36 =	vld.idx.msk [tilespmem:v42+s17+$0x0], $0xffff  }
0x22e: {  	v37 =	vld [tilespmem:s8+$0x12600];
	v42 =	vor.u32 v21, v32  }
0x22f: {  	v34 =	vmul.f32 v35, v34;
	v35 =	vmul.f32 v39, v38;
	v38 =	vld.idx.msk [tilespmem:v43+s17+$0x0], $0xffff  }
0x230: {  	v39 =	vld [tilespmem:s8+$0x12680];
	v43 =	vor.u32 v22, v32  }
0x231: {  	v33 =	vadd.f32 v34, v33;
	v34 =	vmul.f32 v35, v61;
	v35 =	vmul.f32 v41, v40;
	v40 =	vld.idx.msk [tilespmem:v44+s17+$0x0], $0xffff  }
0x232: {  	v41 =	vld [tilespmem:s8+$0x12700];
	v44 =	vor.u32 v23, v32  }
0x233: {  	v33 =	vadd.f32 v34, v33;
	v34 =	vmul.f32 v35, v62;
	v35 =	vmul.f32 v37, v36;
	v36 =	vld.idx.msk [tilespmem:v42+s17+$0x0], $0xffff  }
0x234: {  	v37 =	vld [tilespmem:s8+$0x12780];
	v42 =	vor.u32 v24, v32  }
0x235: {  	v33 =	vadd.f32 v34, v33;
	v34 =	vmul.f32 v35, v63;
	v35 =	vmul.f32 v39, v38;
	v38 =	vld.idx.msk [tilespmem:v43+s17+$0x0], $0xffff  }
0x236: {  	v39 =	vld [tilespmem:s8+$0x12800];
	v43 =	vor.u32 v25, v32  }
0x237: {  	v33 =	vadd.f32 v34, v33;
	v34 =	vmul.f32 v35, v1;
	v35 =	vmul.f32 v41, v40;
	v40 =	vld.idx.msk [tilespmem:v44+s17+$0x0], $0xffff  }
0x238: {  	v41 =	vld [tilespmem:s8+$0x12880];
	v44 =	vor.u32 v26, v32  }
0x239: {  	v33 =	vadd.f32 v34, v33;
	v34 =	vmul.f32 v35, v47;
	v35 =	vmul.f32 v37, v36;
	v36 =	vld.idx.msk [tilespmem:v42+s17+$0x0], $0xffff  }
0x23a: {  	v37 =	vld [tilespmem:s8+$0x13500];
	v42 =	vor.u32 v27, v32  }
0x23b: {  	v33 =	vadd.f32 v34, v33;
	v34 =	vmul.f32 v35, v48;
	v35 =	vmul.f32 v39, v38;
	v38 =	vld.idx.msk [tilespmem:v43+s17+$0x0], $0xffff  }
0x23c: {  	v39 =	vld [tilespmem:s8+$0x13580];
	v43 =	vor.u32 v28, v32  }
0x23d: {  	v33 =	vadd.f32 v34, v33;
	v34 =	vmul.f32 v35, v49;
	v35 =	vmul.f32 v41, v40;
	v40 =	vld.idx.msk [tilespmem:v44+s17+$0x0], $0xffff  }
0x23e: {  	v41 =	vld [tilespmem:s8+$0x13600];
	v44 =	vor.u32 v29, v32  }
0x23f: {  	v33 =	vadd.f32 v34, v33;
	v34 =	vmul.f32 v35, v50;
	v35 =	vmul.f32 v37, v36;
	v36 =	vld.idx.msk [tilespmem:v42+s17+$0x0], $0xffff  }
0x240: {  	v37 =	vld [tilespmem:s8+$0x13680];
	v42 =	vor.u32 v30, v32  }
0x241: {  	v33 =	vadd.f32 v34, v33;
	v34 =	vmul.f32 v35, v51;
	v35 =	vmul.f32 v39, v38;
	v38 =	vld.idx.msk [tilespmem:v43+s17+$0x0], $0xffff  }
0x242: {  	v32 =	vor.u32 v31, v32;
	v43 =	vmov v45;
	v45 =	vmov v52;
	v39 =	vld [tilespmem:s8+$0x13700]  }
0x243: {  	v33 =	vadd.f32 v34, v33;
	v34 =	vmul.f32 v35, v45;
	v35 =	vmul.f32 v41, v40;
	v40 =	vld.idx.msk [tilespmem:v44+s17+$0x0], $0xffff  }
0x244: {  	v41 =	vld [tilespmem:s8+$0x13780]  }
0x245: {  	v52 =	vmov v53  }
0x246: {  	v33 =	vadd.f32 v34, v33;
	v34 =	vmul.f32 v35, v52;
	v35 =	vmul.f32 v37, v36;
	v36 =	vld.idx.msk [tilespmem:v42+s17+$0x0], $0xffff  }
0x247: {  	v53 =	vmov v54;
	v37 =	vld [tilespmem:s8+$0x13800]  }
0x248: {  	v32 =	vld.idx.msk [tilespmem:v32+s17+$0x0], $0xffff;
	v33 =	vadd.f32 v34, v33;
	v54 =	vmul.f32 v35, v54;
	v35 =	vmul.f32 v39, v38  }
0x249: {  	v42 =	vmovc v7;
	v39 =	vmov v5;
	v5 =	vld [tilespmem:s8+$0x13880];
	v7 =	vmul.f32 v41, v40;
	v40 =	vmov v55  }
0x24a: {  	v33 =	vadd.f32 v54, v33;
	v35 =	vmul.f32 v35, v40;
	_ =	sdelay $0x1  }
0x24b: {  	v54 =	vmul.f32 v37, v36;
	v34 =	vmul.f32 v7, v56;
	v33 =	vadd.f32 v35, v33;
	_ =	sdelay $0x1  }
0x24c: {  	v55 =	vmovc v56;
	v32 =	vmul.f32 v5, v32;
	v56 =	vmul.f32 v54, v57;
	v33 =	vadd.f32 v34, v33;
	_ =	sdelay $0x1  }
0x24d: {  	v32 =	vmul.f32 v32, v58;
	v33 =	vadd.f32 v56, v33;
	_ =	sdelay $0x1  }
0x24e: {  	v32 =	vadd.f32 v32, v33;
	_ =	sdelay $0x1  }
0x24f: {  	v32 =	vadd.f32 v32, v59;
	_ =	sdelay $0x1  }
0x250: {  	v32 =	vsub.f32 $0.0e+00, v32;
	_ =	sdelay $0x1  }
0x251: {  	v32 =	vmul.f32 $1.442695020e+00, v32;
	_ =	sdelay $0x1  }
0x252: {  	(erf) = vpow2.f32 v32;
	_ =	sdelay $0x8  }
0x253: {  	v32 =	vpop (erf)  }
0x254: {  	v32 =	vadd.f32 $1.000000000e+00, v32;
	_ =	sdelay $0x1  }
0x255: {  	(erf) = vrcp.f32 v32;
	_ =	sdelay $0x4  }
0x256: {  	p0 =	sne.s32 s7, $0x1F0  }
.Ltmp1:
0x257: {  	_ = 	snop;
	(pc) =	sbr.rel @p0 .LBB2_4-.Ltmp1, $3  }
0x258: {  	_ =	sdelay $0x1  }
0x259: {  	s6 =	sadd.s32 $0x10, s6;
	v44 =	vmov v46;
	v32 =	vpop (erf)  }
0x25a: {  	s13 =	sadd.s32 $0x80, s13;
	s7 =	sadd.s32 $0x10, s7;
	v46 =	vmovc v8;
	v41 =	vmovc v6;
	v37 =	vmov v4;
	v35 =	vmov v3;
	v34 =	vmov v2;
	[tilespmem:s5+$0x0] =	vst v32;
	s5 =	sadd.s32 $0x10, s5  }
0x25b: {  	s14 =	sadd.s32 $0x1, s14  }
0x25c: {  	p0 =	sne.s32 s14, s10  }
.Ltmp2:
0x25d: {  	s5 =	rddreg [dreg:$0xb];
	s6 =	simm.s32 $0x15580;
	(pc) =	sbr.rel @p0 .LBB2_1-.Ltmp2, $4  }
0x25e: {  	[hbm4b:s5+s3] =	stream.linear.scatter [tilespmem:s6], [sflag:$0x2], $0x200, $0x38;
	[tilespmem:$0x15780] =	vst v63  }
0x25f: {  	_ =	swait.ge [sflag:s11], $0x200  }
0x260: {  	[sflag:s11] =	ssyncset.done $0x0  }
0x261: {  	v2 =	vmov v9;
	v3 =	vmov v10;
	[sflag:s11] =	ssyncadd.s32 $0xFFFFFE00  }
0x262: {  	_ =	sfence.sel $0x180000  }
0x263: {  	[bflag:$0x0] =	sbarrier.arrive $0xFFFF  }
0x264: {  	_ =	strace $0x90000047  }
0x265: {  	s0 =	stileid.u32;
	[bflag:$0x2] =	sbarrier.arrive $0xFFFF  }
0x266: {  	p0 =	sne.s32 s0, $0x0;
	s0 =	rddreg [dreg:$0x6]  }
0x267: {  	s0 =	sadd.s32 @!p0 $0x100000, s0  }
0x268: {  	[sflag:s0] =	ssyncadd.tile.s32 @!p0 $0x1;
	_ =	shalt  }
.Lfunc_end2:
_tile_overlayer_lowered:
.L_overlay_start_2:
0x269: {  	(tag) =	ssettag $0x2  }
0x26a: {  	s0 =	rddreg [dreg:$0x0];
	s2 =	stileid.u32  }
0x26b: {  	s1 =	rddreg [dreg:$0x1];
	p0 =	sne.s32 s2, $0x0  }
0x26c: {  	s3 =	rddreg [dreg:$0x2];
	[bflag:$0x3] =	sbarrier.arrive $0xFFFF;
	s2 =	simm.s32 @!p0 $0x1C02  }
0x26d: {  	[timem:s3], [sflag:s2] =	dma.local @!p0 [hbm:s0], s1  }
0x26e: {  	s0 =	simm.s32 @!p0 $0x2  }
0x26f: {  	_ =	swait.ge @!p0 [sflag:s0], s1  }
0x270: {  	s1 =	ssub.s32 @!p0 $0x0, s1;
	[sflag:s0] =	ssyncset.done @!p0 $0x0  }
0x271: {  	[sflag:s0] =	ssyncadd.s32 @!p0 s1  }
0x272: {  	[bflag:$0x3] =	sbarrier.arrive $0xFFFF  }
0x273: {  	_ =	shalt  }

</sc_bundles>
